<compile_context>
chip_gen: v7x
topology: tpu7x:2x2x1
jax: 0.10.2.dev20260603
libtpu: 0.0.44.dev20260713+nightly
codegen_flags: <defaults>
</compile_context>

<pallas_src>
import functools

import jax
import jax.numpy as jnp
from jax import lax
from jax.experimental import pallas as pl
from jax.experimental.pallas import tpu as pltpu
from jax.experimental.pallas import tpu_sc as plsc

_NC = 2
_NS = 16
_NW = _NC * _NS
_L = 16


def _make_sc_sampler(P, C, CP, H, W, HWp, OPB, CH):
    assert P % (_NW * CH) == 0
    PW = P // _NW
    NCH = PW // CH
    assert NCH % 2 == 0
    assert OPB % PW == 0 or PW % OPB == 0
    mesh = plsc.VectorSubcoreMesh(core_axis_name="c", subcore_axis_name="s")

    rows_t = pltpu.VMEM((CH, CP), jnp.float32)
    wvec_t = pltpu.VMEM((CH,), jnp.float32)
    ivec_t = pltpu.VMEM((CH,), jnp.int32)

    @functools.partial(
        pl.kernel,
        out_type=jax.ShapeDtypeStruct((P, CP), jnp.float32),
        mesh=mesh,
        compiler_params=pltpu.CompilerParams(needs_layout_passes=False),
        scratch_types=[
            pltpu.VMEM((CH,), jnp.float32),
            pltpu.VMEM((CH,), jnp.float32),
            [wvec_t] * 8,
            [ivec_t] * 8,
            [rows_t] * 8,
            [pltpu.VMEM((CH, CP), jnp.float32)] * 2,
            [pltpu.SemaphoreType.DMA] * 4,
        ],
    )
    def sampler(table_hbm, gx_hbm, gy_hbm, out_hbm,
                gx_v, gy_v, w8, i8, r8, outs, sems):
        wid = lax.axis_index("s") * _NC + lax.axis_index("c")
        wsets = (w8[0:4], w8[4:8])
        isets = (i8[0:4], i8[4:8])
        rsets = (r8[0:4], r8[4:8])
        gsems = (sems[0], sems[1])
        osems = (sems[2], sems[3])

        def chunk_base(i):
            return wid * PW + i * CH

        def prep(i, s):
            base = chunk_base(i)
            pltpu.sync_copy(gx_hbm.at[pl.ds(base, CH)], gx_v)
            pltpu.sync_copy(gy_hbm.at[pl.ds(base, CH)], gy_v)
            nbase = (base // OPB) * HWp
            wa_v, wb_v, wc_v, wd_v = wsets[s]
            ia_v, ib_v, ic_v, id_v = isets[s]
            for j in range(CH // _L):
                sl = pl.ds(j * _L, _L)
                x = (gx_v[sl] + 1.0) * ((W - 1) * 0.5)
                y = (gy_v[sl] + 1.0) * ((H - 1) * 0.5)
                xt = x.astype(jnp.int32)
                x0 = jnp.where(xt.astype(jnp.float32) > x, xt - 1, xt)
                yt = y.astype(jnp.int32)
                y0 = jnp.where(yt.astype(jnp.float32) > y, yt - 1, yt)
                fx = x - x0.astype(jnp.float32)
                fy = y - y0.astype(jnp.float32)
                x1 = x0 + 1
                y1 = y0 + 1
                vx0 = (x0 >= 0) & (x0 < W)
                vx1 = (x1 >= 0) & (x1 < W)
                vy0 = (y0 >= 0) & (y0 < H)
                vy1 = (y1 >= 0) & (y1 < H)
                gx1 = 1.0 - fx
                gy1 = 1.0 - fy
                zero = jnp.zeros_like(fx)
                wa_v[sl] = jnp.where(vx0 & vy0, gx1 * gy1, zero)
                wb_v[sl] = jnp.where(vx0 & vy1, gx1 * fy, zero)
                wc_v[sl] = jnp.where(vx1 & vy0, fx * gy1, zero)
                wd_v[sl] = jnp.where(vx1 & vy1, fx * fy, zero)
                xc0 = jnp.clip(x0, 0, W - 1)
                xc1 = jnp.clip(x1, 0, W - 1)
                r0 = nbase + jnp.clip(y0, 0, H - 1) * W
                r1 = nbase + jnp.clip(y1, 0, H - 1) * W
                ia_v[sl] = r0 + xc0
                ib_v[sl] = r1 + xc0
                ic_v[sl] = r0 + xc1
                id_v[sl] = r1 + xc1

        def fire_gathers(s):
            for iv, rv in zip(isets[s], rsets[s]):
                pltpu.async_copy(table_hbm.at[iv], rv, gsems[s])

        def wait_gathers(s):
            for iv, rv in zip(isets[s], rsets[s]):
                pltpu.make_async_copy(table_hbm.at[iv], rv, gsems[s]).wait()

        def accumulate(s):
            wa_v, wb_v, wc_v, wd_v = wsets[s]
            ra_v, rb_v, rc_v, rd_v = rsets[s]
            out_v = outs[s]

            def row_body(r, carry):
                ridx = jnp.full((_L,), 0, jnp.int32) + r
                war = plsc.load_gather(wa_v, [ridx])
                wbr = plsc.load_gather(wb_v, [ridx])
                wcr = plsc.load_gather(wc_v, [ridx])
                wdr = plsc.load_gather(wd_v, [ridx])
                for k in range(C // _L):
                    s2 = pl.ds(k * _L, _L)
                    acc = war * ra_v[r, s2]
                    acc = acc + wbr * rb_v[r, s2]
                    acc = acc + wcr * rc_v[r, s2]
                    acc = acc + wdr * rd_v[r, s2]
                    out_v[r, s2] = acc
                return carry

            lax.fori_loop(0, CH, row_body, 0)

        def fire_store(i, s):
            pltpu.async_copy(outs[s], out_hbm.at[pl.ds(chunk_base(i), CH)],
                             osems[s])

        def wait_store(i, s):
            pltpu.make_async_copy(outs[s], out_hbm.at[pl.ds(chunk_base(i), CH)],
                                  osems[s]).wait()

        prep(0, 0)
        fire_gathers(0)

        def pair_body(tt, carry):
            i0 = 2 * tt
            prep(i0 + 1, 1)
            fire_gathers(1)
            wait_gathers(0)

            @pl.when(tt > 0)
            def _():
                wait_store(i0, 0)

            accumulate(0)
            fire_store(i0, 0)

            @pl.when(i0 + 2 < NCH)
            def _():
                prep(i0 + 2, 0)
                fire_gathers(0)

            wait_gathers(1)

            @pl.when(tt > 0)
            def _():
                wait_store(i0 + 1, 1)

            accumulate(1)
            fire_store(i0 + 1, 1)
            return carry

        lax.fori_loop(0, NCH // 2, pair_body, 0)
        wait_store(NCH - 2, 0)
        wait_store(NCH - 1, 1)

    return sampler


def kernel(tenInput, g):
    N, C, H, W = tenInput.shape
    Ho, Wo = g.shape[1], g.shape[2]
    P = N * Ho * Wo
    CP = 128
    tin = tenInput.transpose(0, 2, 3, 1)
    table = jnp.pad(tin, ((0, 0), (0, 0), (0, 0), (0, CP - C)))
    table = table.reshape(N * H * W, CP)
    gx = g[..., 0].reshape(P)
    gy = g[..., 1].reshape(P)
    sampler = _make_sc_sampler(P, C, CP, H, W, H * W, Ho * Wo, 64)
    out_flat = sampler(table, gx, gy)
    return out_flat.reshape(N, Ho, Wo, CP)[..., :C].transpose(0, 3, 1, 2)

# --- scband reference (transcript-rebuilt; emitter-appended) ---
"""Pipeline reference for scband-grid-sampler-32366873543224 (READ-ONLY COPY).

The authoritative reference and input builder live on the scoring server;
editing this copy changes nothing except your own understanding.
"""

import jax, jax.numpy as jnp
import numpy as np


def _grid_sample_bilinear_align_corners(tenInput, g):
    # Faithful jax translation of torch.nn.functional.grid_sample with
    # mode='bilinear', padding_mode='zeros', align_corners=True.
    N, C, H, W = tenInput.shape
    # grid last dim: (x, y) in [-1, 1]; align_corners=True mapping
    x = (g[..., 0] + 1.0) * (W - 1) / 2.0  # [N, Ho, Wo]
    y = (g[..., 1] + 1.0) * (H - 1) / 2.0
    x0 = jnp.floor(x)
    x1 = x0 + 1.0
    y0 = jnp.floor(y)
    y1 = y0 + 1.0
    wa = (x1 - x) * (y1 - y)  # weight for (y0, x0)
    wb = (x1 - x) * (y - y0)  # weight for (y1, x0)
    wc = (x - x0) * (y1 - y)  # weight for (y0, x1)
    wd = (x - x0) * (y - y0)  # weight for (y1, x1)

    def corner(inp_n, yi, xi):
        # zeros padding: out-of-bounds corners contribute 0
        mask = ((yi >= 0) & (yi < H) & (xi >= 0) & (xi < W)).astype(inp_n.dtype)
        yic = jnp.clip(yi, 0, H - 1).astype(jnp.int32)
        xic = jnp.clip(xi, 0, W - 1).astype(jnp.int32)
        vals = inp_n[:, yic, xic]  # gather -> [C, Ho, Wo]
        return vals * mask[None, :, :]

    def sample_one(inp_n, x0n, x1n, y0n, y1n, wan, wbn, wcn, wdn):
        va = corner(inp_n, y0n, x0n)
        vb = corner(inp_n, y1n, x0n)
        vc = corner(inp_n, y0n, x1n)
        vd = corner(inp_n, y1n, x1n)
        return (va * wan[None] + vb * wbn[None] + vc * wcn[None] + vd * wdn[None])

    return jax.vmap(sample_one)(tenInput, x0, x1, y0, y1, wa, wb, wc, wd)


def setup_inputs(seed: int = 0):
    key = jax.random.key(seed)
    k1, k2 = jax.random.split(key)
    tenInput = jax.random.normal(k1, (4, 96, 512, 512), dtype=jnp.float32)
    # sampling grid coordinates in [-1, 1] as grid_sample expects
    g = jax.random.uniform(k2, (4, 512, 512, 2), dtype=jnp.float32, minval=-1.0, maxval=1.0)
    return {"tenInput": tenInput, "g": g}


def reference(tenInput, g):
    return _grid_sample_bilinear_align_corners(tenInput, g)

if __name__ == "__main__":
    import jax
    _d = setup_inputs()
    print(jax.jit(kernel)(*tuple(_d.values())))

</pallas_src>

<mosaic_0001>
#map = affine_map<(d0, d1) -> (0, 0)>
#map1 = affine_map<(d0, d1) -> (0)>
module attributes {stable_mosaic.version = 14 : i64} {
  func.func @sampler(%arg0: i32, %arg1: i32, %arg2: memref<1048576x128xf32, #tpu.memory_space<hbm>>, %arg3: memref<1048576xf32, #tpu.memory_space<hbm>>, %arg4: memref<1048576xf32, #tpu.memory_space<hbm>>, %arg5: memref<1048576x128xf32, #tpu.memory_space<hbm>>, %arg6: memref<64xf32, #tpu.memory_space<vmem>>, %arg7: memref<64xf32, #tpu.memory_space<vmem>>, %arg8: memref<64xf32, #tpu.memory_space<vmem>>, %arg9: memref<64xf32, #tpu.memory_space<vmem>>, %arg10: memref<64xf32, #tpu.memory_space<vmem>>, %arg11: memref<64xf32, #tpu.memory_space<vmem>>, %arg12: memref<64xf32, #tpu.memory_space<vmem>>, %arg13: memref<64xf32, #tpu.memory_space<vmem>>, %arg14: memref<64xf32, #tpu.memory_space<vmem>>, %arg15: memref<64xf32, #tpu.memory_space<vmem>>, %arg16: memref<64xi32, #tpu.memory_space<vmem>>, %arg17: memref<64xi32, #tpu.memory_space<vmem>>, %arg18: memref<64xi32, #tpu.memory_space<vmem>>, %arg19: memref<64xi32, #tpu.memory_space<vmem>>, %arg20: memref<64xi32, #tpu.memory_space<vmem>>, %arg21: memref<64xi32, #tpu.memory_space<vmem>>, %arg22: memref<64xi32, #tpu.memory_space<vmem>>, %arg23: memref<64xi32, #tpu.memory_space<vmem>>, %arg24: memref<64x128xf32, #tpu.memory_space<vmem>>, %arg25: memref<64x128xf32, #tpu.memory_space<vmem>>, %arg26: memref<64x128xf32, #tpu.memory_space<vmem>>, %arg27: memref<64x128xf32, #tpu.memory_space<vmem>>, %arg28: memref<64x128xf32, #tpu.memory_space<vmem>>, %arg29: memref<64x128xf32, #tpu.memory_space<vmem>>, %arg30: memref<64x128xf32, #tpu.memory_space<vmem>>, %arg31: memref<64x128xf32, #tpu.memory_space<vmem>>, %arg32: memref<64x128xf32, #tpu.memory_space<vmem>>, %arg33: memref<64x128xf32, #tpu.memory_space<vmem>>, %arg34: memref<!tpu.dma_semaphore, #tpu.memory_space<semaphore_mem>>, %arg35: memref<!tpu.dma_semaphore, #tpu.memory_space<semaphore_mem>>, %arg36: memref<!tpu.dma_semaphore, #tpu.memory_space<semaphore_mem>>, %arg37: memref<!tpu.dma_semaphore, #tpu.memory_space<semaphore_mem>>) attributes {dimension_semantics = [#tpu.dimension_semantics<core_parallel>, #tpu.dimension_semantics<subcore_parallel>], iteration_bounds = array<i64: 2, 16>, scalar_prefetch = 0 : i64, scratch_operands = 32 : i64, tpu.core_type = #tpu.core_type<sc_vector_subcore>, window_params = [{transform_indices = #map}, {transform_indices = #map1}, {transform_indices = #map1}, {transform_indices = #map}]} {
    %mul3A = arith.constant 2 : i32
    %mul3A_0 = arith.muli %arg1, %mul3A : i32
    %add3A = arith.addi %mul3A_0, %arg0 : i32
    %mul3A_1 = arith.constant 32768 : i32
    %mul3A_2 = arith.muli %add3A, %mul3A_1 : i32
    %add3A_3 = arith.constant 0 : i32
    %add3A_4 = arith.addi %mul3A_2, %add3A_3 : i32
    "tpu.region"() ({
      %run_scoped3A = tpu.sem_alloc : memref<!tpu.dma_semaphore, #tpu.memory_space<semaphore_mem>>
      %dma_start3A_613 = tpu.memref_slice %arg3[%add3A_4] : memref<1048576xf32, #tpu.memory_space<hbm>> -> memref<64xf32, #tpu.memory_space<hbm>>
      %dma_start3A_614 = tpu.memref_slice %arg3[%add3A_4] : memref<1048576xf32, #tpu.memory_space<hbm>> -> memref<64xf32, #tpu.memory_space<hbm>>
      tpu.enqueue_dma source(%dma_start3A_614 : memref<64xf32, #tpu.memory_space<hbm>>) target(%arg6 : memref<64xf32, #tpu.memory_space<vmem>>) target_semaphore(%run_scoped3A : memref<!tpu.dma_semaphore, #tpu.memory_space<semaphore_mem>>)
      %dma_wait3A_615 = tpu.memref_slice %arg3[%add3A_4] : memref<1048576xf32, #tpu.memory_space<hbm>> -> memref<64xf32, #tpu.memory_space<hbm>>
      %dma_wait3A_616 = tpu.memref_slice %arg3[%add3A_4] : memref<1048576xf32, #tpu.memory_space<hbm>> -> memref<64xf32, #tpu.memory_space<hbm>>
      tpu.wait_dma2 semaphore(%run_scoped3A : memref<!tpu.dma_semaphore, #tpu.memory_space<semaphore_mem>>) src(%dma_wait3A_616 : memref<64xf32, #tpu.memory_space<hbm>>) dst(%arg6 : memref<64xf32, #tpu.memory_space<vmem>>)
      tpu.yield
    }) : () -> ()
    "tpu.region"() ({
      %run_scoped3A = tpu.sem_alloc : memref<!tpu.dma_semaphore, #tpu.memory_space<semaphore_mem>>
      %dma_start3A_613 = tpu.memref_slice %arg4[%add3A_4] : memref<1048576xf32, #tpu.memory_space<hbm>> -> memref<64xf32, #tpu.memory_space<hbm>>
      %dma_start3A_614 = tpu.memref_slice %arg4[%add3A_4] : memref<1048576xf32, #tpu.memory_space<hbm>> -> memref<64xf32, #tpu.memory_space<hbm>>
      tpu.enqueue_dma source(%dma_start3A_614 : memref<64xf32, #tpu.memory_space<hbm>>) target(%arg7 : memref<64xf32, #tpu.memory_space<vmem>>) target_semaphore(%run_scoped3A : memref<!tpu.dma_semaphore, #tpu.memory_space<semaphore_mem>>)
      %dma_wait3A_615 = tpu.memref_slice %arg4[%add3A_4] : memref<1048576xf32, #tpu.memory_space<hbm>> -> memref<64xf32, #tpu.memory_space<hbm>>
      %dma_wait3A_616 = tpu.memref_slice %arg4[%add3A_4] : memref<1048576xf32, #tpu.memory_space<hbm>> -> memref<64xf32, #tpu.memory_space<hbm>>
      tpu.wait_dma2 semaphore(%run_scoped3A : memref<!tpu.dma_semaphore, #tpu.memory_space<semaphore_mem>>) src(%dma_wait3A_616 : memref<64xf32, #tpu.memory_space<hbm>>) dst(%arg7 : memref<64xf32, #tpu.memory_space<vmem>>)
      tpu.yield
    }) : () -> ()
    %jit3A = arith.constant 262144 : i32
    %div3A = arith.divsi %add3A_4, %jit3A : i32
    %sign3A = arith.constant 0 : i32
    %sign3A_5 = arith.cmpi sgt, %add3A_4, %sign3A : i32
    %sign3A_6 = arith.extui %sign3A_5 : i1 to i32
    %sign3A_7 = arith.constant 0 : i32
    %sign3A_8 = arith.cmpi slt, %add3A_4, %sign3A_7 : i32
    %sign3A_9 = arith.extui %sign3A_8 : i1 to i32
    %sign3A_10 = arith.subi %sign3A_6, %sign3A_9 : i32
    %sign3A_11 = arith.constant 0 : i32
    %sign3A_12 = arith.cmpi sgt, %jit3A, %sign3A_11 : i32
    %sign3A_13 = arith.extui %sign3A_12 : i1 to i32
    %sign3A_14 = arith.constant 0 : i32
    %sign3A_15 = arith.cmpi slt, %jit3A, %sign3A_14 : i32
    %sign3A_16 = arith.extui %sign3A_15 : i1 to i32
    %sign3A_17 = arith.subi %sign3A_13, %sign3A_16 : i32
    %ne3A = arith.cmpi ne, %sign3A_10, %sign3A_17 : i32
    %rem3A = arith.remsi %add3A_4, %jit3A : i32
    %ne3A_18 = arith.constant 0 : i32
    %ne3A_19 = arith.cmpi ne, %rem3A, %ne3A_18 : i32
    %and3A = arith.andi %ne3A, %ne3A_19 : i1
    %sub3A = arith.constant 1 : i32
    %sub3A_20 = arith.subi %div3A, %sub3A : i32
    %select_n3A = arith.select %and3A, %sub3A_20, %div3A : i32
    %mul3A_21 = arith.constant 262144 : i32
    %mul3A_22 = arith.muli %select_n3A, %mul3A_21 : i32
    %get3A = arith.constant 0 : index
    %get3A_23 = tpu.vector_load %arg6[%get3A] {strides = array<i32>} : memref<64xf32, #tpu.memory_space<vmem>>, vector<16xf32>,
    %add3A_24 = arith.constant 1.000000e+00 : f32
    %add3A_25 = vector.broadcast %add3A_24 : f32 to vector<16xf32>
    %add3A_26 = arith.addf %get3A_23, %add3A_25 : vector<16xf32>
    %mul3A_27 = arith.constant 2.555000e+02 : f32
    %mul3A_28 = vector.broadcast %mul3A_27 : f32 to vector<16xf32>
    %mul3A_29 = arith.mulf %add3A_26, %mul3A_28 : vector<16xf32>
    %get3A_30 = arith.constant 0 : index
    %get3A_31 = tpu.vector_load %arg7[%get3A_30] {strides = array<i32>} : memref<64xf32, #tpu.memory_space<vmem>>, vector<16xf32>,
    %add3A_32 = arith.constant 1.000000e+00 : f32
    %add3A_33 = vector.broadcast %add3A_32 : f32 to vector<16xf32>
    %add3A_34 = arith.addf %get3A_31, %add3A_33 : vector<16xf32>
    %mul3A_35 = arith.constant 2.555000e+02 : f32
    %mul3A_36 = vector.broadcast %mul3A_35 : f32 to vector<16xf32>
    %mul3A_37 = arith.mulf %add3A_34, %mul3A_36 : vector<16xf32>
    %convert_element_type3A = arith.fptosi %mul3A_29 : vector<16xf32> to vector<16xi32>
    %convert_element_type3A_38 = arith.sitofp %convert_element_type3A : vector<16xi32> to vector<16xf32>
    %gt3A = arith.cmpf ogt, %convert_element_type3A_38, %mul3A_29 : vector<16xf32>
    %sub3A_39 = arith.constant 1 : i32
    %sub3A_40 = vector.broadcast %sub3A_39 : i32 to vector<16xi32>
    %sub3A_41 = arith.subi %convert_element_type3A, %sub3A_40 : vector<16xi32>
    %select_n3A_42 = arith.select %gt3A, %sub3A_41, %convert_element_type3A : vector<16xi1>, vector<16xi32>
    %convert_element_type3A_43 = arith.fptosi %mul3A_37 : vector<16xf32> to vector<16xi32>
    %convert_element_type3A_44 = arith.sitofp %convert_element_type3A_43 : vector<16xi32> to vector<16xf32>
    %gt3A_45 = arith.cmpf ogt, %convert_element_type3A_44, %mul3A_37 : vector<16xf32>
    %sub3A_46 = arith.constant 1 : i32
    %sub3A_47 = vector.broadcast %sub3A_46 : i32 to vector<16xi32>
    %sub3A_48 = arith.subi %convert_element_type3A_43, %sub3A_47 : vector<16xi32>
    %select_n3A_49 = arith.select %gt3A_45, %sub3A_48, %convert_element_type3A_43 : vector<16xi1>, vector<16xi32>
    %convert_element_type3A_50 = arith.sitofp %select_n3A_42 : vector<16xi32> to vector<16xf32>
    %sub3A_51 = arith.subf %mul3A_29, %convert_element_type3A_50 : vector<16xf32>
    %convert_element_type3A_52 = arith.sitofp %select_n3A_49 : vector<16xi32> to vector<16xf32>
    %sub3A_53 = arith.subf %mul3A_37, %convert_element_type3A_52 : vector<16xf32>
    %add3A_54 = arith.constant 1 : i32
    %add3A_55 = vector.broadcast %add3A_54 : i32 to vector<16xi32>
    %add3A_56 = arith.addi %select_n3A_42, %add3A_55 : vector<16xi32>
    %add3A_57 = arith.constant 1 : i32
    %add3A_58 = vector.broadcast %add3A_57 : i32 to vector<16xi32>
    %add3A_59 = arith.addi %select_n3A_49, %add3A_58 : vector<16xi32>
    %ge3A = arith.constant 0 : i32
    %ge3A_60 = vector.broadcast %ge3A : i32 to vector<16xi32>
    %ge3A_61 = arith.cmpi sge, %select_n3A_42, %ge3A_60 : vector<16xi32>
    %lt3A = arith.constant 512 : i32
    %lt3A_62 = vector.broadcast %lt3A : i32 to vector<16xi32>
    %lt3A_63 = arith.cmpi slt, %select_n3A_42, %lt3A_62 : vector<16xi32>
    %and3A_64 = arith.andi %ge3A_61, %lt3A_63 : vector<16xi1>
    %ge3A_65 = arith.constant 0 : i32
    %ge3A_66 = vector.broadcast %ge3A_65 : i32 to vector<16xi32>
    %ge3A_67 = arith.cmpi sge, %add3A_56, %ge3A_66 : vector<16xi32>
    %lt3A_68 = arith.constant 512 : i32
    %lt3A_69 = vector.broadcast %lt3A_68 : i32 to vector<16xi32>
    %lt3A_70 = arith.cmpi slt, %add3A_56, %lt3A_69 : vector<16xi32>
    %and3A_71 = arith.andi %ge3A_67, %lt3A_70 : vector<16xi1>
    %ge3A_72 = arith.constant 0 : i32
    %ge3A_73 = vector.broadcast %ge3A_72 : i32 to vector<16xi32>
    %ge3A_74 = arith.cmpi sge, %select_n3A_49, %ge3A_73 : vector<16xi32>
    %lt3A_75 = arith.constant 512 : i32
    %lt3A_76 = vector.broadcast %lt3A_75 : i32 to vector<16xi32>
    %lt3A_77 = arith.cmpi slt, %select_n3A_49, %lt3A_76 : vector<16xi32>
    %and3A_78 = arith.andi %ge3A_74, %lt3A_77 : vector<16xi1>
    %ge3A_79 = arith.constant 0 : i32
    %ge3A_80 = vector.broadcast %ge3A_79 : i32 to vector<16xi32>
    %ge3A_81 = arith.cmpi sge, %add3A_59, %ge3A_80 : vector<16xi32>
    %lt3A_82 = arith.constant 512 : i32
    %lt3A_83 = vector.broadcast %lt3A_82 : i32 to vector<16xi32>
    %lt3A_84 = arith.cmpi slt, %add3A_59, %lt3A_83 : vector<16xi32>
    %and3A_85 = arith.andi %ge3A_81, %lt3A_84 : vector<16xi1>
    %sub3A_86 = arith.constant 1.000000e+00 : f32
    %sub3A_87 = vector.broadcast %sub3A_86 : f32 to vector<16xf32>
    %sub3A_88 = arith.subf %sub3A_87, %sub3A_51 : vector<16xf32>
    %sub3A_89 = arith.constant 1.000000e+00 : f32
    %sub3A_90 = vector.broadcast %sub3A_89 : f32 to vector<16xf32>
    %sub3A_91 = arith.subf %sub3A_90, %sub3A_53 : vector<16xf32>
    %broadcast_in_dim3A = arith.constant 0.000000e+00 : f32
    %broadcast_in_dim3A_92 = vector.broadcast %broadcast_in_dim3A : f32 to vector<16xf32>
    %and3A_93 = arith.andi %and3A_64, %and3A_78 : vector<16xi1>
    %mul3A_94 = arith.mulf %sub3A_88, %sub3A_91 : vector<16xf32>
    %select_n3A_95 = arith.select %and3A_93, %mul3A_94, %broadcast_in_dim3A_92 : vector<16xi1>, vector<16xf32>
    %swap3A = arith.constant 0 : index
    %swap3A_96 = tpu.vector_load %arg8[%swap3A] {strides = array<i32>} : memref<64xf32, #tpu.memory_space<vmem>>, vector<16xf32>,
    tpu.vector_store %arg8[%swap3A], %select_n3A_95 {strides = array<i32>} : memref<64xf32, #tpu.memory_space<vmem>>, vector<16xf32>,
    %and3A_97 = arith.andi %and3A_64, %and3A_85 : vector<16xi1>
    %mul3A_98 = arith.mulf %sub3A_88, %sub3A_53 : vector<16xf32>
    %select_n3A_99 = arith.select %and3A_97, %mul3A_98, %broadcast_in_dim3A_92 : vector<16xi1>, vector<16xf32>
    %swap3A_100 = arith.constant 0 : index
    %swap3A_101 = tpu.vector_load %arg9[%swap3A_100] {strides = array<i32>} : memref<64xf32, #tpu.memory_space<vmem>>, vector<16xf32>,
    tpu.vector_store %arg9[%swap3A_100], %select_n3A_99 {strides = array<i32>} : memref<64xf32, #tpu.memory_space<vmem>>, vector<16xf32>,
    %and3A_102 = arith.andi %and3A_71, %and3A_78 : vector<16xi1>
    %mul3A_103 = arith.mulf %sub3A_51, %sub3A_91 : vector<16xf32>
    %select_n3A_104 = arith.select %and3A_102, %mul3A_103, %broadcast_in_dim3A_92 : vector<16xi1>, vector<16xf32>
    %swap3A_105 = arith.constant 0 : index
    %swap3A_106 = tpu.vector_load %arg10[%swap3A_105] {strides = array<i32>} : memref<64xf32, #tpu.memory_space<vmem>>, vector<16xf32>,
    tpu.vector_store %arg10[%swap3A_105], %select_n3A_104 {strides = array<i32>} : memref<64xf32, #tpu.memory_space<vmem>>, vector<16xf32>,
    %and3A_107 = arith.andi %and3A_71, %and3A_85 : vector<16xi1>
    %mul3A_108 = arith.mulf %sub3A_51, %sub3A_53 : vector<16xf32>
    %select_n3A_109 = arith.select %and3A_107, %mul3A_108, %broadcast_in_dim3A_92 : vector<16xi1>, vector<16xf32>
    %swap3A_110 = arith.constant 0 : index
    %swap3A_111 = tpu.vector_load %arg11[%swap3A_110] {strides = array<i32>} : memref<64xf32, #tpu.memory_space<vmem>>, vector<16xf32>,
    tpu.vector_store %arg11[%swap3A_110], %select_n3A_109 {strides = array<i32>} : memref<64xf32, #tpu.memory_space<vmem>>, vector<16xf32>,
    %jit3A_112 = arith.constant 0 : i32
    %jit3A_113 = arith.constant 511 : i32
    %max3A = vector.broadcast %jit3A_112 : i32 to vector<16xi32>
    %max3A_114 = arith.maxsi %max3A, %select_n3A_42 : vector<16xi32>
    %min3A = vector.broadcast %jit3A_113 : i32 to vector<16xi32>
    %min3A_115 = arith.minsi %min3A, %max3A_114 : vector<16xi32>
    %jit3A_116 = arith.constant 0 : i32
    %jit3A_117 = arith.constant 511 : i32
    %max3A_118 = vector.broadcast %jit3A_116 : i32 to vector<16xi32>
    %max3A_119 = arith.maxsi %max3A_118, %add3A_56 : vector<16xi32>
    %min3A_120 = vector.broadcast %jit3A_117 : i32 to vector<16xi32>
    %min3A_121 = arith.minsi %min3A_120, %max3A_119 : vector<16xi32>
    %jit3A_122 = arith.constant 0 : i32
    %jit3A_123 = arith.constant 511 : i32
    %max3A_124 = vector.broadcast %jit3A_122 : i32 to vector<16xi32>
    %max3A_125 = arith.maxsi %max3A_124, %select_n3A_49 : vector<16xi32>
    %min3A_126 = vector.broadcast %jit3A_123 : i32 to vector<16xi32>
    %min3A_127 = arith.minsi %min3A_126, %max3A_125 : vector<16xi32>
    %mul3A_128 = arith.constant 512 : i32
    %mul3A_129 = vector.broadcast %mul3A_128 : i32 to vector<16xi32>
    %mul3A_130 = arith.muli %min3A_127, %mul3A_129 : vector<16xi32>
    %add3A_131 = vector.broadcast %mul3A_22 : i32 to vector<16xi32>
    %add3A_132 = arith.addi %add3A_131, %mul3A_130 : vector<16xi32>
    %jit3A_133 = arith.constant 0 : i32
    %jit3A_134 = arith.constant 511 : i32
    %max3A_135 = vector.broadcast %jit3A_133 : i32 to vector<16xi32>
    %max3A_136 = arith.maxsi %max3A_135, %add3A_59 : vector<16xi32>
    %min3A_137 = vector.broadcast %jit3A_134 : i32 to vector<16xi32>
    %min3A_138 = arith.minsi %min3A_137, %max3A_136 : vector<16xi32>
    %mul3A_139 = arith.constant 512 : i32
    %mul3A_140 = vector.broadcast %mul3A_139 : i32 to vector<16xi32>
    %mul3A_141 = arith.muli %min3A_138, %mul3A_140 : vector<16xi32>
    %add3A_142 = vector.broadcast %mul3A_22 : i32 to vector<16xi32>
    %add3A_143 = arith.addi %add3A_142, %mul3A_141 : vector<16xi32>
    %add3A_144 = arith.addi %add3A_132, %min3A_115 : vector<16xi32>
    %swap3A_145 = arith.constant 0 : index
    %swap3A_146 = tpu.vector_load %arg16[%swap3A_145] {strides = array<i32>} : memref<64xi32, #tpu.memory_space<vmem>>, vector<16xi32>,
    tpu.vector_store %arg16[%swap3A_145], %add3A_144 {strides = array<i32>} : memref<64xi32, #tpu.memory_space<vmem>>, vector<16xi32>,
    %add3A_147 = arith.addi %add3A_143, %min3A_115 : vector<16xi32>
    %swap3A_148 = arith.constant 0 : index
    %swap3A_149 = tpu.vector_load %arg17[%swap3A_148] {strides = array<i32>} : memref<64xi32, #tpu.memory_space<vmem>>, vector<16xi32>,
    tpu.vector_store %arg17[%swap3A_148], %add3A_147 {strides = array<i32>} : memref<64xi32, #tpu.memory_space<vmem>>, vector<16xi32>,
    %add3A_150 = arith.addi %add3A_132, %min3A_121 : vector<16xi32>
    %swap3A_151 = arith.constant 0 : index
    %swap3A_152 = tpu.vector_load %arg18[%swap3A_151] {strides = array<i32>} : memref<64xi32, #tpu.memory_space<vmem>>, vector<16xi32>,
    tpu.vector_store %arg18[%swap3A_151], %add3A_150 {strides = array<i32>} : memref<64xi32, #tpu.memory_space<vmem>>, vector<16xi32>,
    %add3A_153 = arith.addi %add3A_143, %min3A_121 : vector<16xi32>
    %swap3A_154 = arith.constant 0 : index
    %swap3A_155 = tpu.vector_load %arg19[%swap3A_154] {strides = array<i32>} : memref<64xi32, #tpu.memory_space<vmem>>, vector<16xi32>,
    tpu.vector_store %arg19[%swap3A_154], %add3A_153 {strides = array<i32>} : memref<64xi32, #tpu.memory_space<vmem>>, vector<16xi32>,
    %get3A_156 = arith.constant 16 : index
    %get3A_157 = tpu.vector_load %arg6[%get3A_156] {strides = array<i32>} : memref<64xf32, #tpu.memory_space<vmem>>, vector<16xf32>,
    %add3A_158 = arith.constant 1.000000e+00 : f32
    %add3A_159 = vector.broadcast %add3A_158 : f32 to vector<16xf32>
    %add3A_160 = arith.addf %get3A_157, %add3A_159 : vector<16xf32>
    %mul3A_161 = arith.constant 2.555000e+02 : f32
    %mul3A_162 = vector.broadcast %mul3A_161 : f32 to vector<16xf32>
    %mul3A_163 = arith.mulf %add3A_160, %mul3A_162 : vector<16xf32>
    %get3A_164 = arith.constant 16 : index
    %get3A_165 = tpu.vector_load %arg7[%get3A_164] {strides = array<i32>} : memref<64xf32, #tpu.memory_space<vmem>>, vector<16xf32>,
    %add3A_166 = arith.constant 1.000000e+00 : f32
    %add3A_167 = vector.broadcast %add3A_166 : f32 to vector<16xf32>
    %add3A_168 = arith.addf %get3A_165, %add3A_167 : vector<16xf32>
    %mul3A_169 = arith.constant 2.555000e+02 : f32
    %mul3A_170 = vector.broadcast %mul3A_169 : f32 to vector<16xf32>
    %mul3A_171 = arith.mulf %add3A_168, %mul3A_170 : vector<16xf32>
    %convert_element_type3A_172 = arith.fptosi %mul3A_163 : vector<16xf32> to vector<16xi32>
    %convert_element_type3A_173 = arith.sitofp %convert_element_type3A_172 : vector<16xi32> to vector<16xf32>
    %gt3A_174 = arith.cmpf ogt, %convert_element_type3A_173, %mul3A_163 : vector<16xf32>
    %sub3A_175 = arith.constant 1 : i32
    %sub3A_176 = vector.broadcast %sub3A_175 : i32 to vector<16xi32>
    %sub3A_177 = arith.subi %convert_element_type3A_172, %sub3A_176 : vector<16xi32>
    %select_n3A_178 = arith.select %gt3A_174, %sub3A_177, %convert_element_type3A_172 : vector<16xi1>, vector<16xi32>
    %convert_element_type3A_179 = arith.fptosi %mul3A_171 : vector<16xf32> to vector<16xi32>
    %convert_element_type3A_180 = arith.sitofp %convert_element_type3A_179 : vector<16xi32> to vector<16xf32>
    %gt3A_181 = arith.cmpf ogt, %convert_element_type3A_180, %mul3A_171 : vector<16xf32>
    %sub3A_182 = arith.constant 1 : i32
    %sub3A_183 = vector.broadcast %sub3A_182 : i32 to vector<16xi32>
    %sub3A_184 = arith.subi %convert_element_type3A_179, %sub3A_183 : vector<16xi32>
    %select_n3A_185 = arith.select %gt3A_181, %sub3A_184, %convert_element_type3A_179 : vector<16xi1>, vector<16xi32>
    %convert_element_type3A_186 = arith.sitofp %select_n3A_178 : vector<16xi32> to vector<16xf32>
    %sub3A_187 = arith.subf %mul3A_163, %convert_element_type3A_186 : vector<16xf32>
    %convert_element_type3A_188 = arith.sitofp %select_n3A_185 : vector<16xi32> to vector<16xf32>
    %sub3A_189 = arith.subf %mul3A_171, %convert_element_type3A_188 : vector<16xf32>
    %add3A_190 = arith.constant 1 : i32
    %add3A_191 = vector.broadcast %add3A_190 : i32 to vector<16xi32>
    %add3A_192 = arith.addi %select_n3A_178, %add3A_191 : vector<16xi32>
    %add3A_193 = arith.constant 1 : i32
    %add3A_194 = vector.broadcast %add3A_193 : i32 to vector<16xi32>
    %add3A_195 = arith.addi %select_n3A_185, %add3A_194 : vector<16xi32>
    %ge3A_196 = arith.constant 0 : i32
    %ge3A_197 = vector.broadcast %ge3A_196 : i32 to vector<16xi32>
    %ge3A_198 = arith.cmpi sge, %select_n3A_178, %ge3A_197 : vector<16xi32>
    %lt3A_199 = arith.constant 512 : i32
    %lt3A_200 = vector.broadcast %lt3A_199 : i32 to vector<16xi32>
    %lt3A_201 = arith.cmpi slt, %select_n3A_178, %lt3A_200 : vector<16xi32>
    %and3A_202 = arith.andi %ge3A_198, %lt3A_201 : vector<16xi1>
    %ge3A_203 = arith.constant 0 : i32
    %ge3A_204 = vector.broadcast %ge3A_203 : i32 to vector<16xi32>
    %ge3A_205 = arith.cmpi sge, %add3A_192, %ge3A_204 : vector<16xi32>
    %lt3A_206 = arith.constant 512 : i32
    %lt3A_207 = vector.broadcast %lt3A_206 : i32 to vector<16xi32>
    %lt3A_208 = arith.cmpi slt, %add3A_192, %lt3A_207 : vector<16xi32>
    %and3A_209 = arith.andi %ge3A_205, %lt3A_208 : vector<16xi1>
    %ge3A_210 = arith.constant 0 : i32
    %ge3A_211 = vector.broadcast %ge3A_210 : i32 to vector<16xi32>
    %ge3A_212 = arith.cmpi sge, %select_n3A_185, %ge3A_211 : vector<16xi32>
    %lt3A_213 = arith.constant 512 : i32
    %lt3A_214 = vector.broadcast %lt3A_213 : i32 to vector<16xi32>
    %lt3A_215 = arith.cmpi slt, %select_n3A_185, %lt3A_214 : vector<16xi32>
    %and3A_216 = arith.andi %ge3A_212, %lt3A_215 : vector<16xi1>
    %ge3A_217 = arith.constant 0 : i32
    %ge3A_218 = vector.broadcast %ge3A_217 : i32 to vector<16xi32>
    %ge3A_219 = arith.cmpi sge, %add3A_195, %ge3A_218 : vector<16xi32>
    %lt3A_220 = arith.constant 512 : i32
    %lt3A_221 = vector.broadcast %lt3A_220 : i32 to vector<16xi32>
    %lt3A_222 = arith.cmpi slt, %add3A_195, %lt3A_221 : vector<16xi32>
    %and3A_223 = arith.andi %ge3A_219, %lt3A_222 : vector<16xi1>
    %sub3A_224 = arith.constant 1.000000e+00 : f32
    %sub3A_225 = vector.broadcast %sub3A_224 : f32 to vector<16xf32>
    %sub3A_226 = arith.subf %sub3A_225, %sub3A_187 : vector<16xf32>
    %sub3A_227 = arith.constant 1.000000e+00 : f32
    %sub3A_228 = vector.broadcast %sub3A_227 : f32 to vector<16xf32>
    %sub3A_229 = arith.subf %sub3A_228, %sub3A_189 : vector<16xf32>
    %broadcast_in_dim3A_230 = arith.constant 0.000000e+00 : f32
    %broadcast_in_dim3A_231 = vector.broadcast %broadcast_in_dim3A_230 : f32 to vector<16xf32>
    %and3A_232 = arith.andi %and3A_202, %and3A_216 : vector<16xi1>
    %mul3A_233 = arith.mulf %sub3A_226, %sub3A_229 : vector<16xf32>
    %select_n3A_234 = arith.select %and3A_232, %mul3A_233, %broadcast_in_dim3A_231 : vector<16xi1>, vector<16xf32>
    %swap3A_235 = arith.constant 16 : index
    %swap3A_236 = tpu.vector_load %arg8[%swap3A_235] {strides = array<i32>} : memref<64xf32, #tpu.memory_space<vmem>>, vector<16xf32>,
    tpu.vector_store %arg8[%swap3A_235], %select_n3A_234 {strides = array<i32>} : memref<64xf32, #tpu.memory_space<vmem>>, vector<16xf32>,
    %and3A_237 = arith.andi %and3A_202, %and3A_223 : vector<16xi1>
    %mul3A_238 = arith.mulf %sub3A_226, %sub3A_189 : vector<16xf32>
    %select_n3A_239 = arith.select %and3A_237, %mul3A_238, %broadcast_in_dim3A_231 : vector<16xi1>, vector<16xf32>
    %swap3A_240 = arith.constant 16 : index
    %swap3A_241 = tpu.vector_load %arg9[%swap3A_240] {strides = array<i32>} : memref<64xf32, #tpu.memory_space<vmem>>, vector<16xf32>,
    tpu.vector_store %arg9[%swap3A_240], %select_n3A_239 {strides = array<i32>} : memref<64xf32, #tpu.memory_space<vmem>>, vector<16xf32>,
    %and3A_242 = arith.andi %and3A_209, %and3A_216 : vector<16xi1>
    %mul3A_243 = arith.mulf %sub3A_187, %sub3A_229 : vector<16xf32>
    %select_n3A_244 = arith.select %and3A_242, %mul3A_243, %broadcast_in_dim3A_231 : vector<16xi1>, vector<16xf32>
    %swap3A_245 = arith.constant 16 : index
    %swap3A_246 = tpu.vector_load %arg10[%swap3A_245] {strides = array<i32>} : memref<64xf32, #tpu.memory_space<vmem>>, vector<16xf32>,
    tpu.vector_store %arg10[%swap3A_245], %select_n3A_244 {strides = array<i32>} : memref<64xf32, #tpu.memory_space<vmem>>, vector<16xf32>,
    %and3A_247 = arith.andi %and3A_209, %and3A_223 : vector<16xi1>
    %mul3A_248 = arith.mulf %sub3A_187, %sub3A_189 : vector<16xf32>
    %select_n3A_249 = arith.select %and3A_247, %mul3A_248, %broadcast_in_dim3A_231 : vector<16xi1>, vector<16xf32>
    %swap3A_250 = arith.constant 16 : index
    %swap3A_251 = tpu.vector_load %arg11[%swap3A_250] {strides = array<i32>} : memref<64xf32, #tpu.memory_space<vmem>>, vector<16xf32>,
    tpu.vector_store %arg11[%swap3A_250], %select_n3A_249 {strides = array<i32>} : memref<64xf32, #tpu.memory_space<vmem>>, vector<16xf32>,
    %jit3A_252 = arith.constant 0 : i32
    %jit3A_253 = arith.constant 511 : i32
    %max3A_254 = vector.broadcast %jit3A_252 : i32 to vector<16xi32>
    %max3A_255 = arith.maxsi %max3A_254, %select_n3A_178 : vector<16xi32>
    %min3A_256 = vector.broadcast %jit3A_253 : i32 to vector<16xi32>
    %min3A_257 = arith.minsi %min3A_256, %max3A_255 : vector<16xi32>
    %jit3A_258 = arith.constant 0 : i32
    %jit3A_259 = arith.constant 511 : i32
    %max3A_260 = vector.broadcast %jit3A_258 : i32 to vector<16xi32>
    %max3A_261 = arith.maxsi %max3A_260, %add3A_192 : vector<16xi32>
    %min3A_262 = vector.broadcast %jit3A_259 : i32 to vector<16xi32>
    %min3A_263 = arith.minsi %min3A_262, %max3A_261 : vector<16xi32>
    %jit3A_264 = arith.constant 0 : i32
    %jit3A_265 = arith.constant 511 : i32
    %max3A_266 = vector.broadcast %jit3A_264 : i32 to vector<16xi32>
    %max3A_267 = arith.maxsi %max3A_266, %select_n3A_185 : vector<16xi32>
    %min3A_268 = vector.broadcast %jit3A_265 : i32 to vector<16xi32>
    %min3A_269 = arith.minsi %min3A_268, %max3A_267 : vector<16xi32>
    %mul3A_270 = arith.constant 512 : i32
    %mul3A_271 = vector.broadcast %mul3A_270 : i32 to vector<16xi32>
    %mul3A_272 = arith.muli %min3A_269, %mul3A_271 : vector<16xi32>
    %add3A_273 = vector.broadcast %mul3A_22 : i32 to vector<16xi32>
    %add3A_274 = arith.addi %add3A_273, %mul3A_272 : vector<16xi32>
    %jit3A_275 = arith.constant 0 : i32
    %jit3A_276 = arith.constant 511 : i32
    %max3A_277 = vector.broadcast %jit3A_275 : i32 to vector<16xi32>
    %max3A_278 = arith.maxsi %max3A_277, %add3A_195 : vector<16xi32>
    %min3A_279 = vector.broadcast %jit3A_276 : i32 to vector<16xi32>
    %min3A_280 = arith.minsi %min3A_279, %max3A_278 : vector<16xi32>
    %mul3A_281 = arith.constant 512 : i32
    %mul3A_282 = vector.broadcast %mul3A_281 : i32 to vector<16xi32>
    %mul3A_283 = arith.muli %min3A_280, %mul3A_282 : vector<16xi32>
    %add3A_284 = vector.broadcast %mul3A_22 : i32 to vector<16xi32>
    %add3A_285 = arith.addi %add3A_284, %mul3A_283 : vector<16xi32>
    %add3A_286 = arith.addi %add3A_274, %min3A_257 : vector<16xi32>
    %swap3A_287 = arith.constant 16 : index
    %swap3A_288 = tpu.vector_load %arg16[%swap3A_287] {strides = array<i32>} : memref<64xi32, #tpu.memory_space<vmem>>, vector<16xi32>,
    tpu.vector_store %arg16[%swap3A_287], %add3A_286 {strides = array<i32>} : memref<64xi32, #tpu.memory_space<vmem>>, vector<16xi32>,
    %add3A_289 = arith.addi %add3A_285, %min3A_257 : vector<16xi32>
    %swap3A_290 = arith.constant 16 : index
    %swap3A_291 = tpu.vector_load %arg17[%swap3A_290] {strides = array<i32>} : memref<64xi32, #tpu.memory_space<vmem>>, vector<16xi32>,
    tpu.vector_store %arg17[%swap3A_290], %add3A_289 {strides = array<i32>} : memref<64xi32, #tpu.memory_space<vmem>>, vector<16xi32>,
    %add3A_292 = arith.addi %add3A_274, %min3A_263 : vector<16xi32>
    %swap3A_293 = arith.constant 16 : index
    %swap3A_294 = tpu.vector_load %arg18[%swap3A_293] {strides = array<i32>} : memref<64xi32, #tpu.memory_space<vmem>>, vector<16xi32>,
    tpu.vector_store %arg18[%swap3A_293], %add3A_292 {strides = array<i32>} : memref<64xi32, #tpu.memory_space<vmem>>, vector<16xi32>,
    %add3A_295 = arith.addi %add3A_285, %min3A_263 : vector<16xi32>
    %swap3A_296 = arith.constant 16 : index
    %swap3A_297 = tpu.vector_load %arg19[%swap3A_296] {strides = array<i32>} : memref<64xi32, #tpu.memory_space<vmem>>, vector<16xi32>,
    tpu.vector_store %arg19[%swap3A_296], %add3A_295 {strides = array<i32>} : memref<64xi32, #tpu.memory_space<vmem>>, vector<16xi32>,
    %get3A_298 = arith.constant 32 : index
    %get3A_299 = tpu.vector_load %arg6[%get3A_298] {strides = array<i32>} : memref<64xf32, #tpu.memory_space<vmem>>, vector<16xf32>,
    %add3A_300 = arith.constant 1.000000e+00 : f32
    %add3A_301 = vector.broadcast %add3A_300 : f32 to vector<16xf32>
    %add3A_302 = arith.addf %get3A_299, %add3A_301 : vector<16xf32>
    %mul3A_303 = arith.constant 2.555000e+02 : f32
    %mul3A_304 = vector.broadcast %mul3A_303 : f32 to vector<16xf32>
    %mul3A_305 = arith.mulf %add3A_302, %mul3A_304 : vector<16xf32>
    %get3A_306 = arith.constant 32 : index
    %get3A_307 = tpu.vector_load %arg7[%get3A_306] {strides = array<i32>} : memref<64xf32, #tpu.memory_space<vmem>>, vector<16xf32>,
    %add3A_308 = arith.constant 1.000000e+00 : f32
    %add3A_309 = vector.broadcast %add3A_308 : f32 to vector<16xf32>
    %add3A_310 = arith.addf %get3A_307, %add3A_309 : vector<16xf32>
    %mul3A_311 = arith.constant 2.555000e+02 : f32
    %mul3A_312 = vector.broadcast %mul3A_311 : f32 to vector<16xf32>
    %mul3A_313 = arith.mulf %add3A_310, %mul3A_312 : vector<16xf32>
    %convert_element_type3A_314 = arith.fptosi %mul3A_305 : vector<16xf32> to vector<16xi32>
    %convert_element_type3A_315 = arith.sitofp %convert_element_type3A_314 : vector<16xi32> to vector<16xf32>
    %gt3A_316 = arith.cmpf ogt, %convert_element_type3A_315, %mul3A_305 : vector<16xf32>
    %sub3A_317 = arith.constant 1 : i32
    %sub3A_318 = vector.broadcast %sub3A_317 : i32 to vector<16xi32>
    %sub3A_319 = arith.subi %convert_element_type3A_314, %sub3A_318 : vector<16xi32>
    %select_n3A_320 = arith.select %gt3A_316, %sub3A_319, %convert_element_type3A_314 : vector<16xi1>, vector<16xi32>
    %convert_element_type3A_321 = arith.fptosi %mul3A_313 : vector<16xf32> to vector<16xi32>
    %convert_element_type3A_322 = arith.sitofp %convert_element_type3A_321 : vector<16xi32> to vector<16xf32>
    %gt3A_323 = arith.cmpf ogt, %convert_element_type3A_322, %mul3A_313 : vector<16xf32>
    %sub3A_324 = arith.constant 1 : i32
    %sub3A_325 = vector.broadcast %sub3A_324 : i32 to vector<16xi32>
    %sub3A_326 = arith.subi %convert_element_type3A_321, %sub3A_325 : vector<16xi32>
    %select_n3A_327 = arith.select %gt3A_323, %sub3A_326, %convert_element_type3A_321 : vector<16xi1>, vector<16xi32>
    %convert_element_type3A_328 = arith.sitofp %select_n3A_320 : vector<16xi32> to vector<16xf32>
    %sub3A_329 = arith.subf %mul3A_305, %convert_element_type3A_328 : vector<16xf32>
    %convert_element_type3A_330 = arith.sitofp %select_n3A_327 : vector<16xi32> to vector<16xf32>
    %sub3A_331 = arith.subf %mul3A_313, %convert_element_type3A_330 : vector<16xf32>
    %add3A_332 = arith.constant 1 : i32
    %add3A_333 = vector.broadcast %add3A_332 : i32 to vector<16xi32>
    %add3A_334 = arith.addi %select_n3A_320, %add3A_333 : vector<16xi32>
    %add3A_335 = arith.constant 1 : i32
    %add3A_336 = vector.broadcast %add3A_335 : i32 to vector<16xi32>
    %add3A_337 = arith.addi %select_n3A_327, %add3A_336 : vector<16xi32>
    %ge3A_338 = arith.constant 0 : i32
    %ge3A_339 = vector.broadcast %ge3A_338 : i32 to vector<16xi32>
    %ge3A_340 = arith.cmpi sge, %select_n3A_320, %ge3A_339 : vector<16xi32>
    %lt3A_341 = arith.constant 512 : i32
    %lt3A_342 = vector.broadcast %lt3A_341 : i32 to vector<16xi32>
    %lt3A_343 = arith.cmpi slt, %select_n3A_320, %lt3A_342 : vector<16xi32>
    %and3A_344 = arith.andi %ge3A_340, %lt3A_343 : vector<16xi1>
    %ge3A_345 = arith.constant 0 : i32
    %ge3A_346 = vector.broadcast %ge3A_345 : i32 to vector<16xi32>
    %ge3A_347 = arith.cmpi sge, %add3A_334, %ge3A_346 : vector<16xi32>
    %lt3A_348 = arith.constant 512 : i32
    %lt3A_349 = vector.broadcast %lt3A_348 : i32 to vector<16xi32>
    %lt3A_350 = arith.cmpi slt, %add3A_334, %lt3A_349 : vector<16xi32>
    %and3A_351 = arith.andi %ge3A_347, %lt3A_350 : vector<16xi1>
    %ge3A_352 = arith.constant 0 : i32
    %ge3A_353 = vector.broadcast %ge3A_352 : i32 to vector<16xi32>
    %ge3A_354 = arith.cmpi sge, %select_n3A_327, %ge3A_353 : vector<16xi32>
    %lt3A_355 = arith.constant 512 : i32
    %lt3A_356 = vector.broadcast %lt3A_355 : i32 to vector<16xi32>
    %lt3A_357 = arith.cmpi slt, %select_n3A_327, %lt3A_356 : vector<16xi32>
    %and3A_358 = arith.andi %ge3A_354, %lt3A_357 : vector<16xi1>
    %ge3A_359 = arith.constant 0 : i32
    %ge3A_360 = vector.broadcast %ge3A_359 : i32 to vector<16xi32>
    %ge3A_361 = arith.cmpi sge, %add3A_337, %ge3A_360 : vector<16xi32>
    %lt3A_362 = arith.constant 512 : i32
    %lt3A_363 = vector.broadcast %lt3A_362 : i32 to vector<16xi32>
    %lt3A_364 = arith.cmpi slt, %add3A_337, %lt3A_363 : vector<16xi32>
    %and3A_365 = arith.andi %ge3A_361, %lt3A_364 : vector<16xi1>
    %sub3A_366 = arith.constant 1.000000e+00 : f32
    %sub3A_367 = vector.broadcast %sub3A_366 : f32 to vector<16xf32>
    %sub3A_368 = arith.subf %sub3A_367, %sub3A_329 : vector<16xf32>
    %sub3A_369 = arith.constant 1.000000e+00 : f32
    %sub3A_370 = vector.broadcast %sub3A_369 : f32 to vector<16xf32>
    %sub3A_371 = arith.subf %sub3A_370, %sub3A_331 : vector<16xf32>
    %broadcast_in_dim3A_372 = arith.constant 0.000000e+00 : f32
    %broadcast_in_dim3A_373 = vector.broadcast %broadcast_in_dim3A_372 : f32 to vector<16xf32>
    %and3A_374 = arith.andi %and3A_344, %and3A_358 : vector<16xi1>
    %mul3A_375 = arith.mulf %sub3A_368, %sub3A_371 : vector<16xf32>
    %select_n3A_376 = arith.select %and3A_374, %mul3A_375, %broadcast_in_dim3A_373 : vector<16xi1>, vector<16xf32>
    %swap3A_377 = arith.constant 32 : index
    %swap3A_378 = tpu.vector_load %arg8[%swap3A_377] {strides = array<i32>} : memref<64xf32, #tpu.memory_space<vmem>>, vector<16xf32>,
    tpu.vector_store %arg8[%swap3A_377], %select_n3A_376 {strides = array<i32>} : memref<64xf32, #tpu.memory_space<vmem>>, vector<16xf32>,
    %and3A_379 = arith.andi %and3A_344, %and3A_365 : vector<16xi1>
    %mul3A_380 = arith.mulf %sub3A_368, %sub3A_331 : vector<16xf32>
    %select_n3A_381 = arith.select %and3A_379, %mul3A_380, %broadcast_in_dim3A_373 : vector<16xi1>, vector<16xf32>
    %swap3A_382 = arith.constant 32 : index
    %swap3A_383 = tpu.vector_load %arg9[%swap3A_382] {strides = array<i32>} : memref<64xf32, #tpu.memory_space<vmem>>, vector<16xf32>,
    tpu.vector_store %arg9[%swap3A_382], %select_n3A_381 {strides = array<i32>} : memref<64xf32, #tpu.memory_space<vmem>>, vector<16xf32>,
    %and3A_384 = arith.andi %and3A_351, %and3A_358 : vector<16xi1>
    %mul3A_385 = arith.mulf %sub3A_329, %sub3A_371 : vector<16xf32>
    %select_n3A_386 = arith.select %and3A_384, %mul3A_385, %broadcast_in_dim3A_373 : vector<16xi1>, vector<16xf32>
    %swap3A_387 = arith.constant 32 : index
    %swap3A_388 = tpu.vector_load %arg10[%swap3A_387] {strides = array<i32>} : memref<64xf32, #tpu.memory_space<vmem>>, vector<16xf32>,
    tpu.vector_store %arg10[%swap3A_387], %select_n3A_386 {strides = array<i32>} : memref<64xf32, #tpu.memory_space<vmem>>, vector<16xf32>,
    %and3A_389 = arith.andi %and3A_351, %and3A_365 : vector<16xi1>
    %mul3A_390 = arith.mulf %sub3A_329, %sub3A_331 : vector<16xf32>
    %select_n3A_391 = arith.select %and3A_389, %mul3A_390, %broadcast_in_dim3A_373 : vector<16xi1>, vector<16xf32>
    %swap3A_392 = arith.constant 32 : index
    %swap3A_393 = tpu.vector_load %arg11[%swap3A_392] {strides = array<i32>} : memref<64xf32, #tpu.memory_space<vmem>>, vector<16xf32>,
    tpu.vector_store %arg11[%swap3A_392], %select_n3A_391 {strides = array<i32>} : memref<64xf32, #tpu.memory_space<vmem>>, vector<16xf32>,
    %jit3A_394 = arith.constant 0 : i32
    %jit3A_395 = arith.constant 511 : i32
    %max3A_396 = vector.broadcast %jit3A_394 : i32 to vector<16xi32>
    %max3A_397 = arith.maxsi %max3A_396, %select_n3A_320 : vector<16xi32>
    %min3A_398 = vector.broadcast %jit3A_395 : i32 to vector<16xi32>
    %min3A_399 = arith.minsi %min3A_398, %max3A_397 : vector<16xi32>
    %jit3A_400 = arith.constant 0 : i32
    %jit3A_401 = arith.constant 511 : i32
    %max3A_402 = vector.broadcast %jit3A_400 : i32 to vector<16xi32>
    %max3A_403 = arith.maxsi %max3A_402, %add3A_334 : vector<16xi32>
    %min3A_404 = vector.broadcast %jit3A_401 : i32 to vector<16xi32>
    %min3A_405 = arith.minsi %min3A_404, %max3A_403 : vector<16xi32>
    %jit3A_406 = arith.constant 0 : i32
    %jit3A_407 = arith.constant 511 : i32
    %max3A_408 = vector.broadcast %jit3A_406 : i32 to vector<16xi32>
    %max3A_409 = arith.maxsi %max3A_408, %select_n3A_327 : vector<16xi32>
    %min3A_410 = vector.broadcast %jit3A_407 : i32 to vector<16xi32>
    %min3A_411 = arith.minsi %min3A_410, %max3A_409 : vector<16xi32>
    %mul3A_412 = arith.constant 512 : i32
    %mul3A_413 = vector.broadcast %mul3A_412 : i32 to vector<16xi32>
    %mul3A_414 = arith.muli %min3A_411, %mul3A_413 : vector<16xi32>
    %add3A_415 = vector.broadcast %mul3A_22 : i32 to vector<16xi32>
    %add3A_416 = arith.addi %add3A_415, %mul3A_414 : vector<16xi32>
    %jit3A_417 = arith.constant 0 : i32
    %jit3A_418 = arith.constant 511 : i32
    %max3A_419 = vector.broadcast %jit3A_417 : i32 to vector<16xi32>
    %max3A_420 = arith.maxsi %max3A_419, %add3A_337 : vector<16xi32>
    %min3A_421 = vector.broadcast %jit3A_418 : i32 to vector<16xi32>
    %min3A_422 = arith.minsi %min3A_421, %max3A_420 : vector<16xi32>
    %mul3A_423 = arith.constant 512 : i32
    %mul3A_424 = vector.broadcast %mul3A_423 : i32 to vector<16xi32>
    %mul3A_425 = arith.muli %min3A_422, %mul3A_424 : vector<16xi32>
    %add3A_426 = vector.broadcast %mul3A_22 : i32 to vector<16xi32>
    %add3A_427 = arith.addi %add3A_426, %mul3A_425 : vector<16xi32>
    %add3A_428 = arith.addi %add3A_416, %min3A_399 : vector<16xi32>
    %swap3A_429 = arith.constant 32 : index
    %swap3A_430 = tpu.vector_load %arg16[%swap3A_429] {strides = array<i32>} : memref<64xi32, #tpu.memory_space<vmem>>, vector<16xi32>,
    tpu.vector_store %arg16[%swap3A_429], %add3A_428 {strides = array<i32>} : memref<64xi32, #tpu.memory_space<vmem>>, vector<16xi32>,
    %add3A_431 = arith.addi %add3A_427, %min3A_399 : vector<16xi32>
    %swap3A_432 = arith.constant 32 : index
    %swap3A_433 = tpu.vector_load %arg17[%swap3A_432] {strides = array<i32>} : memref<64xi32, #tpu.memory_space<vmem>>, vector<16xi32>,
    tpu.vector_store %arg17[%swap3A_432], %add3A_431 {strides = array<i32>} : memref<64xi32, #tpu.memory_space<vmem>>, vector<16xi32>,
    %add3A_434 = arith.addi %add3A_416, %min3A_405 : vector<16xi32>
    %swap3A_435 = arith.constant 32 : index
    %swap3A_436 = tpu.vector_load %arg18[%swap3A_435] {strides = array<i32>} : memref<64xi32, #tpu.memory_space<vmem>>, vector<16xi32>,
    tpu.vector_store %arg18[%swap3A_435], %add3A_434 {strides = array<i32>} : memref<64xi32, #tpu.memory_space<vmem>>, vector<16xi32>,
    %add3A_437 = arith.addi %add3A_427, %min3A_405 : vector<16xi32>
    %swap3A_438 = arith.constant 32 : index
    %swap3A_439 = tpu.vector_load %arg19[%swap3A_438] {strides = array<i32>} : memref<64xi32, #tpu.memory_space<vmem>>, vector<16xi32>,
    tpu.vector_store %arg19[%swap3A_438], %add3A_437 {strides = array<i32>} : memref<64xi32, #tpu.memory_space<vmem>>, vector<16xi32>,
    %get3A_440 = arith.constant 48 : index
    %get3A_441 = tpu.vector_load %arg6[%get3A_440] {strides = array<i32>} : memref<64xf32, #tpu.memory_space<vmem>>, vector<16xf32>,
    %add3A_442 = arith.constant 1.000000e+00 : f32
    %add3A_443 = vector.broadcast %add3A_442 : f32 to vector<16xf32>
    %add3A_444 = arith.addf %get3A_441, %add3A_443 : vector<16xf32>
    %mul3A_445 = arith.constant 2.555000e+02 : f32
    %mul3A_446 = vector.broadcast %mul3A_445 : f32 to vector<16xf32>
    %mul3A_447 = arith.mulf %add3A_444, %mul3A_446 : vector<16xf32>
    %get3A_448 = arith.constant 48 : index
    %get3A_449 = tpu.vector_load %arg7[%get3A_448] {strides = array<i32>} : memref<64xf32, #tpu.memory_space<vmem>>, vector<16xf32>,
    %add3A_450 = arith.constant 1.000000e+00 : f32
    %add3A_451 = vector.broadcast %add3A_450 : f32 to vector<16xf32>
    %add3A_452 = arith.addf %get3A_449, %add3A_451 : vector<16xf32>
    %mul3A_453 = arith.constant 2.555000e+02 : f32
    %mul3A_454 = vector.broadcast %mul3A_453 : f32 to vector<16xf32>
    %mul3A_455 = arith.mulf %add3A_452, %mul3A_454 : vector<16xf32>
    %convert_element_type3A_456 = arith.fptosi %mul3A_447 : vector<16xf32> to vector<16xi32>
    %convert_element_type3A_457 = arith.sitofp %convert_element_type3A_456 : vector<16xi32> to vector<16xf32>
    %gt3A_458 = arith.cmpf ogt, %convert_element_type3A_457, %mul3A_447 : vector<16xf32>
    %sub3A_459 = arith.constant 1 : i32
    %sub3A_460 = vector.broadcast %sub3A_459 : i32 to vector<16xi32>
    %sub3A_461 = arith.subi %convert_element_type3A_456, %sub3A_460 : vector<16xi32>
    %select_n3A_462 = arith.select %gt3A_458, %sub3A_461, %convert_element_type3A_456 : vector<16xi1>, vector<16xi32>
    %convert_element_type3A_463 = arith.fptosi %mul3A_455 : vector<16xf32> to vector<16xi32>
    %convert_element_type3A_464 = arith.sitofp %convert_element_type3A_463 : vector<16xi32> to vector<16xf32>
    %gt3A_465 = arith.cmpf ogt, %convert_element_type3A_464, %mul3A_455 : vector<16xf32>
    %sub3A_466 = arith.constant 1 : i32
    %sub3A_467 = vector.broadcast %sub3A_466 : i32 to vector<16xi32>
    %sub3A_468 = arith.subi %convert_element_type3A_463, %sub3A_467 : vector<16xi32>
    %select_n3A_469 = arith.select %gt3A_465, %sub3A_468, %convert_element_type3A_463 : vector<16xi1>, vector<16xi32>
    %convert_element_type3A_470 = arith.sitofp %select_n3A_462 : vector<16xi32> to vector<16xf32>
    %sub3A_471 = arith.subf %mul3A_447, %convert_element_type3A_470 : vector<16xf32>
    %convert_element_type3A_472 = arith.sitofp %select_n3A_469 : vector<16xi32> to vector<16xf32>
    %sub3A_473 = arith.subf %mul3A_455, %convert_element_type3A_472 : vector<16xf32>
    %add3A_474 = arith.constant 1 : i32
    %add3A_475 = vector.broadcast %add3A_474 : i32 to vector<16xi32>
    %add3A_476 = arith.addi %select_n3A_462, %add3A_475 : vector<16xi32>
    %add3A_477 = arith.constant 1 : i32
    %add3A_478 = vector.broadcast %add3A_477 : i32 to vector<16xi32>
    %add3A_479 = arith.addi %select_n3A_469, %add3A_478 : vector<16xi32>
    %ge3A_480 = arith.constant 0 : i32
    %ge3A_481 = vector.broadcast %ge3A_480 : i32 to vector<16xi32>
    %ge3A_482 = arith.cmpi sge, %select_n3A_462, %ge3A_481 : vector<16xi32>
    %lt3A_483 = arith.constant 512 : i32
    %lt3A_484 = vector.broadcast %lt3A_483 : i32 to vector<16xi32>
    %lt3A_485 = arith.cmpi slt, %select_n3A_462, %lt3A_484 : vector<16xi32>
    %and3A_486 = arith.andi %ge3A_482, %lt3A_485 : vector<16xi1>
    %ge3A_487 = arith.constant 0 : i32
    %ge3A_488 = vector.broadcast %ge3A_487 : i32 to vector<16xi32>
    %ge3A_489 = arith.cmpi sge, %add3A_476, %ge3A_488 : vector<16xi32>
    %lt3A_490 = arith.constant 512 : i32
    %lt3A_491 = vector.broadcast %lt3A_490 : i32 to vector<16xi32>
    %lt3A_492 = arith.cmpi slt, %add3A_476, %lt3A_491 : vector<16xi32>
    %and3A_493 = arith.andi %ge3A_489, %lt3A_492 : vector<16xi1>
    %ge3A_494 = arith.constant 0 : i32
    %ge3A_495 = vector.broadcast %ge3A_494 : i32 to vector<16xi32>
    %ge3A_496 = arith.cmpi sge, %select_n3A_469, %ge3A_495 : vector<16xi32>
    %lt3A_497 = arith.constant 512 : i32
    %lt3A_498 = vector.broadcast %lt3A_497 : i32 to vector<16xi32>
    %lt3A_499 = arith.cmpi slt, %select_n3A_469, %lt3A_498 : vector<16xi32>
    %and3A_500 = arith.andi %ge3A_496, %lt3A_499 : vector<16xi1>
    %ge3A_501 = arith.constant 0 : i32
    %ge3A_502 = vector.broadcast %ge3A_501 : i32 to vector<16xi32>
    %ge3A_503 = arith.cmpi sge, %add3A_479, %ge3A_502 : vector<16xi32>
    %lt3A_504 = arith.constant 512 : i32
    %lt3A_505 = vector.broadcast %lt3A_504 : i32 to vector<16xi32>
    %lt3A_506 = arith.cmpi slt, %add3A_479, %lt3A_505 : vector<16xi32>
    %and3A_507 = arith.andi %ge3A_503, %lt3A_506 : vector<16xi1>
    %sub3A_508 = arith.constant 1.000000e+00 : f32
    %sub3A_509 = vector.broadcast %sub3A_508 : f32 to vector<16xf32>
    %sub3A_510 = arith.subf %sub3A_509, %sub3A_471 : vector<16xf32>
    %sub3A_511 = arith.constant 1.000000e+00 : f32
    %sub3A_512 = vector.broadcast %sub3A_511 : f32 to vector<16xf32>
    %sub3A_513 = arith.subf %sub3A_512, %sub3A_473 : vector<16xf32>
    %broadcast_in_dim3A_514 = arith.constant 0.000000e+00 : f32
    %broadcast_in_dim3A_515 = vector.broadcast %broadcast_in_dim3A_514 : f32 to vector<16xf32>
    %and3A_516 = arith.andi %and3A_486, %and3A_500 : vector<16xi1>
    %mul3A_517 = arith.mulf %sub3A_510, %sub3A_513 : vector<16xf32>
    %select_n3A_518 = arith.select %and3A_516, %mul3A_517, %broadcast_in_dim3A_515 : vector<16xi1>, vector<16xf32>
    %swap3A_519 = arith.constant 48 : index
    %swap3A_520 = tpu.vector_load %arg8[%swap3A_519] {strides = array<i32>} : memref<64xf32, #tpu.memory_space<vmem>>, vector<16xf32>,
    tpu.vector_store %arg8[%swap3A_519], %select_n3A_518 {strides = array<i32>} : memref<64xf32, #tpu.memory_space<vmem>>, vector<16xf32>,
    %and3A_521 = arith.andi %and3A_486, %and3A_507 : vector<16xi1>
    %mul3A_522 = arith.mulf %sub3A_510, %sub3A_473 : vector<16xf32>
    %select_n3A_523 = arith.select %and3A_521, %mul3A_522, %broadcast_in_dim3A_515 : vector<16xi1>, vector<16xf32>
    %swap3A_524 = arith.constant 48 : index
    %swap3A_525 = tpu.vector_load %arg9[%swap3A_524] {strides = array<i32>} : memref<64xf32, #tpu.memory_space<vmem>>, vector<16xf32>,
    tpu.vector_store %arg9[%swap3A_524], %select_n3A_523 {strides = array<i32>} : memref<64xf32, #tpu.memory_space<vmem>>, vector<16xf32>,
    %and3A_526 = arith.andi %and3A_493, %and3A_500 : vector<16xi1>
    %mul3A_527 = arith.mulf %sub3A_471, %sub3A_513 : vector<16xf32>
    %select_n3A_528 = arith.select %and3A_526, %mul3A_527, %broadcast_in_dim3A_515 : vector<16xi1>, vector<16xf32>
    %swap3A_529 = arith.constant 48 : index
    %swap3A_530 = tpu.vector_load %arg10[%swap3A_529] {strides = array<i32>} : memref<64xf32, #tpu.memory_space<vmem>>, vector<16xf32>,
    tpu.vector_store %arg10[%swap3A_529], %select_n3A_528 {strides = array<i32>} : memref<64xf32, #tpu.memory_space<vmem>>, vector<16xf32>,
    %and3A_531 = arith.andi %and3A_493, %and3A_507 : vector<16xi1>
    %mul3A_532 = arith.mulf %sub3A_471, %sub3A_473 : vector<16xf32>
    %select_n3A_533 = arith.select %and3A_531, %mul3A_532, %broadcast_in_dim3A_515 : vector<16xi1>, vector<16xf32>
    %swap3A_534 = arith.constant 48 : index
    %swap3A_535 = tpu.vector_load %arg11[%swap3A_534] {strides = array<i32>} : memref<64xf32, #tpu.memory_space<vmem>>, vector<16xf32>,
    tpu.vector_store %arg11[%swap3A_534], %select_n3A_533 {strides = array<i32>} : memref<64xf32, #tpu.memory_space<vmem>>, vector<16xf32>,
    %jit3A_536 = arith.constant 0 : i32
    %jit3A_537 = arith.constant 511 : i32
    %max3A_538 = vector.broadcast %jit3A_536 : i32 to vector<16xi32>
    %max3A_539 = arith.maxsi %max3A_538, %select_n3A_462 : vector<16xi32>
    %min3A_540 = vector.broadcast %jit3A_537 : i32 to vector<16xi32>
    %min3A_541 = arith.minsi %min3A_540, %max3A_539 : vector<16xi32>
    %jit3A_542 = arith.constant 0 : i32
    %jit3A_543 = arith.constant 511 : i32
    %max3A_544 = vector.broadcast %jit3A_542 : i32 to vector<16xi32>
    %max3A_545 = arith.maxsi %max3A_544, %add3A_476 : vector<16xi32>
    %min3A_546 = vector.broadcast %jit3A_543 : i32 to vector<16xi32>
    %min3A_547 = arith.minsi %min3A_546, %max3A_545 : vector<16xi32>
    %jit3A_548 = arith.constant 0 : i32
    %jit3A_549 = arith.constant 511 : i32
    %max3A_550 = vector.broadcast %jit3A_548 : i32 to vector<16xi32>
    %max3A_551 = arith.maxsi %max3A_550, %select_n3A_469 : vector<16xi32>
    %min3A_552 = vector.broadcast %jit3A_549 : i32 to vector<16xi32>
    %min3A_553 = arith.minsi %min3A_552, %max3A_551 : vector<16xi32>
    %mul3A_554 = arith.constant 512 : i32
    %mul3A_555 = vector.broadcast %mul3A_554 : i32 to vector<16xi32>
    %mul3A_556 = arith.muli %min3A_553, %mul3A_555 : vector<16xi32>
    %add3A_557 = vector.broadcast %mul3A_22 : i32 to vector<16xi32>
    %add3A_558 = arith.addi %add3A_557, %mul3A_556 : vector<16xi32>
    %jit3A_559 = arith.constant 0 : i32
    %jit3A_560 = arith.constant 511 : i32
    %max3A_561 = vector.broadcast %jit3A_559 : i32 to vector<16xi32>
    %max3A_562 = arith.maxsi %max3A_561, %add3A_479 : vector<16xi32>
    %min3A_563 = vector.broadcast %jit3A_560 : i32 to vector<16xi32>
    %min3A_564 = arith.minsi %min3A_563, %max3A_562 : vector<16xi32>
    %mul3A_565 = arith.constant 512 : i32
    %mul3A_566 = vector.broadcast %mul3A_565 : i32 to vector<16xi32>
    %mul3A_567 = arith.muli %min3A_564, %mul3A_566 : vector<16xi32>
    %add3A_568 = vector.broadcast %mul3A_22 : i32 to vector<16xi32>
    %add3A_569 = arith.addi %add3A_568, %mul3A_567 : vector<16xi32>
    %add3A_570 = arith.addi %add3A_558, %min3A_541 : vector<16xi32>
    %swap3A_571 = arith.constant 48 : index
    %swap3A_572 = tpu.vector_load %arg16[%swap3A_571] {strides = array<i32>} : memref<64xi32, #tpu.memory_space<vmem>>, vector<16xi32>,
    tpu.vector_store %arg16[%swap3A_571], %add3A_570 {strides = array<i32>} : memref<64xi32, #tpu.memory_space<vmem>>, vector<16xi32>,
    %add3A_573 = arith.addi %add3A_569, %min3A_541 : vector<16xi32>
    %swap3A_574 = arith.constant 48 : index
    %swap3A_575 = tpu.vector_load %arg17[%swap3A_574] {strides = array<i32>} : memref<64xi32, #tpu.memory_space<vmem>>, vector<16xi32>,
    tpu.vector_store %arg17[%swap3A_574], %add3A_573 {strides = array<i32>} : memref<64xi32, #tpu.memory_space<vmem>>, vector<16xi32>,
    %add3A_576 = arith.addi %add3A_558, %min3A_547 : vector<16xi32>
    %swap3A_577 = arith.constant 48 : index
    %swap3A_578 = tpu.vector_load %arg18[%swap3A_577] {strides = array<i32>} : memref<64xi32, #tpu.memory_space<vmem>>, vector<16xi32>,
    tpu.vector_store %arg18[%swap3A_577], %add3A_576 {strides = array<i32>} : memref<64xi32, #tpu.memory_space<vmem>>, vector<16xi32>,
    %add3A_579 = arith.addi %add3A_569, %min3A_547 : vector<16xi32>
    %swap3A_580 = arith.constant 48 : index
    %swap3A_581 = tpu.vector_load %arg19[%swap3A_580] {strides = array<i32>} : memref<64xi32, #tpu.memory_space<vmem>>, vector<16xi32>,
    tpu.vector_store %arg19[%swap3A_580], %add3A_579 {strides = array<i32>} : memref<64xi32, #tpu.memory_space<vmem>>, vector<16xi32>,
    %dma_start3A = arith.constant 0 : i32
    %dma_start3A_582 = arith.constant 0 : i32
    %dma_start3A_583 = tpu.memref_slice %arg2[%dma_start3A, %dma_start3A_582] : memref<1048576x128xf32, #tpu.memory_space<hbm>> -> memref<1048576x128xf32, #tpu.memory_space<hbm>>
    tpu.enqueue_indirect_dma source(%dma_start3A_583 : memref<1048576x128xf32, #tpu.memory_space<hbm>>) target(%arg24 : memref<64x128xf32, #tpu.memory_space<vmem>>) offsets(%arg16 : memref<64xi32, #tpu.memory_space<vmem>>) semaphore(%arg34 : memref<!tpu.dma_semaphore, #tpu.memory_space<semaphore_mem>>)
    %dma_start3A_584 = arith.constant 0 : i32
    %dma_start3A_585 = arith.constant 0 : i32
    %dma_start3A_586 = tpu.memref_slice %arg2[%dma_start3A_584, %dma_start3A_585] : memref<1048576x128xf32, #tpu.memory_space<hbm>> -> memref<1048576x128xf32, #tpu.memory_space<hbm>>
    tpu.enqueue_indirect_dma source(%dma_start3A_586 : memref<1048576x128xf32, #tpu.memory_space<hbm>>) target(%arg25 : memref<64x128xf32, #tpu.memory_space<vmem>>) offsets(%arg17 : memref<64xi32, #tpu.memory_space<vmem>>) semaphore(%arg34 : memref<!tpu.dma_semaphore, #tpu.memory_space<semaphore_mem>>)
    %dma_start3A_587 = arith.constant 0 : i32
    %dma_start3A_588 = arith.constant 0 : i32
    %dma_start3A_589 = tpu.memref_slice %arg2[%dma_start3A_587, %dma_start3A_588] : memref<1048576x128xf32, #tpu.memory_space<hbm>> -> memref<1048576x128xf32, #tpu.memory_space<hbm>>
    tpu.enqueue_indirect_dma source(%dma_start3A_589 : memref<1048576x128xf32, #tpu.memory_space<hbm>>) target(%arg26 : memref<64x128xf32, #tpu.memory_space<vmem>>) offsets(%arg18 : memref<64xi32, #tpu.memory_space<vmem>>) semaphore(%arg34 : memref<!tpu.dma_semaphore, #tpu.memory_space<semaphore_mem>>)
    %dma_start3A_590 = arith.constant 0 : i32
    %dma_start3A_591 = arith.constant 0 : i32
    %dma_start3A_592 = tpu.memref_slice %arg2[%dma_start3A_590, %dma_start3A_591] : memref<1048576x128xf32, #tpu.memory_space<hbm>> -> memref<1048576x128xf32, #tpu.memory_space<hbm>>
    tpu.enqueue_indirect_dma source(%dma_start3A_592 : memref<1048576x128xf32, #tpu.memory_space<hbm>>) target(%arg27 : memref<64x128xf32, #tpu.memory_space<vmem>>) offsets(%arg19 : memref<64xi32, #tpu.memory_space<vmem>>) semaphore(%arg34 : memref<!tpu.dma_semaphore, #tpu.memory_space<semaphore_mem>>)
    %scan3A = arith.constant 0 : i32
    %scan3A_593 = arith.constant 0 : i32
    %scan3A_594 = arith.constant 256 : i32
    %scan3A_595 = arith.addi %scan3A_593, %scan3A_594 : i32
    %scan3A_596 = arith.constant 1 : i32
    scf.for %scan3A_613 = %scan3A_593 to %scan3A_595 step %scan3A_596  : i32 {
      %mul3A_614 = arith.constant 2 : i32
      %mul3A_615 = arith.muli %mul3A_614, %scan3A_613 : i32
      %add3A_616 = arith.constant 1 : i32
      %add3A_617 = arith.addi %mul3A_615, %add3A_616 : i32
      %mul3A_618 = arith.constant 32768 : i32
      %mul3A_619 = arith.muli %add3A, %mul3A_618 : i32
      %mul3A_620 = arith.constant 64 : i32
      %mul3A_621 = arith.muli %add3A_617, %mul3A_620 : i32
      %add3A_622 = arith.addi %mul3A_619, %mul3A_621 : i32
      "tpu.region"() ({
        %run_scoped3A = tpu.sem_alloc : memref<!tpu.dma_semaphore, #tpu.memory_space<semaphore_mem>>
        %dma_start3A_1301 = tpu.memref_slice %arg3[%add3A_622] : memref<1048576xf32, #tpu.memory_space<hbm>> -> memref<64xf32, #tpu.memory_space<hbm>>
        %dma_start3A_1302 = tpu.memref_slice %arg3[%add3A_622] : memref<1048576xf32, #tpu.memory_space<hbm>> -> memref<64xf32, #tpu.memory_space<hbm>>
        tpu.enqueue_dma source(%dma_start3A_1302 : memref<64xf32, #tpu.memory_space<hbm>>) target(%arg6 : memref<64xf32, #tpu.memory_space<vmem>>) target_semaphore(%run_scoped3A : memref<!tpu.dma_semaphore, #tpu.memory_space<semaphore_mem>>)
        %dma_wait3A_1303 = tpu.memref_slice %arg3[%add3A_622] : memref<1048576xf32, #tpu.memory_space<hbm>> -> memref<64xf32, #tpu.memory_space<hbm>>
        %dma_wait3A_1304 = tpu.memref_slice %arg3[%add3A_622] : memref<1048576xf32, #tpu.memory_space<hbm>> -> memref<64xf32, #tpu.memory_space<hbm>>
        tpu.wait_dma2 semaphore(%run_scoped3A : memref<!tpu.dma_semaphore, #tpu.memory_space<semaphore_mem>>) src(%dma_wait3A_1304 : memref<64xf32, #tpu.memory_space<hbm>>) dst(%arg6 : memref<64xf32, #tpu.memory_space<vmem>>)
        tpu.yield
      }) : () -> ()
      "tpu.region"() ({
        %run_scoped3A = tpu.sem_alloc : memref<!tpu.dma_semaphore, #tpu.memory_space<semaphore_mem>>
        %dma_start3A_1301 = tpu.memref_slice %arg4[%add3A_622] : memref<1048576xf32, #tpu.memory_space<hbm>> -> memref<64xf32, #tpu.memory_space<hbm>>
        %dma_start3A_1302 = tpu.memref_slice %arg4[%add3A_622] : memref<1048576xf32, #tpu.memory_space<hbm>> -> memref<64xf32, #tpu.memory_space<hbm>>
        tpu.enqueue_dma source(%dma_start3A_1302 : memref<64xf32, #tpu.memory_space<hbm>>) target(%arg7 : memref<64xf32, #tpu.memory_space<vmem>>) target_semaphore(%run_scoped3A : memref<!tpu.dma_semaphore, #tpu.memory_space<semaphore_mem>>)
        %dma_wait3A_1303 = tpu.memref_slice %arg4[%add3A_622] : memref<1048576xf32, #tpu.memory_space<hbm>> -> memref<64xf32, #tpu.memory_space<hbm>>
        %dma_wait3A_1304 = tpu.memref_slice %arg4[%add3A_622] : memref<1048576xf32, #tpu.memory_space<hbm>> -> memref<64xf32, #tpu.memory_space<hbm>>
        tpu.wait_dma2 semaphore(%run_scoped3A : memref<!tpu.dma_semaphore, #tpu.memory_space<semaphore_mem>>) src(%dma_wait3A_1304 : memref<64xf32, #tpu.memory_space<hbm>>) dst(%arg7 : memref<64xf32, #tpu.memory_space<vmem>>)
        tpu.yield
      }) : () -> ()
      %jit3A_623 = arith.constant 262144 : i32
      %div3A_624 = arith.divsi %add3A_622, %jit3A_623 : i32
      %sign3A_625 = arith.constant 0 : i32
      %sign3A_626 = arith.cmpi sgt, %add3A_622, %sign3A_625 : i32
      %sign3A_627 = arith.extui %sign3A_626 : i1 to i32
      %sign3A_628 = arith.constant 0 : i32
      %sign3A_629 = arith.cmpi slt, %add3A_622, %sign3A_628 : i32
      %sign3A_630 = arith.extui %sign3A_629 : i1 to i32
      %sign3A_631 = arith.subi %sign3A_627, %sign3A_630 : i32
      %sign3A_632 = arith.constant 0 : i32
      %sign3A_633 = arith.cmpi sgt, %jit3A_623, %sign3A_632 : i32
      %sign3A_634 = arith.extui %sign3A_633 : i1 to i32
      %sign3A_635 = arith.constant 0 : i32
      %sign3A_636 = arith.cmpi slt, %jit3A_623, %sign3A_635 : i32
      %sign3A_637 = arith.extui %sign3A_636 : i1 to i32
      %sign3A_638 = arith.subi %sign3A_634, %sign3A_637 : i32
      %ne3A_639 = arith.cmpi ne, %sign3A_631, %sign3A_638 : i32
      %rem3A_640 = arith.remsi %add3A_622, %jit3A_623 : i32
      %ne3A_641 = arith.constant 0 : i32
      %ne3A_642 = arith.cmpi ne, %rem3A_640, %ne3A_641 : i32
      %and3A_643 = arith.andi %ne3A_639, %ne3A_642 : i1
      %sub3A_644 = arith.constant 1 : i32
      %sub3A_645 = arith.subi %div3A_624, %sub3A_644 : i32
      %select_n3A_646 = arith.select %and3A_643, %sub3A_645, %div3A_624 : i32
      %mul3A_647 = arith.constant 262144 : i32
      %mul3A_648 = arith.muli %select_n3A_646, %mul3A_647 : i32
      %get3A_649 = arith.constant 0 : index
      %get3A_650 = tpu.vector_load %arg6[%get3A_649] {strides = array<i32>} : memref<64xf32, #tpu.memory_space<vmem>>, vector<16xf32>,
      %add3A_651 = arith.constant 1.000000e+00 : f32
      %add3A_652 = vector.broadcast %add3A_651 : f32 to vector<16xf32>
      %add3A_653 = arith.addf %get3A_650, %add3A_652 : vector<16xf32>
      %mul3A_654 = arith.constant 2.555000e+02 : f32
      %mul3A_655 = vector.broadcast %mul3A_654 : f32 to vector<16xf32>
      %mul3A_656 = arith.mulf %add3A_653, %mul3A_655 : vector<16xf32>
      %get3A_657 = arith.constant 0 : index
      %get3A_658 = tpu.vector_load %arg7[%get3A_657] {strides = array<i32>} : memref<64xf32, #tpu.memory_space<vmem>>, vector<16xf32>,
      %add3A_659 = arith.constant 1.000000e+00 : f32
      %add3A_660 = vector.broadcast %add3A_659 : f32 to vector<16xf32>
      %add3A_661 = arith.addf %get3A_658, %add3A_660 : vector<16xf32>
      %mul3A_662 = arith.constant 2.555000e+02 : f32
      %mul3A_663 = vector.broadcast %mul3A_662 : f32 to vector<16xf32>
      %mul3A_664 = arith.mulf %add3A_661, %mul3A_663 : vector<16xf32>
      %convert_element_type3A_665 = arith.fptosi %mul3A_656 : vector<16xf32> to vector<16xi32>
      %convert_element_type3A_666 = arith.sitofp %convert_element_type3A_665 : vector<16xi32> to vector<16xf32>
      %gt3A_667 = arith.cmpf ogt, %convert_element_type3A_666, %mul3A_656 : vector<16xf32>
      %sub3A_668 = arith.constant 1 : i32
      %sub3A_669 = vector.broadcast %sub3A_668 : i32 to vector<16xi32>
      %sub3A_670 = arith.subi %convert_element_type3A_665, %sub3A_669 : vector<16xi32>
      %select_n3A_671 = arith.select %gt3A_667, %sub3A_670, %convert_element_type3A_665 : vector<16xi1>, vector<16xi32>
      %convert_element_type3A_672 = arith.fptosi %mul3A_664 : vector<16xf32> to vector<16xi32>
      %convert_element_type3A_673 = arith.sitofp %convert_element_type3A_672 : vector<16xi32> to vector<16xf32>
      %gt3A_674 = arith.cmpf ogt, %convert_element_type3A_673, %mul3A_664 : vector<16xf32>
      %sub3A_675 = arith.constant 1 : i32
      %sub3A_676 = vector.broadcast %sub3A_675 : i32 to vector<16xi32>
      %sub3A_677 = arith.subi %convert_element_type3A_672, %sub3A_676 : vector<16xi32>
      %select_n3A_678 = arith.select %gt3A_674, %sub3A_677, %convert_element_type3A_672 : vector<16xi1>, vector<16xi32>
      %convert_element_type3A_679 = arith.sitofp %select_n3A_671 : vector<16xi32> to vector<16xf32>
      %sub3A_680 = arith.subf %mul3A_656, %convert_element_type3A_679 : vector<16xf32>
      %convert_element_type3A_681 = arith.sitofp %select_n3A_678 : vector<16xi32> to vector<16xf32>
      %sub3A_682 = arith.subf %mul3A_664, %convert_element_type3A_681 : vector<16xf32>
      %add3A_683 = arith.constant 1 : i32
      %add3A_684 = vector.broadcast %add3A_683 : i32 to vector<16xi32>
      %add3A_685 = arith.addi %select_n3A_671, %add3A_684 : vector<16xi32>
      %add3A_686 = arith.constant 1 : i32
      %add3A_687 = vector.broadcast %add3A_686 : i32 to vector<16xi32>
      %add3A_688 = arith.addi %select_n3A_678, %add3A_687 : vector<16xi32>
      %ge3A_689 = arith.constant 0 : i32
      %ge3A_690 = vector.broadcast %ge3A_689 : i32 to vector<16xi32>
      %ge3A_691 = arith.cmpi sge, %select_n3A_671, %ge3A_690 : vector<16xi32>
      %lt3A_692 = arith.constant 512 : i32
      %lt3A_693 = vector.broadcast %lt3A_692 : i32 to vector<16xi32>
      %lt3A_694 = arith.cmpi slt, %select_n3A_671, %lt3A_693 : vector<16xi32>
      %and3A_695 = arith.andi %ge3A_691, %lt3A_694 : vector<16xi1>
      %ge3A_696 = arith.constant 0 : i32
      %ge3A_697 = vector.broadcast %ge3A_696 : i32 to vector<16xi32>
      %ge3A_698 = arith.cmpi sge, %add3A_685, %ge3A_697 : vector<16xi32>
      %lt3A_699 = arith.constant 512 : i32
      %lt3A_700 = vector.broadcast %lt3A_699 : i32 to vector<16xi32>
      %lt3A_701 = arith.cmpi slt, %add3A_685, %lt3A_700 : vector<16xi32>
      %and3A_702 = arith.andi %ge3A_698, %lt3A_701 : vector<16xi1>
      %ge3A_703 = arith.constant 0 : i32
      %ge3A_704 = vector.broadcast %ge3A_703 : i32 to vector<16xi32>
      %ge3A_705 = arith.cmpi sge, %select_n3A_678, %ge3A_704 : vector<16xi32>
      %lt3A_706 = arith.constant 512 : i32
      %lt3A_707 = vector.broadcast %lt3A_706 : i32 to vector<16xi32>
      %lt3A_708 = arith.cmpi slt, %select_n3A_678, %lt3A_707 : vector<16xi32>
      %and3A_709 = arith.andi %ge3A_705, %lt3A_708 : vector<16xi1>
      %ge3A_710 = arith.constant 0 : i32
      %ge3A_711 = vector.broadcast %ge3A_710 : i32 to vector<16xi32>
      %ge3A_712 = arith.cmpi sge, %add3A_688, %ge3A_711 : vector<16xi32>
      %lt3A_713 = arith.constant 512 : i32
      %lt3A_714 = vector.broadcast %lt3A_713 : i32 to vector<16xi32>
      %lt3A_715 = arith.cmpi slt, %add3A_688, %lt3A_714 : vector<16xi32>
      %and3A_716 = arith.andi %ge3A_712, %lt3A_715 : vector<16xi1>
      %sub3A_717 = arith.constant 1.000000e+00 : f32
      %sub3A_718 = vector.broadcast %sub3A_717 : f32 to vector<16xf32>
      %sub3A_719 = arith.subf %sub3A_718, %sub3A_680 : vector<16xf32>
      %sub3A_720 = arith.constant 1.000000e+00 : f32
      %sub3A_721 = vector.broadcast %sub3A_720 : f32 to vector<16xf32>
      %sub3A_722 = arith.subf %sub3A_721, %sub3A_682 : vector<16xf32>
      %broadcast_in_dim3A_723 = arith.constant 0.000000e+00 : f32
      %broadcast_in_dim3A_724 = vector.broadcast %broadcast_in_dim3A_723 : f32 to vector<16xf32>
      %and3A_725 = arith.andi %and3A_695, %and3A_709 : vector<16xi1>
      %mul3A_726 = arith.mulf %sub3A_719, %sub3A_722 : vector<16xf32>
      %select_n3A_727 = arith.select %and3A_725, %mul3A_726, %broadcast_in_dim3A_724 : vector<16xi1>, vector<16xf32>
      %swap3A_728 = arith.constant 0 : index
      %swap3A_729 = tpu.vector_load %arg12[%swap3A_728] {strides = array<i32>} : memref<64xf32, #tpu.memory_space<vmem>>, vector<16xf32>,
      tpu.vector_store %arg12[%swap3A_728], %select_n3A_727 {strides = array<i32>} : memref<64xf32, #tpu.memory_space<vmem>>, vector<16xf32>,
      %and3A_730 = arith.andi %and3A_695, %and3A_716 : vector<16xi1>
      %mul3A_731 = arith.mulf %sub3A_719, %sub3A_682 : vector<16xf32>
      %select_n3A_732 = arith.select %and3A_730, %mul3A_731, %broadcast_in_dim3A_724 : vector<16xi1>, vector<16xf32>
      %swap3A_733 = arith.constant 0 : index
      %swap3A_734 = tpu.vector_load %arg13[%swap3A_733] {strides = array<i32>} : memref<64xf32, #tpu.memory_space<vmem>>, vector<16xf32>,
      tpu.vector_store %arg13[%swap3A_733], %select_n3A_732 {strides = array<i32>} : memref<64xf32, #tpu.memory_space<vmem>>, vector<16xf32>,
      %and3A_735 = arith.andi %and3A_702, %and3A_709 : vector<16xi1>
      %mul3A_736 = arith.mulf %sub3A_680, %sub3A_722 : vector<16xf32>
      %select_n3A_737 = arith.select %and3A_735, %mul3A_736, %broadcast_in_dim3A_724 : vector<16xi1>, vector<16xf32>
      %swap3A_738 = arith.constant 0 : index
      %swap3A_739 = tpu.vector_load %arg14[%swap3A_738] {strides = array<i32>} : memref<64xf32, #tpu.memory_space<vmem>>, vector<16xf32>,
      tpu.vector_store %arg14[%swap3A_738], %select_n3A_737 {strides = array<i32>} : memref<64xf32, #tpu.memory_space<vmem>>, vector<16xf32>,
      %and3A_740 = arith.andi %and3A_702, %and3A_716 : vector<16xi1>
      %mul3A_741 = arith.mulf %sub3A_680, %sub3A_682 : vector<16xf32>
      %select_n3A_742 = arith.select %and3A_740, %mul3A_741, %broadcast_in_dim3A_724 : vector<16xi1>, vector<16xf32>
      %swap3A_743 = arith.constant 0 : index
      %swap3A_744 = tpu.vector_load %arg15[%swap3A_743] {strides = array<i32>} : memref<64xf32, #tpu.memory_space<vmem>>, vector<16xf32>,
      tpu.vector_store %arg15[%swap3A_743], %select_n3A_742 {strides = array<i32>} : memref<64xf32, #tpu.memory_space<vmem>>, vector<16xf32>,
      %jit3A_745 = arith.constant 0 : i32
      %jit3A_746 = arith.constant 511 : i32
      %max3A_747 = vector.broadcast %jit3A_745 : i32 to vector<16xi32>
      %max3A_748 = arith.maxsi %max3A_747, %select_n3A_671 : vector<16xi32>
      %min3A_749 = vector.broadcast %jit3A_746 : i32 to vector<16xi32>
      %min3A_750 = arith.minsi %min3A_749, %max3A_748 : vector<16xi32>
      %jit3A_751 = arith.constant 0 : i32
      %jit3A_752 = arith.constant 511 : i32
      %max3A_753 = vector.broadcast %jit3A_751 : i32 to vector<16xi32>
      %max3A_754 = arith.maxsi %max3A_753, %add3A_685 : vector<16xi32>
      %min3A_755 = vector.broadcast %jit3A_752 : i32 to vector<16xi32>
      %min3A_756 = arith.minsi %min3A_755, %max3A_754 : vector<16xi32>
      %jit3A_757 = arith.constant 0 : i32
      %jit3A_758 = arith.constant 511 : i32
      %max3A_759 = vector.broadcast %jit3A_757 : i32 to vector<16xi32>
      %max3A_760 = arith.maxsi %max3A_759, %select_n3A_678 : vector<16xi32>
      %min3A_761 = vector.broadcast %jit3A_758 : i32 to vector<16xi32>
      %min3A_762 = arith.minsi %min3A_761, %max3A_760 : vector<16xi32>
      %mul3A_763 = arith.constant 512 : i32
      %mul3A_764 = vector.broadcast %mul3A_763 : i32 to vector<16xi32>
      %mul3A_765 = arith.muli %min3A_762, %mul3A_764 : vector<16xi32>
      %add3A_766 = vector.broadcast %mul3A_648 : i32 to vector<16xi32>
      %add3A_767 = arith.addi %add3A_766, %mul3A_765 : vector<16xi32>
      %jit3A_768 = arith.constant 0 : i32
      %jit3A_769 = arith.constant 511 : i32
      %max3A_770 = vector.broadcast %jit3A_768 : i32 to vector<16xi32>
      %max3A_771 = arith.maxsi %max3A_770, %add3A_688 : vector<16xi32>
      %min3A_772 = vector.broadcast %jit3A_769 : i32 to vector<16xi32>
      %min3A_773 = arith.minsi %min3A_772, %max3A_771 : vector<16xi32>
      %mul3A_774 = arith.constant 512 : i32
      %mul3A_775 = vector.broadcast %mul3A_774 : i32 to vector<16xi32>
      %mul3A_776 = arith.muli %min3A_773, %mul3A_775 : vector<16xi32>
      %add3A_777 = vector.broadcast %mul3A_648 : i32 to vector<16xi32>
      %add3A_778 = arith.addi %add3A_777, %mul3A_776 : vector<16xi32>
      %add3A_779 = arith.addi %add3A_767, %min3A_750 : vector<16xi32>
      %swap3A_780 = arith.constant 0 : index
      %swap3A_781 = tpu.vector_load %arg20[%swap3A_780] {strides = array<i32>} : memref<64xi32, #tpu.memory_space<vmem>>, vector<16xi32>,
      tpu.vector_store %arg20[%swap3A_780], %add3A_779 {strides = array<i32>} : memref<64xi32, #tpu.memory_space<vmem>>, vector<16xi32>,
      %add3A_782 = arith.addi %add3A_778, %min3A_750 : vector<16xi32>
      %swap3A_783 = arith.constant 0 : index
      %swap3A_784 = tpu.vector_load %arg21[%swap3A_783] {strides = array<i32>} : memref<64xi32, #tpu.memory_space<vmem>>, vector<16xi32>,
      tpu.vector_store %arg21[%swap3A_783], %add3A_782 {strides = array<i32>} : memref<64xi32, #tpu.memory_space<vmem>>, vector<16xi32>,
      %add3A_785 = arith.addi %add3A_767, %min3A_756 : vector<16xi32>
      %swap3A_786 = arith.constant 0 : index
      %swap3A_787 = tpu.vector_load %arg22[%swap3A_786] {strides = array<i32>} : memref<64xi32, #tpu.memory_space<vmem>>, vector<16xi32>,
      tpu.vector_store %arg22[%swap3A_786], %add3A_785 {strides = array<i32>} : memref<64xi32, #tpu.memory_space<vmem>>, vector<16xi32>,
      %add3A_788 = arith.addi %add3A_778, %min3A_756 : vector<16xi32>
      %swap3A_789 = arith.constant 0 : index
      %swap3A_790 = tpu.vector_load %arg23[%swap3A_789] {strides = array<i32>} : memref<64xi32, #tpu.memory_space<vmem>>, vector<16xi32>,
      tpu.vector_store %arg23[%swap3A_789], %add3A_788 {strides = array<i32>} : memref<64xi32, #tpu.memory_space<vmem>>, vector<16xi32>,
      %get3A_791 = arith.constant 16 : index
      %get3A_792 = tpu.vector_load %arg6[%get3A_791] {strides = array<i32>} : memref<64xf32, #tpu.memory_space<vmem>>, vector<16xf32>,
      %add3A_793 = arith.constant 1.000000e+00 : f32
      %add3A_794 = vector.broadcast %add3A_793 : f32 to vector<16xf32>
      %add3A_795 = arith.addf %get3A_792, %add3A_794 : vector<16xf32>
      %mul3A_796 = arith.constant 2.555000e+02 : f32
      %mul3A_797 = vector.broadcast %mul3A_796 : f32 to vector<16xf32>
      %mul3A_798 = arith.mulf %add3A_795, %mul3A_797 : vector<16xf32>
      %get3A_799 = arith.constant 16 : index
      %get3A_800 = tpu.vector_load %arg7[%get3A_799] {strides = array<i32>} : memref<64xf32, #tpu.memory_space<vmem>>, vector<16xf32>,
      %add3A_801 = arith.constant 1.000000e+00 : f32
      %add3A_802 = vector.broadcast %add3A_801 : f32 to vector<16xf32>
      %add3A_803 = arith.addf %get3A_800, %add3A_802 : vector<16xf32>
      %mul3A_804 = arith.constant 2.555000e+02 : f32
      %mul3A_805 = vector.broadcast %mul3A_804 : f32 to vector<16xf32>
      %mul3A_806 = arith.mulf %add3A_803, %mul3A_805 : vector<16xf32>
      %convert_element_type3A_807 = arith.fptosi %mul3A_798 : vector<16xf32> to vector<16xi32>
      %convert_element_type3A_808 = arith.sitofp %convert_element_type3A_807 : vector<16xi32> to vector<16xf32>
      %gt3A_809 = arith.cmpf ogt, %convert_element_type3A_808, %mul3A_798 : vector<16xf32>
      %sub3A_810 = arith.constant 1 : i32
      %sub3A_811 = vector.broadcast %sub3A_810 : i32 to vector<16xi32>
      %sub3A_812 = arith.subi %convert_element_type3A_807, %sub3A_811 : vector<16xi32>
      %select_n3A_813 = arith.select %gt3A_809, %sub3A_812, %convert_element_type3A_807 : vector<16xi1>, vector<16xi32>
      %convert_element_type3A_814 = arith.fptosi %mul3A_806 : vector<16xf32> to vector<16xi32>
      %convert_element_type3A_815 = arith.sitofp %convert_element_type3A_814 : vector<16xi32> to vector<16xf32>
      %gt3A_816 = arith.cmpf ogt, %convert_element_type3A_815, %mul3A_806 : vector<16xf32>
      %sub3A_817 = arith.constant 1 : i32
      %sub3A_818 = vector.broadcast %sub3A_817 : i32 to vector<16xi32>
      %sub3A_819 = arith.subi %convert_element_type3A_814, %sub3A_818 : vector<16xi32>
      %select_n3A_820 = arith.select %gt3A_816, %sub3A_819, %convert_element_type3A_814 : vector<16xi1>, vector<16xi32>
      %convert_element_type3A_821 = arith.sitofp %select_n3A_813 : vector<16xi32> to vector<16xf32>
      %sub3A_822 = arith.subf %mul3A_798, %convert_element_type3A_821 : vector<16xf32>
      %convert_element_type3A_823 = arith.sitofp %select_n3A_820 : vector<16xi32> to vector<16xf32>
      %sub3A_824 = arith.subf %mul3A_806, %convert_element_type3A_823 : vector<16xf32>
      %add3A_825 = arith.constant 1 : i32
      %add3A_826 = vector.broadcast %add3A_825 : i32 to vector<16xi32>
      %add3A_827 = arith.addi %select_n3A_813, %add3A_826 : vector<16xi32>
      %add3A_828 = arith.constant 1 : i32
      %add3A_829 = vector.broadcast %add3A_828 : i32 to vector<16xi32>
      %add3A_830 = arith.addi %select_n3A_820, %add3A_829 : vector<16xi32>
      %ge3A_831 = arith.constant 0 : i32
      %ge3A_832 = vector.broadcast %ge3A_831 : i32 to vector<16xi32>
      %ge3A_833 = arith.cmpi sge, %select_n3A_813, %ge3A_832 : vector<16xi32>
      %lt3A_834 = arith.constant 512 : i32
      %lt3A_835 = vector.broadcast %lt3A_834 : i32 to vector<16xi32>
      %lt3A_836 = arith.cmpi slt, %select_n3A_813, %lt3A_835 : vector<16xi32>
      %and3A_837 = arith.andi %ge3A_833, %lt3A_836 : vector<16xi1>
      %ge3A_838 = arith.constant 0 : i32
      %ge3A_839 = vector.broadcast %ge3A_838 : i32 to vector<16xi32>
      %ge3A_840 = arith.cmpi sge, %add3A_827, %ge3A_839 : vector<16xi32>
      %lt3A_841 = arith.constant 512 : i32
      %lt3A_842 = vector.broadcast %lt3A_841 : i32 to vector<16xi32>
      %lt3A_843 = arith.cmpi slt, %add3A_827, %lt3A_842 : vector<16xi32>
      %and3A_844 = arith.andi %ge3A_840, %lt3A_843 : vector<16xi1>
      %ge3A_845 = arith.constant 0 : i32
      %ge3A_846 = vector.broadcast %ge3A_845 : i32 to vector<16xi32>
      %ge3A_847 = arith.cmpi sge, %select_n3A_820, %ge3A_846 : vector<16xi32>
      %lt3A_848 = arith.constant 512 : i32
      %lt3A_849 = vector.broadcast %lt3A_848 : i32 to vector<16xi32>
      %lt3A_850 = arith.cmpi slt, %select_n3A_820, %lt3A_849 : vector<16xi32>
      %and3A_851 = arith.andi %ge3A_847, %lt3A_850 : vector<16xi1>
      %ge3A_852 = arith.constant 0 : i32
      %ge3A_853 = vector.broadcast %ge3A_852 : i32 to vector<16xi32>
      %ge3A_854 = arith.cmpi sge, %add3A_830, %ge3A_853 : vector<16xi32>
      %lt3A_855 = arith.constant 512 : i32
      %lt3A_856 = vector.broadcast %lt3A_855 : i32 to vector<16xi32>
      %lt3A_857 = arith.cmpi slt, %add3A_830, %lt3A_856 : vector<16xi32>
      %and3A_858 = arith.andi %ge3A_854, %lt3A_857 : vector<16xi1>
      %sub3A_859 = arith.constant 1.000000e+00 : f32
      %sub3A_860 = vector.broadcast %sub3A_859 : f32 to vector<16xf32>
      %sub3A_861 = arith.subf %sub3A_860, %sub3A_822 : vector<16xf32>
      %sub3A_862 = arith.constant 1.000000e+00 : f32
      %sub3A_863 = vector.broadcast %sub3A_862 : f32 to vector<16xf32>
      %sub3A_864 = arith.subf %sub3A_863, %sub3A_824 : vector<16xf32>
      %broadcast_in_dim3A_865 = arith.constant 0.000000e+00 : f32
      %broadcast_in_dim3A_866 = vector.broadcast %broadcast_in_dim3A_865 : f32 to vector<16xf32>
      %and3A_867 = arith.andi %and3A_837, %and3A_851 : vector<16xi1>
      %mul3A_868 = arith.mulf %sub3A_861, %sub3A_864 : vector<16xf32>
      %select_n3A_869 = arith.select %and3A_867, %mul3A_868, %broadcast_in_dim3A_866 : vector<16xi1>, vector<16xf32>
      %swap3A_870 = arith.constant 16 : index
      %swap3A_871 = tpu.vector_load %arg12[%swap3A_870] {strides = array<i32>} : memref<64xf32, #tpu.memory_space<vmem>>, vector<16xf32>,
      tpu.vector_store %arg12[%swap3A_870], %select_n3A_869 {strides = array<i32>} : memref<64xf32, #tpu.memory_space<vmem>>, vector<16xf32>,
      %and3A_872 = arith.andi %and3A_837, %and3A_858 : vector<16xi1>
      %mul3A_873 = arith.mulf %sub3A_861, %sub3A_824 : vector<16xf32>
      %select_n3A_874 = arith.select %and3A_872, %mul3A_873, %broadcast_in_dim3A_866 : vector<16xi1>, vector<16xf32>
      %swap3A_875 = arith.constant 16 : index
      %swap3A_876 = tpu.vector_load %arg13[%swap3A_875] {strides = array<i32>} : memref<64xf32, #tpu.memory_space<vmem>>, vector<16xf32>,
      tpu.vector_store %arg13[%swap3A_875], %select_n3A_874 {strides = array<i32>} : memref<64xf32, #tpu.memory_space<vmem>>, vector<16xf32>,
      %and3A_877 = arith.andi %and3A_844, %and3A_851 : vector<16xi1>
      %mul3A_878 = arith.mulf %sub3A_822, %sub3A_864 : vector<16xf32>
      %select_n3A_879 = arith.select %and3A_877, %mul3A_878, %broadcast_in_dim3A_866 : vector<16xi1>, vector<16xf32>
      %swap3A_880 = arith.constant 16 : index
      %swap3A_881 = tpu.vector_load %arg14[%swap3A_880] {strides = array<i32>} : memref<64xf32, #tpu.memory_space<vmem>>, vector<16xf32>,
      tpu.vector_store %arg14[%swap3A_880], %select_n3A_879 {strides = array<i32>} : memref<64xf32, #tpu.memory_space<vmem>>, vector<16xf32>,
      %and3A_882 = arith.andi %and3A_844, %and3A_858 : vector<16xi1>
      %mul3A_883 = arith.mulf %sub3A_822, %sub3A_824 : vector<16xf32>
      %select_n3A_884 = arith.select %and3A_882, %mul3A_883, %broadcast_in_dim3A_866 : vector<16xi1>, vector<16xf32>
      %swap3A_885 = arith.constant 16 : index
      %swap3A_886 = tpu.vector_load %arg15[%swap3A_885] {strides = array<i32>} : memref<64xf32, #tpu.memory_space<vmem>>, vector<16xf32>,
      tpu.vector_store %arg15[%swap3A_885], %select_n3A_884 {strides = array<i32>} : memref<64xf32, #tpu.memory_space<vmem>>, vector<16xf32>,
      %jit3A_887 = arith.constant 0 : i32
      %jit3A_888 = arith.constant 511 : i32
      %max3A_889 = vector.broadcast %jit3A_887 : i32 to vector<16xi32>
      %max3A_890 = arith.maxsi %max3A_889, %select_n3A_813 : vector<16xi32>
      %min3A_891 = vector.broadcast %jit3A_888 : i32 to vector<16xi32>
      %min3A_892 = arith.minsi %min3A_891, %max3A_890 : vector<16xi32>
      %jit3A_893 = arith.constant 0 : i32
      %jit3A_894 = arith.constant 511 : i32
      %max3A_895 = vector.broadcast %jit3A_893 : i32 to vector<16xi32>
      %max3A_896 = arith.maxsi %max3A_895, %add3A_827 : vector<16xi32>
      %min3A_897 = vector.broadcast %jit3A_894 : i32 to vector<16xi32>
      %min3A_898 = arith.minsi %min3A_897, %max3A_896 : vector<16xi32>
      %jit3A_899 = arith.constant 0 : i32
      %jit3A_900 = arith.constant 511 : i32
      %max3A_901 = vector.broadcast %jit3A_899 : i32 to vector<16xi32>
      %max3A_902 = arith.maxsi %max3A_901, %select_n3A_820 : vector<16xi32>
      %min3A_903 = vector.broadcast %jit3A_900 : i32 to vector<16xi32>
      %min3A_904 = arith.minsi %min3A_903, %max3A_902 : vector<16xi32>
      %mul3A_905 = arith.constant 512 : i32
      %mul3A_906 = vector.broadcast %mul3A_905 : i32 to vector<16xi32>
      %mul3A_907 = arith.muli %min3A_904, %mul3A_906 : vector<16xi32>
      %add3A_908 = vector.broadcast %mul3A_648 : i32 to vector<16xi32>
      %add3A_909 = arith.addi %add3A_908, %mul3A_907 : vector<16xi32>
      %jit3A_910 = arith.constant 0 : i32
      %jit3A_911 = arith.constant 511 : i32
      %max3A_912 = vector.broadcast %jit3A_910 : i32 to vector<16xi32>
      %max3A_913 = arith.maxsi %max3A_912, %add3A_830 : vector<16xi32>
      %min3A_914 = vector.broadcast %jit3A_911 : i32 to vector<16xi32>
      %min3A_915 = arith.minsi %min3A_914, %max3A_913 : vector<16xi32>
      %mul3A_916 = arith.constant 512 : i32
      %mul3A_917 = vector.broadcast %mul3A_916 : i32 to vector<16xi32>
      %mul3A_918 = arith.muli %min3A_915, %mul3A_917 : vector<16xi32>
      %add3A_919 = vector.broadcast %mul3A_648 : i32 to vector<16xi32>
      %add3A_920 = arith.addi %add3A_919, %mul3A_918 : vector<16xi32>
      %add3A_921 = arith.addi %add3A_909, %min3A_892 : vector<16xi32>
      %swap3A_922 = arith.constant 16 : index
      %swap3A_923 = tpu.vector_load %arg20[%swap3A_922] {strides = array<i32>} : memref<64xi32, #tpu.memory_space<vmem>>, vector<16xi32>,
      tpu.vector_store %arg20[%swap3A_922], %add3A_921 {strides = array<i32>} : memref<64xi32, #tpu.memory_space<vmem>>, vector<16xi32>,
      %add3A_924 = arith.addi %add3A_920, %min3A_892 : vector<16xi32>
      %swap3A_925 = arith.constant 16 : index
      %swap3A_926 = tpu.vector_load %arg21[%swap3A_925] {strides = array<i32>} : memref<64xi32, #tpu.memory_space<vmem>>, vector<16xi32>,
      tpu.vector_store %arg21[%swap3A_925], %add3A_924 {strides = array<i32>} : memref<64xi32, #tpu.memory_space<vmem>>, vector<16xi32>,
      %add3A_927 = arith.addi %add3A_909, %min3A_898 : vector<16xi32>
      %swap3A_928 = arith.constant 16 : index
      %swap3A_929 = tpu.vector_load %arg22[%swap3A_928] {strides = array<i32>} : memref<64xi32, #tpu.memory_space<vmem>>, vector<16xi32>,
      tpu.vector_store %arg22[%swap3A_928], %add3A_927 {strides = array<i32>} : memref<64xi32, #tpu.memory_space<vmem>>, vector<16xi32>,
      %add3A_930 = arith.addi %add3A_920, %min3A_898 : vector<16xi32>
      %swap3A_931 = arith.constant 16 : index
      %swap3A_932 = tpu.vector_load %arg23[%swap3A_931] {strides = array<i32>} : memref<64xi32, #tpu.memory_space<vmem>>, vector<16xi32>,
      tpu.vector_store %arg23[%swap3A_931], %add3A_930 {strides = array<i32>} : memref<64xi32, #tpu.memory_space<vmem>>, vector<16xi32>,
      %get3A_933 = arith.constant 32 : index
      %get3A_934 = tpu.vector_load %arg6[%get3A_933] {strides = array<i32>} : memref<64xf32, #tpu.memory_space<vmem>>, vector<16xf32>,
      %add3A_935 = arith.constant 1.000000e+00 : f32
      %add3A_936 = vector.broadcast %add3A_935 : f32 to vector<16xf32>
      %add3A_937 = arith.addf %get3A_934, %add3A_936 : vector<16xf32>
      %mul3A_938 = arith.constant 2.555000e+02 : f32
      %mul3A_939 = vector.broadcast %mul3A_938 : f32 to vector<16xf32>
      %mul3A_940 = arith.mulf %add3A_937, %mul3A_939 : vector<16xf32>
      %get3A_941 = arith.constant 32 : index
      %get3A_942 = tpu.vector_load %arg7[%get3A_941] {strides = array<i32>} : memref<64xf32, #tpu.memory_space<vmem>>, vector<16xf32>,
      %add3A_943 = arith.constant 1.000000e+00 : f32
      %add3A_944 = vector.broadcast %add3A_943 : f32 to vector<16xf32>
      %add3A_945 = arith.addf %get3A_942, %add3A_944 : vector<16xf32>
      %mul3A_946 = arith.constant 2.555000e+02 : f32
      %mul3A_947 = vector.broadcast %mul3A_946 : f32 to vector<16xf32>
      %mul3A_948 = arith.mulf %add3A_945, %mul3A_947 : vector<16xf32>
      %convert_element_type3A_949 = arith.fptosi %mul3A_940 : vector<16xf32> to vector<16xi32>
      %convert_element_type3A_950 = arith.sitofp %convert_element_type3A_949 : vector<16xi32> to vector<16xf32>
      %gt3A_951 = arith.cmpf ogt, %convert_element_type3A_950, %mul3A_940 : vector<16xf32>
      %sub3A_952 = arith.constant 1 : i32
      %sub3A_953 = vector.broadcast %sub3A_952 : i32 to vector<16xi32>
      %sub3A_954 = arith.subi %convert_element_type3A_949, %sub3A_953 : vector<16xi32>
      %select_n3A_955 = arith.select %gt3A_951, %sub3A_954, %convert_element_type3A_949 : vector<16xi1>, vector<16xi32>
      %convert_element_type3A_956 = arith.fptosi %mul3A_948 : vector<16xf32> to vector<16xi32>
      %convert_element_type3A_957 = arith.sitofp %convert_element_type3A_956 : vector<16xi32> to vector<16xf32>
      %gt3A_958 = arith.cmpf ogt, %convert_element_type3A_957, %mul3A_948 : vector<16xf32>
      %sub3A_959 = arith.constant 1 : i32
      %sub3A_960 = vector.broadcast %sub3A_959 : i32 to vector<16xi32>
      %sub3A_961 = arith.subi %convert_element_type3A_956, %sub3A_960 : vector<16xi32>
      %select_n3A_962 = arith.select %gt3A_958, %sub3A_961, %convert_element_type3A_956 : vector<16xi1>, vector<16xi32>
      %convert_element_type3A_963 = arith.sitofp %select_n3A_955 : vector<16xi32> to vector<16xf32>
      %sub3A_964 = arith.subf %mul3A_940, %convert_element_type3A_963 : vector<16xf32>
      %convert_element_type3A_965 = arith.sitofp %select_n3A_962 : vector<16xi32> to vector<16xf32>
      %sub3A_966 = arith.subf %mul3A_948, %convert_element_type3A_965 : vector<16xf32>
      %add3A_967 = arith.constant 1 : i32
      %add3A_968 = vector.broadcast %add3A_967 : i32 to vector<16xi32>
      %add3A_969 = arith.addi %select_n3A_955, %add3A_968 : vector<16xi32>
      %add3A_970 = arith.constant 1 : i32
      %add3A_971 = vector.broadcast %add3A_970 : i32 to vector<16xi32>
      %add3A_972 = arith.addi %select_n3A_962, %add3A_971 : vector<16xi32>
      %ge3A_973 = arith.constant 0 : i32
      %ge3A_974 = vector.broadcast %ge3A_973 : i32 to vector<16xi32>
      %ge3A_975 = arith.cmpi sge, %select_n3A_955, %ge3A_974 : vector<16xi32>
      %lt3A_976 = arith.constant 512 : i32
      %lt3A_977 = vector.broadcast %lt3A_976 : i32 to vector<16xi32>
      %lt3A_978 = arith.cmpi slt, %select_n3A_955, %lt3A_977 : vector<16xi32>
      %and3A_979 = arith.andi %ge3A_975, %lt3A_978 : vector<16xi1>
      %ge3A_980 = arith.constant 0 : i32
      %ge3A_981 = vector.broadcast %ge3A_980 : i32 to vector<16xi32>
      %ge3A_982 = arith.cmpi sge, %add3A_969, %ge3A_981 : vector<16xi32>
      %lt3A_983 = arith.constant 512 : i32
      %lt3A_984 = vector.broadcast %lt3A_983 : i32 to vector<16xi32>
      %lt3A_985 = arith.cmpi slt, %add3A_969, %lt3A_984 : vector<16xi32>
      %and3A_986 = arith.andi %ge3A_982, %lt3A_985 : vector<16xi1>
      %ge3A_987 = arith.constant 0 : i32
      %ge3A_988 = vector.broadcast %ge3A_987 : i32 to vector<16xi32>
      %ge3A_989 = arith.cmpi sge, %select_n3A_962, %ge3A_988 : vector<16xi32>
      %lt3A_990 = arith.constant 512 : i32
      %lt3A_991 = vector.broadcast %lt3A_990 : i32 to vector<16xi32>
      %lt3A_992 = arith.cmpi slt, %select_n3A_962, %lt3A_991 : vector<16xi32>
      %and3A_993 = arith.andi %ge3A_989, %lt3A_992 : vector<16xi1>
      %ge3A_994 = arith.constant 0 : i32
      %ge3A_995 = vector.broadcast %ge3A_994 : i32 to vector<16xi32>
      %ge3A_996 = arith.cmpi sge, %add3A_972, %ge3A_995 : vector<16xi32>
      %lt3A_997 = arith.constant 512 : i32
      %lt3A_998 = vector.broadcast %lt3A_997 : i32 to vector<16xi32>
      %lt3A_999 = arith.cmpi slt, %add3A_972, %lt3A_998 : vector<16xi32>
      %and3A_1000 = arith.andi %ge3A_996, %lt3A_999 : vector<16xi1>
      %sub3A_1001 = arith.constant 1.000000e+00 : f32
      %sub3A_1002 = vector.broadcast %sub3A_1001 : f32 to vector<16xf32>
      %sub3A_1003 = arith.subf %sub3A_1002, %sub3A_964 : vector<16xf32>
      %sub3A_1004 = arith.constant 1.000000e+00 : f32
      %sub3A_1005 = vector.broadcast %sub3A_1004 : f32 to vector<16xf32>
      %sub3A_1006 = arith.subf %sub3A_1005, %sub3A_966 : vector<16xf32>
      %broadcast_in_dim3A_1007 = arith.constant 0.000000e+00 : f32
      %broadcast_in_dim3A_1008 = vector.broadcast %broadcast_in_dim3A_1007 : f32 to vector<16xf32>
      %and3A_1009 = arith.andi %and3A_979, %and3A_993 : vector<16xi1>
      %mul3A_1010 = arith.mulf %sub3A_1003, %sub3A_1006 : vector<16xf32>
      %select_n3A_1011 = arith.select %and3A_1009, %mul3A_1010, %broadcast_in_dim3A_1008 : vector<16xi1>, vector<16xf32>
      %swap3A_1012 = arith.constant 32 : index
      %swap3A_1013 = tpu.vector_load %arg12[%swap3A_1012] {strides = array<i32>} : memref<64xf32, #tpu.memory_space<vmem>>, vector<16xf32>,
      tpu.vector_store %arg12[%swap3A_1012], %select_n3A_1011 {strides = array<i32>} : memref<64xf32, #tpu.memory_space<vmem>>, vector<16xf32>,
      %and3A_1014 = arith.andi %and3A_979, %and3A_1000 : vector<16xi1>
      %mul3A_1015 = arith.mulf %sub3A_1003, %sub3A_966 : vector<16xf32>
      %select_n3A_1016 = arith.select %and3A_1014, %mul3A_1015, %broadcast_in_dim3A_1008 : vector<16xi1>, vector<16xf32>
      %swap3A_1017 = arith.constant 32 : index
      %swap3A_1018 = tpu.vector_load %arg13[%swap3A_1017] {strides = array<i32>} : memref<64xf32, #tpu.memory_space<vmem>>, vector<16xf32>,
      tpu.vector_store %arg13[%swap3A_1017], %select_n3A_1016 {strides = array<i32>} : memref<64xf32, #tpu.memory_space<vmem>>, vector<16xf32>,
      %and3A_1019 = arith.andi %and3A_986, %and3A_993 : vector<16xi1>
      %mul3A_1020 = arith.mulf %sub3A_964, %sub3A_1006 : vector<16xf32>
      %select_n3A_1021 = arith.select %and3A_1019, %mul3A_1020, %broadcast_in_dim3A_1008 : vector<16xi1>, vector<16xf32>
      %swap3A_1022 = arith.constant 32 : index
      %swap3A_1023 = tpu.vector_load %arg14[%swap3A_1022] {strides = array<i32>} : memref<64xf32, #tpu.memory_space<vmem>>, vector<16xf32>,
      tpu.vector_store %arg14[%swap3A_1022], %select_n3A_1021 {strides = array<i32>} : memref<64xf32, #tpu.memory_space<vmem>>, vector<16xf32>,
      %and3A_1024 = arith.andi %and3A_986, %and3A_1000 : vector<16xi1>
      %mul3A_1025 = arith.mulf %sub3A_964, %sub3A_966 : vector<16xf32>
      %select_n3A_1026 = arith.select %and3A_1024, %mul3A_1025, %broadcast_in_dim3A_1008 : vector<16xi1>, vector<16xf32>
      %swap3A_1027 = arith.constant 32 : index
      %swap3A_1028 = tpu.vector_load %arg15[%swap3A_1027] {strides = array<i32>} : memref<64xf32, #tpu.memory_space<vmem>>, vector<16xf32>,
      tpu.vector_store %arg15[%swap3A_1027], %select_n3A_1026 {strides = array<i32>} : memref<64xf32, #tpu.memory_space<vmem>>, vector<16xf32>,
      %jit3A_1029 = arith.constant 0 : i32
      %jit3A_1030 = arith.constant 511 : i32
      %max3A_1031 = vector.broadcast %jit3A_1029 : i32 to vector<16xi32>
      %max3A_1032 = arith.maxsi %max3A_1031, %select_n3A_955 : vector<16xi32>
      %min3A_1033 = vector.broadcast %jit3A_1030 : i32 to vector<16xi32>
      %min3A_1034 = arith.minsi %min3A_1033, %max3A_1032 : vector<16xi32>
      %jit3A_1035 = arith.constant 0 : i32
      %jit3A_1036 = arith.constant 511 : i32
      %max3A_1037 = vector.broadcast %jit3A_1035 : i32 to vector<16xi32>
      %max3A_1038 = arith.maxsi %max3A_1037, %add3A_969 : vector<16xi32>
      %min3A_1039 = vector.broadcast %jit3A_1036 : i32 to vector<16xi32>
      %min3A_1040 = arith.minsi %min3A_1039, %max3A_1038 : vector<16xi32>
      %jit3A_1041 = arith.constant 0 : i32
      %jit3A_1042 = arith.constant 511 : i32
      %max3A_1043 = vector.broadcast %jit3A_1041 : i32 to vector<16xi32>
      %max3A_1044 = arith.maxsi %max3A_1043, %select_n3A_962 : vector<16xi32>
      %min3A_1045 = vector.broadcast %jit3A_1042 : i32 to vector<16xi32>
      %min3A_1046 = arith.minsi %min3A_1045, %max3A_1044 : vector<16xi32>
      %mul3A_1047 = arith.constant 512 : i32
      %mul3A_1048 = vector.broadcast %mul3A_1047 : i32 to vector<16xi32>
      %mul3A_1049 = arith.muli %min3A_1046, %mul3A_1048 : vector<16xi32>
      %add3A_1050 = vector.broadcast %mul3A_648 : i32 to vector<16xi32>
      %add3A_1051 = arith.addi %add3A_1050, %mul3A_1049 : vector<16xi32>
      %jit3A_1052 = arith.constant 0 : i32
      %jit3A_1053 = arith.constant 511 : i32
      %max3A_1054 = vector.broadcast %jit3A_1052 : i32 to vector<16xi32>
      %max3A_1055 = arith.maxsi %max3A_1054, %add3A_972 : vector<16xi32>
      %min3A_1056 = vector.broadcast %jit3A_1053 : i32 to vector<16xi32>
      %min3A_1057 = arith.minsi %min3A_1056, %max3A_1055 : vector<16xi32>
      %mul3A_1058 = arith.constant 512 : i32
      %mul3A_1059 = vector.broadcast %mul3A_1058 : i32 to vector<16xi32>
      %mul3A_1060 = arith.muli %min3A_1057, %mul3A_1059 : vector<16xi32>
      %add3A_1061 = vector.broadcast %mul3A_648 : i32 to vector<16xi32>
      %add3A_1062 = arith.addi %add3A_1061, %mul3A_1060 : vector<16xi32>
      %add3A_1063 = arith.addi %add3A_1051, %min3A_1034 : vector<16xi32>
      %swap3A_1064 = arith.constant 32 : index
      %swap3A_1065 = tpu.vector_load %arg20[%swap3A_1064] {strides = array<i32>} : memref<64xi32, #tpu.memory_space<vmem>>, vector<16xi32>,
      tpu.vector_store %arg20[%swap3A_1064], %add3A_1063 {strides = array<i32>} : memref<64xi32, #tpu.memory_space<vmem>>, vector<16xi32>,
      %add3A_1066 = arith.addi %add3A_1062, %min3A_1034 : vector<16xi32>
      %swap3A_1067 = arith.constant 32 : index
      %swap3A_1068 = tpu.vector_load %arg21[%swap3A_1067] {strides = array<i32>} : memref<64xi32, #tpu.memory_space<vmem>>, vector<16xi32>,
      tpu.vector_store %arg21[%swap3A_1067], %add3A_1066 {strides = array<i32>} : memref<64xi32, #tpu.memory_space<vmem>>, vector<16xi32>,
      %add3A_1069 = arith.addi %add3A_1051, %min3A_1040 : vector<16xi32>
      %swap3A_1070 = arith.constant 32 : index
      %swap3A_1071 = tpu.vector_load %arg22[%swap3A_1070] {strides = array<i32>} : memref<64xi32, #tpu.memory_space<vmem>>, vector<16xi32>,
      tpu.vector_store %arg22[%swap3A_1070], %add3A_1069 {strides = array<i32>} : memref<64xi32, #tpu.memory_space<vmem>>, vector<16xi32>,
      %add3A_1072 = arith.addi %add3A_1062, %min3A_1040 : vector<16xi32>
      %swap3A_1073 = arith.constant 32 : index
      %swap3A_1074 = tpu.vector_load %arg23[%swap3A_1073] {strides = array<i32>} : memref<64xi32, #tpu.memory_space<vmem>>, vector<16xi32>,
      tpu.vector_store %arg23[%swap3A_1073], %add3A_1072 {strides = array<i32>} : memref<64xi32, #tpu.memory_space<vmem>>, vector<16xi32>,
      %get3A_1075 = arith.constant 48 : index
      %get3A_1076 = tpu.vector_load %arg6[%get3A_1075] {strides = array<i32>} : memref<64xf32, #tpu.memory_space<vmem>>, vector<16xf32>,
      %add3A_1077 = arith.constant 1.000000e+00 : f32
      %add3A_1078 = vector.broadcast %add3A_1077 : f32 to vector<16xf32>
      %add3A_1079 = arith.addf %get3A_1076, %add3A_1078 : vector<16xf32>
      %mul3A_1080 = arith.constant 2.555000e+02 : f32
      %mul3A_1081 = vector.broadcast %mul3A_1080 : f32 to vector<16xf32>
      %mul3A_1082 = arith.mulf %add3A_1079, %mul3A_1081 : vector<16xf32>
      %get3A_1083 = arith.constant 48 : index
      %get3A_1084 = tpu.vector_load %arg7[%get3A_1083] {strides = array<i32>} : memref<64xf32, #tpu.memory_space<vmem>>, vector<16xf32>,
      %add3A_1085 = arith.constant 1.000000e+00 : f32
      %add3A_1086 = vector.broadcast %add3A_1085 : f32 to vector<16xf32>
      %add3A_1087 = arith.addf %get3A_1084, %add3A_1086 : vector<16xf32>
      %mul3A_1088 = arith.constant 2.555000e+02 : f32
      %mul3A_1089 = vector.broadcast %mul3A_1088 : f32 to vector<16xf32>
      %mul3A_1090 = arith.mulf %add3A_1087, %mul3A_1089 : vector<16xf32>
      %convert_element_type3A_1091 = arith.fptosi %mul3A_1082 : vector<16xf32> to vector<16xi32>
      %convert_element_type3A_1092 = arith.sitofp %convert_element_type3A_1091 : vector<16xi32> to vector<16xf32>
      %gt3A_1093 = arith.cmpf ogt, %convert_element_type3A_1092, %mul3A_1082 : vector<16xf32>
      %sub3A_1094 = arith.constant 1 : i32
      %sub3A_1095 = vector.broadcast %sub3A_1094 : i32 to vector<16xi32>
      %sub3A_1096 = arith.subi %convert_element_type3A_1091, %sub3A_1095 : vector<16xi32>
      %select_n3A_1097 = arith.select %gt3A_1093, %sub3A_1096, %convert_element_type3A_1091 : vector<16xi1>, vector<16xi32>
      %convert_element_type3A_1098 = arith.fptosi %mul3A_1090 : vector<16xf32> to vector<16xi32>
      %convert_element_type3A_1099 = arith.sitofp %convert_element_type3A_1098 : vector<16xi32> to vector<16xf32>
      %gt3A_1100 = arith.cmpf ogt, %convert_element_type3A_1099, %mul3A_1090 : vector<16xf32>
      %sub3A_1101 = arith.constant 1 : i32
      %sub3A_1102 = vector.broadcast %sub3A_1101 : i32 to vector<16xi32>
      %sub3A_1103 = arith.subi %convert_element_type3A_1098, %sub3A_1102 : vector<16xi32>
      %select_n3A_1104 = arith.select %gt3A_1100, %sub3A_1103, %convert_element_type3A_1098 : vector<16xi1>, vector<16xi32>
      %convert_element_type3A_1105 = arith.sitofp %select_n3A_1097 : vector<16xi32> to vector<16xf32>
      %sub3A_1106 = arith.subf %mul3A_1082, %convert_element_type3A_1105 : vector<16xf32>
      %convert_element_type3A_1107 = arith.sitofp %select_n3A_1104 : vector<16xi32> to vector<16xf32>
      %sub3A_1108 = arith.subf %mul3A_1090, %convert_element_type3A_1107 : vector<16xf32>
      %add3A_1109 = arith.constant 1 : i32
      %add3A_1110 = vector.broadcast %add3A_1109 : i32 to vector<16xi32>
      %add3A_1111 = arith.addi %select_n3A_1097, %add3A_1110 : vector<16xi32>
      %add3A_1112 = arith.constant 1 : i32
      %add3A_1113 = vector.broadcast %add3A_1112 : i32 to vector<16xi32>
      %add3A_1114 = arith.addi %select_n3A_1104, %add3A_1113 : vector<16xi32>
      %ge3A_1115 = arith.constant 0 : i32
      %ge3A_1116 = vector.broadcast %ge3A_1115 : i32 to vector<16xi32>
      %ge3A_1117 = arith.cmpi sge, %select_n3A_1097, %ge3A_1116 : vector<16xi32>
      %lt3A_1118 = arith.constant 512 : i32
      %lt3A_1119 = vector.broadcast %lt3A_1118 : i32 to vector<16xi32>
      %lt3A_1120 = arith.cmpi slt, %select_n3A_1097, %lt3A_1119 : vector<16xi32>
      %and3A_1121 = arith.andi %ge3A_1117, %lt3A_1120 : vector<16xi1>
      %ge3A_1122 = arith.constant 0 : i32
      %ge3A_1123 = vector.broadcast %ge3A_1122 : i32 to vector<16xi32>
      %ge3A_1124 = arith.cmpi sge, %add3A_1111, %ge3A_1123 : vector<16xi32>
      %lt3A_1125 = arith.constant 512 : i32
      %lt3A_1126 = vector.broadcast %lt3A_1125 : i32 to vector<16xi32>
      %lt3A_1127 = arith.cmpi slt, %add3A_1111, %lt3A_1126 : vector<16xi32>
      %and3A_1128 = arith.andi %ge3A_1124, %lt3A_1127 : vector<16xi1>
      %ge3A_1129 = arith.constant 0 : i32
      %ge3A_1130 = vector.broadcast %ge3A_1129 : i32 to vector<16xi32>
      %ge3A_1131 = arith.cmpi sge, %select_n3A_1104, %ge3A_1130 : vector<16xi32>
      %lt3A_1132 = arith.constant 512 : i32
      %lt3A_1133 = vector.broadcast %lt3A_1132 : i32 to vector<16xi32>
      %lt3A_1134 = arith.cmpi slt, %select_n3A_1104, %lt3A_1133 : vector<16xi32>
      %and3A_1135 = arith.andi %ge3A_1131, %lt3A_1134 : vector<16xi1>
      %ge3A_1136 = arith.constant 0 : i32
      %ge3A_1137 = vector.broadcast %ge3A_1136 : i32 to vector<16xi32>
      %ge3A_1138 = arith.cmpi sge, %add3A_1114, %ge3A_1137 : vector<16xi32>
      %lt3A_1139 = arith.constant 512 : i32
      %lt3A_1140 = vector.broadcast %lt3A_1139 : i32 to vector<16xi32>
      %lt3A_1141 = arith.cmpi slt, %add3A_1114, %lt3A_1140 : vector<16xi32>
      %and3A_1142 = arith.andi %ge3A_1138, %lt3A_1141 : vector<16xi1>
      %sub3A_1143 = arith.constant 1.000000e+00 : f32
      %sub3A_1144 = vector.broadcast %sub3A_1143 : f32 to vector<16xf32>
      %sub3A_1145 = arith.subf %sub3A_1144, %sub3A_1106 : vector<16xf32>
      %sub3A_1146 = arith.constant 1.000000e+00 : f32
      %sub3A_1147 = vector.broadcast %sub3A_1146 : f32 to vector<16xf32>
      %sub3A_1148 = arith.subf %sub3A_1147, %sub3A_1108 : vector<16xf32>
      %broadcast_in_dim3A_1149 = arith.constant 0.000000e+00 : f32
      %broadcast_in_dim3A_1150 = vector.broadcast %broadcast_in_dim3A_1149 : f32 to vector<16xf32>
      %and3A_1151 = arith.andi %and3A_1121, %and3A_1135 : vector<16xi1>
      %mul3A_1152 = arith.mulf %sub3A_1145, %sub3A_1148 : vector<16xf32>
      %select_n3A_1153 = arith.select %and3A_1151, %mul3A_1152, %broadcast_in_dim3A_1150 : vector<16xi1>, vector<16xf32>
      %swap3A_1154 = arith.constant 48 : index
      %swap3A_1155 = tpu.vector_load %arg12[%swap3A_1154] {strides = array<i32>} : memref<64xf32, #tpu.memory_space<vmem>>, vector<16xf32>,
      tpu.vector_store %arg12[%swap3A_1154], %select_n3A_1153 {strides = array<i32>} : memref<64xf32, #tpu.memory_space<vmem>>, vector<16xf32>,
      %and3A_1156 = arith.andi %and3A_1121, %and3A_1142 : vector<16xi1>
      %mul3A_1157 = arith.mulf %sub3A_1145, %sub3A_1108 : vector<16xf32>
      %select_n3A_1158 = arith.select %and3A_1156, %mul3A_1157, %broadcast_in_dim3A_1150 : vector<16xi1>, vector<16xf32>
      %swap3A_1159 = arith.constant 48 : index
      %swap3A_1160 = tpu.vector_load %arg13[%swap3A_1159] {strides = array<i32>} : memref<64xf32, #tpu.memory_space<vmem>>, vector<16xf32>,
      tpu.vector_store %arg13[%swap3A_1159], %select_n3A_1158 {strides = array<i32>} : memref<64xf32, #tpu.memory_space<vmem>>, vector<16xf32>,
      %and3A_1161 = arith.andi %and3A_1128, %and3A_1135 : vector<16xi1>
      %mul3A_1162 = arith.mulf %sub3A_1106, %sub3A_1148 : vector<16xf32>
      %select_n3A_1163 = arith.select %and3A_1161, %mul3A_1162, %broadcast_in_dim3A_1150 : vector<16xi1>, vector<16xf32>
      %swap3A_1164 = arith.constant 48 : index
      %swap3A_1165 = tpu.vector_load %arg14[%swap3A_1164] {strides = array<i32>} : memref<64xf32, #tpu.memory_space<vmem>>, vector<16xf32>,
      tpu.vector_store %arg14[%swap3A_1164], %select_n3A_1163 {strides = array<i32>} : memref<64xf32, #tpu.memory_space<vmem>>, vector<16xf32>,
      %and3A_1166 = arith.andi %and3A_1128, %and3A_1142 : vector<16xi1>
      %mul3A_1167 = arith.mulf %sub3A_1106, %sub3A_1108 : vector<16xf32>
      %select_n3A_1168 = arith.select %and3A_1166, %mul3A_1167, %broadcast_in_dim3A_1150 : vector<16xi1>, vector<16xf32>
      %swap3A_1169 = arith.constant 48 : index
      %swap3A_1170 = tpu.vector_load %arg15[%swap3A_1169] {strides = array<i32>} : memref<64xf32, #tpu.memory_space<vmem>>, vector<16xf32>,
      tpu.vector_store %arg15[%swap3A_1169], %select_n3A_1168 {strides = array<i32>} : memref<64xf32, #tpu.memory_space<vmem>>, vector<16xf32>,
      %jit3A_1171 = arith.constant 0 : i32
      %jit3A_1172 = arith.constant 511 : i32
      %max3A_1173 = vector.broadcast %jit3A_1171 : i32 to vector<16xi32>
      %max3A_1174 = arith.maxsi %max3A_1173, %select_n3A_1097 : vector<16xi32>
      %min3A_1175 = vector.broadcast %jit3A_1172 : i32 to vector<16xi32>
      %min3A_1176 = arith.minsi %min3A_1175, %max3A_1174 : vector<16xi32>
      %jit3A_1177 = arith.constant 0 : i32
      %jit3A_1178 = arith.constant 511 : i32
      %max3A_1179 = vector.broadcast %jit3A_1177 : i32 to vector<16xi32>
      %max3A_1180 = arith.maxsi %max3A_1179, %add3A_1111 : vector<16xi32>
      %min3A_1181 = vector.broadcast %jit3A_1178 : i32 to vector<16xi32>
      %min3A_1182 = arith.minsi %min3A_1181, %max3A_1180 : vector<16xi32>
      %jit3A_1183 = arith.constant 0 : i32
      %jit3A_1184 = arith.constant 511 : i32
      %max3A_1185 = vector.broadcast %jit3A_1183 : i32 to vector<16xi32>
      %max3A_1186 = arith.maxsi %max3A_1185, %select_n3A_1104 : vector<16xi32>
      %min3A_1187 = vector.broadcast %jit3A_1184 : i32 to vector<16xi32>
      %min3A_1188 = arith.minsi %min3A_1187, %max3A_1186 : vector<16xi32>
      %mul3A_1189 = arith.constant 512 : i32
      %mul3A_1190 = vector.broadcast %mul3A_1189 : i32 to vector<16xi32>
      %mul3A_1191 = arith.muli %min3A_1188, %mul3A_1190 : vector<16xi32>
      %add3A_1192 = vector.broadcast %mul3A_648 : i32 to vector<16xi32>
      %add3A_1193 = arith.addi %add3A_1192, %mul3A_1191 : vector<16xi32>
      %jit3A_1194 = arith.constant 0 : i32
      %jit3A_1195 = arith.constant 511 : i32
      %max3A_1196 = vector.broadcast %jit3A_1194 : i32 to vector<16xi32>
      %max3A_1197 = arith.maxsi %max3A_1196, %add3A_1114 : vector<16xi32>
      %min3A_1198 = vector.broadcast %jit3A_1195 : i32 to vector<16xi32>
      %min3A_1199 = arith.minsi %min3A_1198, %max3A_1197 : vector<16xi32>
      %mul3A_1200 = arith.constant 512 : i32
      %mul3A_1201 = vector.broadcast %mul3A_1200 : i32 to vector<16xi32>
      %mul3A_1202 = arith.muli %min3A_1199, %mul3A_1201 : vector<16xi32>
      %add3A_1203 = vector.broadcast %mul3A_648 : i32 to vector<16xi32>
      %add3A_1204 = arith.addi %add3A_1203, %mul3A_1202 : vector<16xi32>
      %add3A_1205 = arith.addi %add3A_1193, %min3A_1176 : vector<16xi32>
      %swap3A_1206 = arith.constant 48 : index
      %swap3A_1207 = tpu.vector_load %arg20[%swap3A_1206] {strides = array<i32>} : memref<64xi32, #tpu.memory_space<vmem>>, vector<16xi32>,
      tpu.vector_store %arg20[%swap3A_1206], %add3A_1205 {strides = array<i32>} : memref<64xi32, #tpu.memory_space<vmem>>, vector<16xi32>,
      %add3A_1208 = arith.addi %add3A_1204, %min3A_1176 : vector<16xi32>
      %swap3A_1209 = arith.constant 48 : index
      %swap3A_1210 = tpu.vector_load %arg21[%swap3A_1209] {strides = array<i32>} : memref<64xi32, #tpu.memory_space<vmem>>, vector<16xi32>,
      tpu.vector_store %arg21[%swap3A_1209], %add3A_1208 {strides = array<i32>} : memref<64xi32, #tpu.memory_space<vmem>>, vector<16xi32>,
      %add3A_1211 = arith.addi %add3A_1193, %min3A_1182 : vector<16xi32>
      %swap3A_1212 = arith.constant 48 : index
      %swap3A_1213 = tpu.vector_load %arg22[%swap3A_1212] {strides = array<i32>} : memref<64xi32, #tpu.memory_space<vmem>>, vector<16xi32>,
      tpu.vector_store %arg22[%swap3A_1212], %add3A_1211 {strides = array<i32>} : memref<64xi32, #tpu.memory_space<vmem>>, vector<16xi32>,
      %add3A_1214 = arith.addi %add3A_1204, %min3A_1182 : vector<16xi32>
      %swap3A_1215 = arith.constant 48 : index
      %swap3A_1216 = tpu.vector_load %arg23[%swap3A_1215] {strides = array<i32>} : memref<64xi32, #tpu.memory_space<vmem>>, vector<16xi32>,
      tpu.vector_store %arg23[%swap3A_1215], %add3A_1214 {strides = array<i32>} : memref<64xi32, #tpu.memory_space<vmem>>, vector<16xi32>,
      %dma_start3A_1217 = arith.constant 0 : i32
      %dma_start3A_1218 = arith.constant 0 : i32
      %dma_start3A_1219 = tpu.memref_slice %arg2[%dma_start3A_1217, %dma_start3A_1218] : memref<1048576x128xf32, #tpu.memory_space<hbm>> -> memref<1048576x128xf32, #tpu.memory_space<hbm>>
      tpu.enqueue_indirect_dma source(%dma_start3A_1219 : memref<1048576x128xf32, #tpu.memory_space<hbm>>) target(%arg28 : memref<64x128xf32, #tpu.memory_space<vmem>>) offsets(%arg20 : memref<64xi32, #tpu.memory_space<vmem>>) semaphore(%arg35 : memref<!tpu.dma_semaphore, #tpu.memory_space<semaphore_mem>>)
      %dma_start3A_1220 = arith.constant 0 : i32
      %dma_start3A_1221 = arith.constant 0 : i32
      %dma_start3A_1222 = tpu.memref_slice %arg2[%dma_start3A_1220, %dma_start3A_1221] : memref<1048576x128xf32, #tpu.memory_space<hbm>> -> memref<1048576x128xf32, #tpu.memory_space<hbm>>
      tpu.enqueue_indirect_dma source(%dma_start3A_1222 : memref<1048576x128xf32, #tpu.memory_space<hbm>>) target(%arg29 : memref<64x128xf32, #tpu.memory_space<vmem>>) offsets(%arg21 : memref<64xi32, #tpu.memory_space<vmem>>) semaphore(%arg35 : memref<!tpu.dma_semaphore, #tpu.memory_space<semaphore_mem>>)
      %dma_start3A_1223 = arith.constant 0 : i32
      %dma_start3A_1224 = arith.constant 0 : i32
      %dma_start3A_1225 = tpu.memref_slice %arg2[%dma_start3A_1223, %dma_start3A_1224] : memref<1048576x128xf32, #tpu.memory_space<hbm>> -> memref<1048576x128xf32, #tpu.memory_space<hbm>>
      tpu.enqueue_indirect_dma source(%dma_start3A_1225 : memref<1048576x128xf32, #tpu.memory_space<hbm>>) target(%arg30 : memref<64x128xf32, #tpu.memory_space<vmem>>) offsets(%arg22 : memref<64xi32, #tpu.memory_space<vmem>>) semaphore(%arg35 : memref<!tpu.dma_semaphore, #tpu.memory_space<semaphore_mem>>)
      %dma_start3A_1226 = arith.constant 0 : i32
      %dma_start3A_1227 = arith.constant 0 : i32
      %dma_start3A_1228 = tpu.memref_slice %arg2[%dma_start3A_1226, %dma_start3A_1227] : memref<1048576x128xf32, #tpu.memory_space<hbm>> -> memref<1048576x128xf32, #tpu.memory_space<hbm>>
      tpu.enqueue_indirect_dma source(%dma_start3A_1228 : memref<1048576x128xf32, #tpu.memory_space<hbm>>) target(%arg31 : memref<64x128xf32, #tpu.memory_space<vmem>>) offsets(%arg23 : memref<64xi32, #tpu.memory_space<vmem>>) semaphore(%arg35 : memref<!tpu.dma_semaphore, #tpu.memory_space<semaphore_mem>>)
      %dma_wait3A_1229 = arith.constant 0 : i32
      %dma_wait3A_1230 = arith.constant 0 : i32
      %dma_wait3A_1231 = tpu.memref_slice %arg2[%dma_wait3A_1229, %dma_wait3A_1230] : memref<1048576x128xf32, #tpu.memory_space<hbm>> -> memref<1048576x128xf32, #tpu.memory_space<hbm>>
      tpu.wait_indirect_dma semaphore(%arg34 : memref<!tpu.dma_semaphore, #tpu.memory_space<semaphore_mem>>) src(%dma_wait3A_1231 : memref<1048576x128xf32, #tpu.memory_space<hbm>>) dst(%arg24 : memref<64x128xf32, #tpu.memory_space<vmem>>)
      %dma_wait3A_1232 = arith.constant 0 : i32
      %dma_wait3A_1233 = arith.constant 0 : i32
      %dma_wait3A_1234 = tpu.memref_slice %arg2[%dma_wait3A_1232, %dma_wait3A_1233] : memref<1048576x128xf32, #tpu.memory_space<hbm>> -> memref<1048576x128xf32, #tpu.memory_space<hbm>>
      tpu.wait_indirect_dma semaphore(%arg34 : memref<!tpu.dma_semaphore, #tpu.memory_space<semaphore_mem>>) src(%dma_wait3A_1234 : memref<1048576x128xf32, #tpu.memory_space<hbm>>) dst(%arg25 : memref<64x128xf32, #tpu.memory_space<vmem>>)
      %dma_wait3A_1235 = arith.constant 0 : i32
      %dma_wait3A_1236 = arith.constant 0 : i32
      %dma_wait3A_1237 = tpu.memref_slice %arg2[%dma_wait3A_1235, %dma_wait3A_1236] : memref<1048576x128xf32, #tpu.memory_space<hbm>> -> memref<1048576x128xf32, #tpu.memory_space<hbm>>
      tpu.wait_indirect_dma semaphore(%arg34 : memref<!tpu.dma_semaphore, #tpu.memory_space<semaphore_mem>>) src(%dma_wait3A_1237 : memref<1048576x128xf32, #tpu.memory_space<hbm>>) dst(%arg26 : memref<64x128xf32, #tpu.memory_space<vmem>>)
      %dma_wait3A_1238 = arith.constant 0 : i32
      %dma_wait3A_1239 = arith.constant 0 : i32
      %dma_wait3A_1240 = tpu.memref_slice %arg2[%dma_wait3A_1238, %dma_wait3A_1239] : memref<1048576x128xf32, #tpu.memory_space<hbm>> -> memref<1048576x128xf32, #tpu.memory_space<hbm>>
      tpu.wait_indirect_dma semaphore(%arg34 : memref<!tpu.dma_semaphore, #tpu.memory_space<semaphore_mem>>) src(%dma_wait3A_1240 : memref<1048576x128xf32, #tpu.memory_space<hbm>>) dst(%arg27 : memref<64x128xf32, #tpu.memory_space<vmem>>)
      %gt3A_1241 = arith.constant 0 : i32
      %gt3A_1242 = arith.cmpi sgt, %scan3A_613, %gt3A_1241 : i32
      %convert_element_type3A_1243 = arith.extui %gt3A_1242 : i1 to i32
      %cond3A = arith.constant 0 : i32
      %cond3A_1244 = arith.cmpi ne, %convert_element_type3A_1243, %cond3A : i32
      scf.if %cond3A_1244 {
        %mul3A_1301 = arith.constant 32768 : i32
        %mul3A_1302 = arith.muli %add3A, %mul3A_1301 : i32
        %mul3A_1303 = arith.constant 64 : i32
        %mul3A_1304 = arith.muli %mul3A_615, %mul3A_1303 : i32
        %add3A_1305 = arith.addi %mul3A_1302, %mul3A_1304 : i32
        %dma_wait3A_1306 = arith.constant 0 : i32
        %dma_wait3A_1307 = tpu.memref_slice %arg5[%add3A_1305, %dma_wait3A_1306] : memref<1048576x128xf32, #tpu.memory_space<hbm>> -> memref<64x128xf32, #tpu.memory_space<hbm>>
        %dma_wait3A_1308 = arith.constant 0 : i32
        %dma_wait3A_1309 = tpu.memref_slice %arg5[%add3A_1305, %dma_wait3A_1308] : memref<1048576x128xf32, #tpu.memory_space<hbm>> -> memref<64x128xf32, #tpu.memory_space<hbm>>
        tpu.wait_dma2 semaphore(%arg36 : memref<!tpu.dma_semaphore, #tpu.memory_space<semaphore_mem>>) src(%arg32 : memref<64x128xf32, #tpu.memory_space<vmem>>) dst(%dma_wait3A_1309 : memref<64x128xf32, #tpu.memory_space<hbm>>)
      } else {
      }
      %scan3A_1245 = arith.constant 0 : i32
      %scan3A_1246 = arith.constant 0 : i32
      %scan3A_1247 = arith.constant 64 : i32
      %scan3A_1248 = arith.addi %scan3A_1246, %scan3A_1247 : i32
      %scan3A_1249 = arith.constant 1 : i32
      scf.for %scan3A_1301 = %scan3A_1246 to %scan3A_1248 step %scan3A_1249  : i32 {
        %broadcast_in_dim3A_1302 = arith.constant 0 : i32
        %broadcast_in_dim3A_1303 = vector.broadcast %broadcast_in_dim3A_1302 : i32 to vector<16xi32>
        %add3A_1304 = vector.broadcast %scan3A_1301 : i32 to vector<16xi32>
        %add3A_1305 = arith.addi %broadcast_in_dim3A_1303, %add3A_1304 : vector<16xi32>
        %gather3A = tpu.vector_load_idx %arg8[%add3A_1305] : memref<64xf32, #tpu.memory_space<vmem>>[vector<16xi32>], vector<16xf32>,
        %gather3A_1306 = tpu.vector_load_idx %arg9[%add3A_1305] : memref<64xf32, #tpu.memory_space<vmem>>[vector<16xi32>], vector<16xf32>,
        %gather3A_1307 = tpu.vector_load_idx %arg10[%add3A_1305] : memref<64xf32, #tpu.memory_space<vmem>>[vector<16xi32>], vector<16xf32>,
        %gather3A_1308 = tpu.vector_load_idx %arg11[%add3A_1305] : memref<64xf32, #tpu.memory_space<vmem>>[vector<16xi32>], vector<16xf32>,
        %get3A_1309 = arith.index_cast %scan3A_1301 : i32 to index
        %get3A_1310 = arith.constant 0 : index
        %get3A_1311 = tpu.vector_load %arg24[%get3A_1309, %get3A_1310] {strides = array<i32>} : memref<64x128xf32, #tpu.memory_space<vmem>>, vector<16xf32>,
        %mul3A_1312 = arith.mulf %gather3A, %get3A_1311 : vector<16xf32>
        %get3A_1313 = arith.index_cast %scan3A_1301 : i32 to index
        %get3A_1314 = arith.constant 0 : index
        %get3A_1315 = tpu.vector_load %arg25[%get3A_1313, %get3A_1314] {strides = array<i32>} : memref<64x128xf32, #tpu.memory_space<vmem>>, vector<16xf32>,
        %mul3A_1316 = arith.mulf %gather3A_1306, %get3A_1315 : vector<16xf32>
        %add3A_1317 = arith.addf %mul3A_1312, %mul3A_1316 : vector<16xf32>
        %get3A_1318 = arith.index_cast %scan3A_1301 : i32 to index
        %get3A_1319 = arith.constant 0 : index
        %get3A_1320 = tpu.vector_load %arg26[%get3A_1318, %get3A_1319] {strides = array<i32>} : memref<64x128xf32, #tpu.memory_space<vmem>>, vector<16xf32>,
        %mul3A_1321 = arith.mulf %gather3A_1307, %get3A_1320 : vector<16xf32>
        %add3A_1322 = arith.addf %add3A_1317, %mul3A_1321 : vector<16xf32>
        %get3A_1323 = arith.index_cast %scan3A_1301 : i32 to index
        %get3A_1324 = arith.constant 0 : index
        %get3A_1325 = tpu.vector_load %arg27[%get3A_1323, %get3A_1324] {strides = array<i32>} : memref<64x128xf32, #tpu.memory_space<vmem>>, vector<16xf32>,
        %mul3A_1326 = arith.mulf %gather3A_1308, %get3A_1325 : vector<16xf32>
        %add3A_1327 = arith.addf %add3A_1322, %mul3A_1326 : vector<16xf32>
        %swap3A_1328 = arith.index_cast %scan3A_1301 : i32 to index
        %swap3A_1329 = arith.constant 0 : index
        %swap3A_1330 = tpu.vector_load %arg32[%swap3A_1328, %swap3A_1329] {strides = array<i32>} : memref<64x128xf32, #tpu.memory_space<vmem>>, vector<16xf32>,
        tpu.vector_store %arg32[%swap3A_1328, %swap3A_1329], %add3A_1327 {strides = array<i32>} : memref<64x128xf32, #tpu.memory_space<vmem>>, vector<16xf32>,
        %get3A_1331 = arith.index_cast %scan3A_1301 : i32 to index
        %get3A_1332 = arith.constant 16 : index
        %get3A_1333 = tpu.vector_load %arg24[%get3A_1331, %get3A_1332] {strides = array<i32>} : memref<64x128xf32, #tpu.memory_space<vmem>>, vector<16xf32>,
        %mul3A_1334 = arith.mulf %gather3A, %get3A_1333 : vector<16xf32>
        %get3A_1335 = arith.index_cast %scan3A_1301 : i32 to index
        %get3A_1336 = arith.constant 16 : index
        %get3A_1337 = tpu.vector_load %arg25[%get3A_1335, %get3A_1336] {strides = array<i32>} : memref<64x128xf32, #tpu.memory_space<vmem>>, vector<16xf32>,
        %mul3A_1338 = arith.mulf %gather3A_1306, %get3A_1337 : vector<16xf32>
        %add3A_1339 = arith.addf %mul3A_1334, %mul3A_1338 : vector<16xf32>
        %get3A_1340 = arith.index_cast %scan3A_1301 : i32 to index
        %get3A_1341 = arith.constant 16 : index
        %get3A_1342 = tpu.vector_load %arg26[%get3A_1340, %get3A_1341] {strides = array<i32>} : memref<64x128xf32, #tpu.memory_space<vmem>>, vector<16xf32>,
        %mul3A_1343 = arith.mulf %gather3A_1307, %get3A_1342 : vector<16xf32>
        %add3A_1344 = arith.addf %add3A_1339, %mul3A_1343 : vector<16xf32>
        %get3A_1345 = arith.index_cast %scan3A_1301 : i32 to index
        %get3A_1346 = arith.constant 16 : index
        %get3A_1347 = tpu.vector_load %arg27[%get3A_1345, %get3A_1346] {strides = array<i32>} : memref<64x128xf32, #tpu.memory_space<vmem>>, vector<16xf32>,
        %mul3A_1348 = arith.mulf %gather3A_1308, %get3A_1347 : vector<16xf32>
        %add3A_1349 = arith.addf %add3A_1344, %mul3A_1348 : vector<16xf32>
        %swap3A_1350 = arith.index_cast %scan3A_1301 : i32 to index
        %swap3A_1351 = arith.constant 16 : index
        %swap3A_1352 = tpu.vector_load %arg32[%swap3A_1350, %swap3A_1351] {strides = array<i32>} : memref<64x128xf32, #tpu.memory_space<vmem>>, vector<16xf32>,
        tpu.vector_store %arg32[%swap3A_1350, %swap3A_1351], %add3A_1349 {strides = array<i32>} : memref<64x128xf32, #tpu.memory_space<vmem>>, vector<16xf32>,
        %get3A_1353 = arith.index_cast %scan3A_1301 : i32 to index
        %get3A_1354 = arith.constant 32 : index
        %get3A_1355 = tpu.vector_load %arg24[%get3A_1353, %get3A_1354] {strides = array<i32>} : memref<64x128xf32, #tpu.memory_space<vmem>>, vector<16xf32>,
        %mul3A_1356 = arith.mulf %gather3A, %get3A_1355 : vector<16xf32>
        %get3A_1357 = arith.index_cast %scan3A_1301 : i32 to index
        %get3A_1358 = arith.constant 32 : index
        %get3A_1359 = tpu.vector_load %arg25[%get3A_1357, %get3A_1358] {strides = array<i32>} : memref<64x128xf32, #tpu.memory_space<vmem>>, vector<16xf32>,
        %mul3A_1360 = arith.mulf %gather3A_1306, %get3A_1359 : vector<16xf32>
        %add3A_1361 = arith.addf %mul3A_1356, %mul3A_1360 : vector<16xf32>
        %get3A_1362 = arith.index_cast %scan3A_1301 : i32 to index
        %get3A_1363 = arith.constant 32 : index
        %get3A_1364 = tpu.vector_load %arg26[%get3A_1362, %get3A_1363] {strides = array<i32>} : memref<64x128xf32, #tpu.memory_space<vmem>>, vector<16xf32>,
        %mul3A_1365 = arith.mulf %gather3A_1307, %get3A_1364 : vector<16xf32>
        %add3A_1366 = arith.addf %add3A_1361, %mul3A_1365 : vector<16xf32>
        %get3A_1367 = arith.index_cast %scan3A_1301 : i32 to index
        %get3A_1368 = arith.constant 32 : index
        %get3A_1369 = tpu.vector_load %arg27[%get3A_1367, %get3A_1368] {strides = array<i32>} : memref<64x128xf32, #tpu.memory_space<vmem>>, vector<16xf32>,
        %mul3A_1370 = arith.mulf %gather3A_1308, %get3A_1369 : vector<16xf32>
        %add3A_1371 = arith.addf %add3A_1366, %mul3A_1370 : vector<16xf32>
        %swap3A_1372 = arith.index_cast %scan3A_1301 : i32 to index
        %swap3A_1373 = arith.constant 32 : index
        %swap3A_1374 = tpu.vector_load %arg32[%swap3A_1372, %swap3A_1373] {strides = array<i32>} : memref<64x128xf32, #tpu.memory_space<vmem>>, vector<16xf32>,
        tpu.vector_store %arg32[%swap3A_1372, %swap3A_1373], %add3A_1371 {strides = array<i32>} : memref<64x128xf32, #tpu.memory_space<vmem>>, vector<16xf32>,
        %get3A_1375 = arith.index_cast %scan3A_1301 : i32 to index
        %get3A_1376 = arith.constant 48 : index
        %get3A_1377 = tpu.vector_load %arg24[%get3A_1375, %get3A_1376] {strides = array<i32>} : memref<64x128xf32, #tpu.memory_space<vmem>>, vector<16xf32>,
        %mul3A_1378 = arith.mulf %gather3A, %get3A_1377 : vector<16xf32>
        %get3A_1379 = arith.index_cast %scan3A_1301 : i32 to index
        %get3A_1380 = arith.constant 48 : index
        %get3A_1381 = tpu.vector_load %arg25[%get3A_1379, %get3A_1380] {strides = array<i32>} : memref<64x128xf32, #tpu.memory_space<vmem>>, vector<16xf32>,
        %mul3A_1382 = arith.mulf %gather3A_1306, %get3A_1381 : vector<16xf32>
        %add3A_1383 = arith.addf %mul3A_1378, %mul3A_1382 : vector<16xf32>
        %get3A_1384 = arith.index_cast %scan3A_1301 : i32 to index
        %get3A_1385 = arith.constant 48 : index
        %get3A_1386 = tpu.vector_load %arg26[%get3A_1384, %get3A_1385] {strides = array<i32>} : memref<64x128xf32, #tpu.memory_space<vmem>>, vector<16xf32>,
        %mul3A_1387 = arith.mulf %gather3A_1307, %get3A_1386 : vector<16xf32>
        %add3A_1388 = arith.addf %add3A_1383, %mul3A_1387 : vector<16xf32>
        %get3A_1389 = arith.index_cast %scan3A_1301 : i32 to index
        %get3A_1390 = arith.constant 48 : index
        %get3A_1391 = tpu.vector_load %arg27[%get3A_1389, %get3A_1390] {strides = array<i32>} : memref<64x128xf32, #tpu.memory_space<vmem>>, vector<16xf32>,
        %mul3A_1392 = arith.mulf %gather3A_1308, %get3A_1391 : vector<16xf32>
        %add3A_1393 = arith.addf %add3A_1388, %mul3A_1392 : vector<16xf32>
        %swap3A_1394 = arith.index_cast %scan3A_1301 : i32 to index
        %swap3A_1395 = arith.constant 48 : index
        %swap3A_1396 = tpu.vector_load %arg32[%swap3A_1394, %swap3A_1395] {strides = array<i32>} : memref<64x128xf32, #tpu.memory_space<vmem>>, vector<16xf32>,
        tpu.vector_store %arg32[%swap3A_1394, %swap3A_1395], %add3A_1393 {strides = array<i32>} : memref<64x128xf32, #tpu.memory_space<vmem>>, vector<16xf32>,
        %get3A_1397 = arith.index_cast %scan3A_1301 : i32 to index
        %get3A_1398 = arith.constant 64 : index
        %get3A_1399 = tpu.vector_load %arg24[%get3A_1397, %get3A_1398] {strides = array<i32>} : memref<64x128xf32, #tpu.memory_space<vmem>>, vector<16xf32>,
        %mul3A_1400 = arith.mulf %gather3A, %get3A_1399 : vector<16xf32>
        %get3A_1401 = arith.index_cast %scan3A_1301 : i32 to index
        %get3A_1402 = arith.constant 64 : index
        %get3A_1403 = tpu.vector_load %arg25[%get3A_1401, %get3A_1402] {strides = array<i32>} : memref<64x128xf32, #tpu.memory_space<vmem>>, vector<16xf32>,
        %mul3A_1404 = arith.mulf %gather3A_1306, %get3A_1403 : vector<16xf32>
        %add3A_1405 = arith.addf %mul3A_1400, %mul3A_1404 : vector<16xf32>
        %get3A_1406 = arith.index_cast %scan3A_1301 : i32 to index
        %get3A_1407 = arith.constant 64 : index
        %get3A_1408 = tpu.vector_load %arg26[%get3A_1406, %get3A_1407] {strides = array<i32>} : memref<64x128xf32, #tpu.memory_space<vmem>>, vector<16xf32>,
        %mul3A_1409 = arith.mulf %gather3A_1307, %get3A_1408 : vector<16xf32>
        %add3A_1410 = arith.addf %add3A_1405, %mul3A_1409 : vector<16xf32>
        %get3A_1411 = arith.index_cast %scan3A_1301 : i32 to index
        %get3A_1412 = arith.constant 64 : index
        %get3A_1413 = tpu.vector_load %arg27[%get3A_1411, %get3A_1412] {strides = array<i32>} : memref<64x128xf32, #tpu.memory_space<vmem>>, vector<16xf32>,
        %mul3A_1414 = arith.mulf %gather3A_1308, %get3A_1413 : vector<16xf32>
        %add3A_1415 = arith.addf %add3A_1410, %mul3A_1414 : vector<16xf32>
        %swap3A_1416 = arith.index_cast %scan3A_1301 : i32 to index
        %swap3A_1417 = arith.constant 64 : index
        %swap3A_1418 = tpu.vector_load %arg32[%swap3A_1416, %swap3A_1417] {strides = array<i32>} : memref<64x128xf32, #tpu.memory_space<vmem>>, vector<16xf32>,
        tpu.vector_store %arg32[%swap3A_1416, %swap3A_1417], %add3A_1415 {strides = array<i32>} : memref<64x128xf32, #tpu.memory_space<vmem>>, vector<16xf32>,
        %get3A_1419 = arith.index_cast %scan3A_1301 : i32 to index
        %get3A_1420 = arith.constant 80 : index
        %get3A_1421 = tpu.vector_load %arg24[%get3A_1419, %get3A_1420] {strides = array<i32>} : memref<64x128xf32, #tpu.memory_space<vmem>>, vector<16xf32>,
        %mul3A_1422 = arith.mulf %gather3A, %get3A_1421 : vector<16xf32>
        %get3A_1423 = arith.index_cast %scan3A_1301 : i32 to index
        %get3A_1424 = arith.constant 80 : index
        %get3A_1425 = tpu.vector_load %arg25[%get3A_1423, %get3A_1424] {strides = array<i32>} : memref<64x128xf32, #tpu.memory_space<vmem>>, vector<16xf32>,
        %mul3A_1426 = arith.mulf %gather3A_1306, %get3A_1425 : vector<16xf32>
        %add3A_1427 = arith.addf %mul3A_1422, %mul3A_1426 : vector<16xf32>
        %get3A_1428 = arith.index_cast %scan3A_1301 : i32 to index
        %get3A_1429 = arith.constant 80 : index
        %get3A_1430 = tpu.vector_load %arg26[%get3A_1428, %get3A_1429] {strides = array<i32>} : memref<64x128xf32, #tpu.memory_space<vmem>>, vector<16xf32>,
        %mul3A_1431 = arith.mulf %gather3A_1307, %get3A_1430 : vector<16xf32>
        %add3A_1432 = arith.addf %add3A_1427, %mul3A_1431 : vector<16xf32>
        %get3A_1433 = arith.index_cast %scan3A_1301 : i32 to index
        %get3A_1434 = arith.constant 80 : index
        %get3A_1435 = tpu.vector_load %arg27[%get3A_1433, %get3A_1434] {strides = array<i32>} : memref<64x128xf32, #tpu.memory_space<vmem>>, vector<16xf32>,
        %mul3A_1436 = arith.mulf %gather3A_1308, %get3A_1435 : vector<16xf32>
        %add3A_1437 = arith.addf %add3A_1432, %mul3A_1436 : vector<16xf32>
        %swap3A_1438 = arith.index_cast %scan3A_1301 : i32 to index
        %swap3A_1439 = arith.constant 80 : index
        %swap3A_1440 = tpu.vector_load %arg32[%swap3A_1438, %swap3A_1439] {strides = array<i32>} : memref<64x128xf32, #tpu.memory_space<vmem>>, vector<16xf32>,
        tpu.vector_store %arg32[%swap3A_1438, %swap3A_1439], %add3A_1437 {strides = array<i32>} : memref<64x128xf32, #tpu.memory_space<vmem>>, vector<16xf32>,
      }
      %scan3A_1250 = arith.constant 64 : i32
      %mul3A_1251 = arith.constant 32768 : i32
      %mul3A_1252 = arith.muli %add3A, %mul3A_1251 : i32
      %mul3A_1253 = arith.constant 64 : i32
      %mul3A_1254 = arith.muli %mul3A_615, %mul3A_1253 : i32
      %add3A_1255 = arith.addi %mul3A_1252, %mul3A_1254 : i32
      %dma_start3A_1256 = arith.constant 0 : i32
      %dma_start3A_1257 = tpu.memref_slice %arg5[%add3A_1255, %dma_start3A_1256] : memref<1048576x128xf32, #tpu.memory_space<hbm>> -> memref<64x128xf32, #tpu.memory_space<hbm>>
      %dma_start3A_1258 = arith.constant 0 : i32
      %dma_start3A_1259 = tpu.memref_slice %arg5[%add3A_1255, %dma_start3A_1258] : memref<1048576x128xf32, #tpu.memory_space<hbm>> -> memref<64x128xf32, #tpu.memory_space<hbm>>
      tpu.enqueue_dma source(%arg32 : memref<64x128xf32, #tpu.memory_space<vmem>>) target(%dma_start3A_1259 : memref<64x128xf32, #tpu.memory_space<hbm>>) target_semaphore(%arg36 : memref<!tpu.dma_semaphore, #tpu.memory_space<semaphore_mem>>)
      %add3A_1260 = arith.constant 2 : i32
      %add3A_1261 = arith.addi %mul3A_615, %add3A_1260 : i32
      %lt3A_1262 = arith.constant 512 : i32
      %lt3A_1263 = arith.cmpi slt, %add3A_1261, %lt3A_1262 : i32
      %convert_element_type3A_1264 = arith.extui %lt3A_1263 : i1 to i32
      %cond3A_1265 = arith.constant 0 : i32
      %cond3A_1266 = arith.cmpi ne, %convert_element_type3A_1264, %cond3A_1265 : i32
      scf.if %cond3A_1266 {
        %add3A_1301 = arith.constant 2 : i32
        %add3A_1302 = arith.addi %mul3A_615, %add3A_1301 : i32
        %mul3A_1303 = arith.constant 32768 : i32
        %mul3A_1304 = arith.muli %add3A, %mul3A_1303 : i32
        %mul3A_1305 = arith.constant 64 : i32
        %mul3A_1306 = arith.muli %add3A_1302, %mul3A_1305 : i32
        %add3A_1307 = arith.addi %mul3A_1304, %mul3A_1306 : i32
        "tpu.region"() ({
          %run_scoped3A = tpu.sem_alloc : memref<!tpu.dma_semaphore, #tpu.memory_space<semaphore_mem>>
          %dma_start3A_1914 = tpu.memref_slice %arg3[%add3A_1307] : memref<1048576xf32, #tpu.memory_space<hbm>> -> memref<64xf32, #tpu.memory_space<hbm>>
          %dma_start3A_1915 = tpu.memref_slice %arg3[%add3A_1307] : memref<1048576xf32, #tpu.memory_space<hbm>> -> memref<64xf32, #tpu.memory_space<hbm>>
          tpu.enqueue_dma source(%dma_start3A_1915 : memref<64xf32, #tpu.memory_space<hbm>>) target(%arg6 : memref<64xf32, #tpu.memory_space<vmem>>) target_semaphore(%run_scoped3A : memref<!tpu.dma_semaphore, #tpu.memory_space<semaphore_mem>>)
          %dma_wait3A_1916 = tpu.memref_slice %arg3[%add3A_1307] : memref<1048576xf32, #tpu.memory_space<hbm>> -> memref<64xf32, #tpu.memory_space<hbm>>
          %dma_wait3A_1917 = tpu.memref_slice %arg3[%add3A_1307] : memref<1048576xf32, #tpu.memory_space<hbm>> -> memref<64xf32, #tpu.memory_space<hbm>>
          tpu.wait_dma2 semaphore(%run_scoped3A : memref<!tpu.dma_semaphore, #tpu.memory_space<semaphore_mem>>) src(%dma_wait3A_1917 : memref<64xf32, #tpu.memory_space<hbm>>) dst(%arg6 : memref<64xf32, #tpu.memory_space<vmem>>)
          tpu.yield
        }) : () -> ()
        "tpu.region"() ({
          %run_scoped3A = tpu.sem_alloc : memref<!tpu.dma_semaphore, #tpu.memory_space<semaphore_mem>>
          %dma_start3A_1914 = tpu.memref_slice %arg4[%add3A_1307] : memref<1048576xf32, #tpu.memory_space<hbm>> -> memref<64xf32, #tpu.memory_space<hbm>>
          %dma_start3A_1915 = tpu.memref_slice %arg4[%add3A_1307] : memref<1048576xf32, #tpu.memory_space<hbm>> -> memref<64xf32, #tpu.memory_space<hbm>>
          tpu.enqueue_dma source(%dma_start3A_1915 : memref<64xf32, #tpu.memory_space<hbm>>) target(%arg7 : memref<64xf32, #tpu.memory_space<vmem>>) target_semaphore(%run_scoped3A : memref<!tpu.dma_semaphore, #tpu.memory_space<semaphore_mem>>)
          %dma_wait3A_1916 = tpu.memref_slice %arg4[%add3A_1307] : memref<1048576xf32, #tpu.memory_space<hbm>> -> memref<64xf32, #tpu.memory_space<hbm>>
          %dma_wait3A_1917 = tpu.memref_slice %arg4[%add3A_1307] : memref<1048576xf32, #tpu.memory_space<hbm>> -> memref<64xf32, #tpu.memory_space<hbm>>
          tpu.wait_dma2 semaphore(%run_scoped3A : memref<!tpu.dma_semaphore, #tpu.memory_space<semaphore_mem>>) src(%dma_wait3A_1917 : memref<64xf32, #tpu.memory_space<hbm>>) dst(%arg7 : memref<64xf32, #tpu.memory_space<vmem>>)
          tpu.yield
        }) : () -> ()
        %jit3A_1308 = arith.constant 262144 : i32
        %div3A_1309 = arith.divsi %add3A_1307, %jit3A_1308 : i32
        %sign3A_1310 = arith.constant 0 : i32
        %sign3A_1311 = arith.cmpi sgt, %add3A_1307, %sign3A_1310 : i32
        %sign3A_1312 = arith.extui %sign3A_1311 : i1 to i32
        %sign3A_1313 = arith.constant 0 : i32
        %sign3A_1314 = arith.cmpi slt, %add3A_1307, %sign3A_1313 : i32
        %sign3A_1315 = arith.extui %sign3A_1314 : i1 to i32
        %sign3A_1316 = arith.subi %sign3A_1312, %sign3A_1315 : i32
        %sign3A_1317 = arith.constant 0 : i32
        %sign3A_1318 = arith.cmpi sgt, %jit3A_1308, %sign3A_1317 : i32
        %sign3A_1319 = arith.extui %sign3A_1318 : i1 to i32
        %sign3A_1320 = arith.constant 0 : i32
        %sign3A_1321 = arith.cmpi slt, %jit3A_1308, %sign3A_1320 : i32
        %sign3A_1322 = arith.extui %sign3A_1321 : i1 to i32
        %sign3A_1323 = arith.subi %sign3A_1319, %sign3A_1322 : i32
        %ne3A_1324 = arith.cmpi ne, %sign3A_1316, %sign3A_1323 : i32
        %rem3A_1325 = arith.remsi %add3A_1307, %jit3A_1308 : i32
        %ne3A_1326 = arith.constant 0 : i32
        %ne3A_1327 = arith.cmpi ne, %rem3A_1325, %ne3A_1326 : i32
        %and3A_1328 = arith.andi %ne3A_1324, %ne3A_1327 : i1
        %sub3A_1329 = arith.constant 1 : i32
        %sub3A_1330 = arith.subi %div3A_1309, %sub3A_1329 : i32
        %select_n3A_1331 = arith.select %and3A_1328, %sub3A_1330, %div3A_1309 : i32
        %mul3A_1332 = arith.constant 262144 : i32
        %mul3A_1333 = arith.muli %select_n3A_1331, %mul3A_1332 : i32
        %get3A_1334 = arith.constant 0 : index
        %get3A_1335 = tpu.vector_load %arg6[%get3A_1334] {strides = array<i32>} : memref<64xf32, #tpu.memory_space<vmem>>, vector<16xf32>,
        %add3A_1336 = arith.constant 1.000000e+00 : f32
        %add3A_1337 = vector.broadcast %add3A_1336 : f32 to vector<16xf32>
        %add3A_1338 = arith.addf %get3A_1335, %add3A_1337 : vector<16xf32>
        %mul3A_1339 = arith.constant 2.555000e+02 : f32
        %mul3A_1340 = vector.broadcast %mul3A_1339 : f32 to vector<16xf32>
        %mul3A_1341 = arith.mulf %add3A_1338, %mul3A_1340 : vector<16xf32>
        %get3A_1342 = arith.constant 0 : index
        %get3A_1343 = tpu.vector_load %arg7[%get3A_1342] {strides = array<i32>} : memref<64xf32, #tpu.memory_space<vmem>>, vector<16xf32>,
        %add3A_1344 = arith.constant 1.000000e+00 : f32
        %add3A_1345 = vector.broadcast %add3A_1344 : f32 to vector<16xf32>
        %add3A_1346 = arith.addf %get3A_1343, %add3A_1345 : vector<16xf32>
        %mul3A_1347 = arith.constant 2.555000e+02 : f32
        %mul3A_1348 = vector.broadcast %mul3A_1347 : f32 to vector<16xf32>
        %mul3A_1349 = arith.mulf %add3A_1346, %mul3A_1348 : vector<16xf32>
        %convert_element_type3A_1350 = arith.fptosi %mul3A_1341 : vector<16xf32> to vector<16xi32>
        %convert_element_type3A_1351 = arith.sitofp %convert_element_type3A_1350 : vector<16xi32> to vector<16xf32>
        %gt3A_1352 = arith.cmpf ogt, %convert_element_type3A_1351, %mul3A_1341 : vector<16xf32>
        %sub3A_1353 = arith.constant 1 : i32
        %sub3A_1354 = vector.broadcast %sub3A_1353 : i32 to vector<16xi32>
        %sub3A_1355 = arith.subi %convert_element_type3A_1350, %sub3A_1354 : vector<16xi32>
        %select_n3A_1356 = arith.select %gt3A_1352, %sub3A_1355, %convert_element_type3A_1350 : vector<16xi1>, vector<16xi32>
        %convert_element_type3A_1357 = arith.fptosi %mul3A_1349 : vector<16xf32> to vector<16xi32>
        %convert_element_type3A_1358 = arith.sitofp %convert_element_type3A_1357 : vector<16xi32> to vector<16xf32>
        %gt3A_1359 = arith.cmpf ogt, %convert_element_type3A_1358, %mul3A_1349 : vector<16xf32>
        %sub3A_1360 = arith.constant 1 : i32
        %sub3A_1361 = vector.broadcast %sub3A_1360 : i32 to vector<16xi32>
        %sub3A_1362 = arith.subi %convert_element_type3A_1357, %sub3A_1361 : vector<16xi32>
        %select_n3A_1363 = arith.select %gt3A_1359, %sub3A_1362, %convert_element_type3A_1357 : vector<16xi1>, vector<16xi32>
        %convert_element_type3A_1364 = arith.sitofp %select_n3A_1356 : vector<16xi32> to vector<16xf32>
        %sub3A_1365 = arith.subf %mul3A_1341, %convert_element_type3A_1364 : vector<16xf32>
        %convert_element_type3A_1366 = arith.sitofp %select_n3A_1363 : vector<16xi32> to vector<16xf32>
        %sub3A_1367 = arith.subf %mul3A_1349, %convert_element_type3A_1366 : vector<16xf32>
        %add3A_1368 = arith.constant 1 : i32
        %add3A_1369 = vector.broadcast %add3A_1368 : i32 to vector<16xi32>
        %add3A_1370 = arith.addi %select_n3A_1356, %add3A_1369 : vector<16xi32>
        %add3A_1371 = arith.constant 1 : i32
        %add3A_1372 = vector.broadcast %add3A_1371 : i32 to vector<16xi32>
        %add3A_1373 = arith.addi %select_n3A_1363, %add3A_1372 : vector<16xi32>
        %ge3A_1374 = arith.constant 0 : i32
        %ge3A_1375 = vector.broadcast %ge3A_1374 : i32 to vector<16xi32>
        %ge3A_1376 = arith.cmpi sge, %select_n3A_1356, %ge3A_1375 : vector<16xi32>
        %lt3A_1377 = arith.constant 512 : i32
        %lt3A_1378 = vector.broadcast %lt3A_1377 : i32 to vector<16xi32>
        %lt3A_1379 = arith.cmpi slt, %select_n3A_1356, %lt3A_1378 : vector<16xi32>
        %and3A_1380 = arith.andi %ge3A_1376, %lt3A_1379 : vector<16xi1>
        %ge3A_1381 = arith.constant 0 : i32
        %ge3A_1382 = vector.broadcast %ge3A_1381 : i32 to vector<16xi32>
        %ge3A_1383 = arith.cmpi sge, %add3A_1370, %ge3A_1382 : vector<16xi32>
        %lt3A_1384 = arith.constant 512 : i32
        %lt3A_1385 = vector.broadcast %lt3A_1384 : i32 to vector<16xi32>
        %lt3A_1386 = arith.cmpi slt, %add3A_1370, %lt3A_1385 : vector<16xi32>
        %and3A_1387 = arith.andi %ge3A_1383, %lt3A_1386 : vector<16xi1>
        %ge3A_1388 = arith.constant 0 : i32
        %ge3A_1389 = vector.broadcast %ge3A_1388 : i32 to vector<16xi32>
        %ge3A_1390 = arith.cmpi sge, %select_n3A_1363, %ge3A_1389 : vector<16xi32>
        %lt3A_1391 = arith.constant 512 : i32
        %lt3A_1392 = vector.broadcast %lt3A_1391 : i32 to vector<16xi32>
        %lt3A_1393 = arith.cmpi slt, %select_n3A_1363, %lt3A_1392 : vector<16xi32>
        %and3A_1394 = arith.andi %ge3A_1390, %lt3A_1393 : vector<16xi1>
        %ge3A_1395 = arith.constant 0 : i32
        %ge3A_1396 = vector.broadcast %ge3A_1395 : i32 to vector<16xi32>
        %ge3A_1397 = arith.cmpi sge, %add3A_1373, %ge3A_1396 : vector<16xi32>
        %lt3A_1398 = arith.constant 512 : i32
        %lt3A_1399 = vector.broadcast %lt3A_1398 : i32 to vector<16xi32>
        %lt3A_1400 = arith.cmpi slt, %add3A_1373, %lt3A_1399 : vector<16xi32>
        %and3A_1401 = arith.andi %ge3A_1397, %lt3A_1400 : vector<16xi1>
        %sub3A_1402 = arith.constant 1.000000e+00 : f32
        %sub3A_1403 = vector.broadcast %sub3A_1402 : f32 to vector<16xf32>
        %sub3A_1404 = arith.subf %sub3A_1403, %sub3A_1365 : vector<16xf32>
        %sub3A_1405 = arith.constant 1.000000e+00 : f32
        %sub3A_1406 = vector.broadcast %sub3A_1405 : f32 to vector<16xf32>
        %sub3A_1407 = arith.subf %sub3A_1406, %sub3A_1367 : vector<16xf32>
        %broadcast_in_dim3A_1408 = arith.constant 0.000000e+00 : f32
        %broadcast_in_dim3A_1409 = vector.broadcast %broadcast_in_dim3A_1408 : f32 to vector<16xf32>
        %and3A_1410 = arith.andi %and3A_1380, %and3A_1394 : vector<16xi1>
        %mul3A_1411 = arith.mulf %sub3A_1404, %sub3A_1407 : vector<16xf32>
        %select_n3A_1412 = arith.select %and3A_1410, %mul3A_1411, %broadcast_in_dim3A_1409 : vector<16xi1>, vector<16xf32>
        %swap3A_1413 = arith.constant 0 : index
        %swap3A_1414 = tpu.vector_load %arg8[%swap3A_1413] {strides = array<i32>} : memref<64xf32, #tpu.memory_space<vmem>>, vector<16xf32>,
        tpu.vector_store %arg8[%swap3A_1413], %select_n3A_1412 {strides = array<i32>} : memref<64xf32, #tpu.memory_space<vmem>>, vector<16xf32>,
        %and3A_1415 = arith.andi %and3A_1380, %and3A_1401 : vector<16xi1>
        %mul3A_1416 = arith.mulf %sub3A_1404, %sub3A_1367 : vector<16xf32>
        %select_n3A_1417 = arith.select %and3A_1415, %mul3A_1416, %broadcast_in_dim3A_1409 : vector<16xi1>, vector<16xf32>
        %swap3A_1418 = arith.constant 0 : index
        %swap3A_1419 = tpu.vector_load %arg9[%swap3A_1418] {strides = array<i32>} : memref<64xf32, #tpu.memory_space<vmem>>, vector<16xf32>,
        tpu.vector_store %arg9[%swap3A_1418], %select_n3A_1417 {strides = array<i32>} : memref<64xf32, #tpu.memory_space<vmem>>, vector<16xf32>,
        %and3A_1420 = arith.andi %and3A_1387, %and3A_1394 : vector<16xi1>
        %mul3A_1421 = arith.mulf %sub3A_1365, %sub3A_1407 : vector<16xf32>
        %select_n3A_1422 = arith.select %and3A_1420, %mul3A_1421, %broadcast_in_dim3A_1409 : vector<16xi1>, vector<16xf32>
        %swap3A_1423 = arith.constant 0 : index
        %swap3A_1424 = tpu.vector_load %arg10[%swap3A_1423] {strides = array<i32>} : memref<64xf32, #tpu.memory_space<vmem>>, vector<16xf32>,
        tpu.vector_store %arg10[%swap3A_1423], %select_n3A_1422 {strides = array<i32>} : memref<64xf32, #tpu.memory_space<vmem>>, vector<16xf32>,
        %and3A_1425 = arith.andi %and3A_1387, %and3A_1401 : vector<16xi1>
        %mul3A_1426 = arith.mulf %sub3A_1365, %sub3A_1367 : vector<16xf32>
        %select_n3A_1427 = arith.select %and3A_1425, %mul3A_1426, %broadcast_in_dim3A_1409 : vector<16xi1>, vector<16xf32>
        %swap3A_1428 = arith.constant 0 : index
        %swap3A_1429 = tpu.vector_load %arg11[%swap3A_1428] {strides = array<i32>} : memref<64xf32, #tpu.memory_space<vmem>>, vector<16xf32>,
        tpu.vector_store %arg11[%swap3A_1428], %select_n3A_1427 {strides = array<i32>} : memref<64xf32, #tpu.memory_space<vmem>>, vector<16xf32>,
        %jit3A_1430 = arith.constant 0 : i32
        %jit3A_1431 = arith.constant 511 : i32
        %max3A_1432 = vector.broadcast %jit3A_1430 : i32 to vector<16xi32>
        %max3A_1433 = arith.maxsi %max3A_1432, %select_n3A_1356 : vector<16xi32>
        %min3A_1434 = vector.broadcast %jit3A_1431 : i32 to vector<16xi32>
        %min3A_1435 = arith.minsi %min3A_1434, %max3A_1433 : vector<16xi32>
        %jit3A_1436 = arith.constant 0 : i32
        %jit3A_1437 = arith.constant 511 : i32
        %max3A_1438 = vector.broadcast %jit3A_1436 : i32 to vector<16xi32>
        %max3A_1439 = arith.maxsi %max3A_1438, %add3A_1370 : vector<16xi32>
        %min3A_1440 = vector.broadcast %jit3A_1437 : i32 to vector<16xi32>
        %min3A_1441 = arith.minsi %min3A_1440, %max3A_1439 : vector<16xi32>
        %jit3A_1442 = arith.constant 0 : i32
        %jit3A_1443 = arith.constant 511 : i32
        %max3A_1444 = vector.broadcast %jit3A_1442 : i32 to vector<16xi32>
        %max3A_1445 = arith.maxsi %max3A_1444, %select_n3A_1363 : vector<16xi32>
        %min3A_1446 = vector.broadcast %jit3A_1443 : i32 to vector<16xi32>
        %min3A_1447 = arith.minsi %min3A_1446, %max3A_1445 : vector<16xi32>
        %mul3A_1448 = arith.constant 512 : i32
        %mul3A_1449 = vector.broadcast %mul3A_1448 : i32 to vector<16xi32>
        %mul3A_1450 = arith.muli %min3A_1447, %mul3A_1449 : vector<16xi32>
        %add3A_1451 = vector.broadcast %mul3A_1333 : i32 to vector<16xi32>
        %add3A_1452 = arith.addi %add3A_1451, %mul3A_1450 : vector<16xi32>
        %jit3A_1453 = arith.constant 0 : i32
        %jit3A_1454 = arith.constant 511 : i32
        %max3A_1455 = vector.broadcast %jit3A_1453 : i32 to vector<16xi32>
        %max3A_1456 = arith.maxsi %max3A_1455, %add3A_1373 : vector<16xi32>
        %min3A_1457 = vector.broadcast %jit3A_1454 : i32 to vector<16xi32>
        %min3A_1458 = arith.minsi %min3A_1457, %max3A_1456 : vector<16xi32>
        %mul3A_1459 = arith.constant 512 : i32
        %mul3A_1460 = vector.broadcast %mul3A_1459 : i32 to vector<16xi32>
        %mul3A_1461 = arith.muli %min3A_1458, %mul3A_1460 : vector<16xi32>
        %add3A_1462 = vector.broadcast %mul3A_1333 : i32 to vector<16xi32>
        %add3A_1463 = arith.addi %add3A_1462, %mul3A_1461 : vector<16xi32>
        %add3A_1464 = arith.addi %add3A_1452, %min3A_1435 : vector<16xi32>
        %swap3A_1465 = arith.constant 0 : index
        %swap3A_1466 = tpu.vector_load %arg16[%swap3A_1465] {strides = array<i32>} : memref<64xi32, #tpu.memory_space<vmem>>, vector<16xi32>,
        tpu.vector_store %arg16[%swap3A_1465], %add3A_1464 {strides = array<i32>} : memref<64xi32, #tpu.memory_space<vmem>>, vector<16xi32>,
        %add3A_1467 = arith.addi %add3A_1463, %min3A_1435 : vector<16xi32>
        %swap3A_1468 = arith.constant 0 : index
        %swap3A_1469 = tpu.vector_load %arg17[%swap3A_1468] {strides = array<i32>} : memref<64xi32, #tpu.memory_space<vmem>>, vector<16xi32>,
        tpu.vector_store %arg17[%swap3A_1468], %add3A_1467 {strides = array<i32>} : memref<64xi32, #tpu.memory_space<vmem>>, vector<16xi32>,
        %add3A_1470 = arith.addi %add3A_1452, %min3A_1441 : vector<16xi32>
        %swap3A_1471 = arith.constant 0 : index
        %swap3A_1472 = tpu.vector_load %arg18[%swap3A_1471] {strides = array<i32>} : memref<64xi32, #tpu.memory_space<vmem>>, vector<16xi32>,
        tpu.vector_store %arg18[%swap3A_1471], %add3A_1470 {strides = array<i32>} : memref<64xi32, #tpu.memory_space<vmem>>, vector<16xi32>,
        %add3A_1473 = arith.addi %add3A_1463, %min3A_1441 : vector<16xi32>
        %swap3A_1474 = arith.constant 0 : index
        %swap3A_1475 = tpu.vector_load %arg19[%swap3A_1474] {strides = array<i32>} : memref<64xi32, #tpu.memory_space<vmem>>, vector<16xi32>,
        tpu.vector_store %arg19[%swap3A_1474], %add3A_1473 {strides = array<i32>} : memref<64xi32, #tpu.memory_space<vmem>>, vector<16xi32>,
        %get3A_1476 = arith.constant 16 : index
        %get3A_1477 = tpu.vector_load %arg6[%get3A_1476] {strides = array<i32>} : memref<64xf32, #tpu.memory_space<vmem>>, vector<16xf32>,
        %add3A_1478 = arith.constant 1.000000e+00 : f32
        %add3A_1479 = vector.broadcast %add3A_1478 : f32 to vector<16xf32>
        %add3A_1480 = arith.addf %get3A_1477, %add3A_1479 : vector<16xf32>
        %mul3A_1481 = arith.constant 2.555000e+02 : f32
        %mul3A_1482 = vector.broadcast %mul3A_1481 : f32 to vector<16xf32>
        %mul3A_1483 = arith.mulf %add3A_1480, %mul3A_1482 : vector<16xf32>
        %get3A_1484 = arith.constant 16 : index
        %get3A_1485 = tpu.vector_load %arg7[%get3A_1484] {strides = array<i32>} : memref<64xf32, #tpu.memory_space<vmem>>, vector<16xf32>,
        %add3A_1486 = arith.constant 1.000000e+00 : f32
        %add3A_1487 = vector.broadcast %add3A_1486 : f32 to vector<16xf32>
        %add3A_1488 = arith.addf %get3A_1485, %add3A_1487 : vector<16xf32>
        %mul3A_1489 = arith.constant 2.555000e+02 : f32
        %mul3A_1490 = vector.broadcast %mul3A_1489 : f32 to vector<16xf32>
        %mul3A_1491 = arith.mulf %add3A_1488, %mul3A_1490 : vector<16xf32>
        %convert_element_type3A_1492 = arith.fptosi %mul3A_1483 : vector<16xf32> to vector<16xi32>
        %convert_element_type3A_1493 = arith.sitofp %convert_element_type3A_1492 : vector<16xi32> to vector<16xf32>
        %gt3A_1494 = arith.cmpf ogt, %convert_element_type3A_1493, %mul3A_1483 : vector<16xf32>
        %sub3A_1495 = arith.constant 1 : i32
        %sub3A_1496 = vector.broadcast %sub3A_1495 : i32 to vector<16xi32>
        %sub3A_1497 = arith.subi %convert_element_type3A_1492, %sub3A_1496 : vector<16xi32>
        %select_n3A_1498 = arith.select %gt3A_1494, %sub3A_1497, %convert_element_type3A_1492 : vector<16xi1>, vector<16xi32>
        %convert_element_type3A_1499 = arith.fptosi %mul3A_1491 : vector<16xf32> to vector<16xi32>
        %convert_element_type3A_1500 = arith.sitofp %convert_element_type3A_1499 : vector<16xi32> to vector<16xf32>
        %gt3A_1501 = arith.cmpf ogt, %convert_element_type3A_1500, %mul3A_1491 : vector<16xf32>
        %sub3A_1502 = arith.constant 1 : i32
        %sub3A_1503 = vector.broadcast %sub3A_1502 : i32 to vector<16xi32>
        %sub3A_1504 = arith.subi %convert_element_type3A_1499, %sub3A_1503 : vector<16xi32>
        %select_n3A_1505 = arith.select %gt3A_1501, %sub3A_1504, %convert_element_type3A_1499 : vector<16xi1>, vector<16xi32>
        %convert_element_type3A_1506 = arith.sitofp %select_n3A_1498 : vector<16xi32> to vector<16xf32>
        %sub3A_1507 = arith.subf %mul3A_1483, %convert_element_type3A_1506 : vector<16xf32>
        %convert_element_type3A_1508 = arith.sitofp %select_n3A_1505 : vector<16xi32> to vector<16xf32>
        %sub3A_1509 = arith.subf %mul3A_1491, %convert_element_type3A_1508 : vector<16xf32>
        %add3A_1510 = arith.constant 1 : i32
        %add3A_1511 = vector.broadcast %add3A_1510 : i32 to vector<16xi32>
        %add3A_1512 = arith.addi %select_n3A_1498, %add3A_1511 : vector<16xi32>
        %add3A_1513 = arith.constant 1 : i32
        %add3A_1514 = vector.broadcast %add3A_1513 : i32 to vector<16xi32>
        %add3A_1515 = arith.addi %select_n3A_1505, %add3A_1514 : vector<16xi32>
        %ge3A_1516 = arith.constant 0 : i32
        %ge3A_1517 = vector.broadcast %ge3A_1516 : i32 to vector<16xi32>
        %ge3A_1518 = arith.cmpi sge, %select_n3A_1498, %ge3A_1517 : vector<16xi32>
        %lt3A_1519 = arith.constant 512 : i32
        %lt3A_1520 = vector.broadcast %lt3A_1519 : i32 to vector<16xi32>
        %lt3A_1521 = arith.cmpi slt, %select_n3A_1498, %lt3A_1520 : vector<16xi32>
        %and3A_1522 = arith.andi %ge3A_1518, %lt3A_1521 : vector<16xi1>
        %ge3A_1523 = arith.constant 0 : i32
        %ge3A_1524 = vector.broadcast %ge3A_1523 : i32 to vector<16xi32>
        %ge3A_1525 = arith.cmpi sge, %add3A_1512, %ge3A_1524 : vector<16xi32>
        %lt3A_1526 = arith.constant 512 : i32
        %lt3A_1527 = vector.broadcast %lt3A_1526 : i32 to vector<16xi32>
        %lt3A_1528 = arith.cmpi slt, %add3A_1512, %lt3A_1527 : vector<16xi32>
        %and3A_1529 = arith.andi %ge3A_1525, %lt3A_1528 : vector<16xi1>
        %ge3A_1530 = arith.constant 0 : i32
        %ge3A_1531 = vector.broadcast %ge3A_1530 : i32 to vector<16xi32>
        %ge3A_1532 = arith.cmpi sge, %select_n3A_1505, %ge3A_1531 : vector<16xi32>
        %lt3A_1533 = arith.constant 512 : i32
        %lt3A_1534 = vector.broadcast %lt3A_1533 : i32 to vector<16xi32>
        %lt3A_1535 = arith.cmpi slt, %select_n3A_1505, %lt3A_1534 : vector<16xi32>
        %and3A_1536 = arith.andi %ge3A_1532, %lt3A_1535 : vector<16xi1>
        %ge3A_1537 = arith.constant 0 : i32
        %ge3A_1538 = vector.broadcast %ge3A_1537 : i32 to vector<16xi32>
        %ge3A_1539 = arith.cmpi sge, %add3A_1515, %ge3A_1538 : vector<16xi32>
        %lt3A_1540 = arith.constant 512 : i32
        %lt3A_1541 = vector.broadcast %lt3A_1540 : i32 to vector<16xi32>
        %lt3A_1542 = arith.cmpi slt, %add3A_1515, %lt3A_1541 : vector<16xi32>
        %and3A_1543 = arith.andi %ge3A_1539, %lt3A_1542 : vector<16xi1>
        %sub3A_1544 = arith.constant 1.000000e+00 : f32
        %sub3A_1545 = vector.broadcast %sub3A_1544 : f32 to vector<16xf32>
        %sub3A_1546 = arith.subf %sub3A_1545, %sub3A_1507 : vector<16xf32>
        %sub3A_1547 = arith.constant 1.000000e+00 : f32
        %sub3A_1548 = vector.broadcast %sub3A_1547 : f32 to vector<16xf32>
        %sub3A_1549 = arith.subf %sub3A_1548, %sub3A_1509 : vector<16xf32>
        %broadcast_in_dim3A_1550 = arith.constant 0.000000e+00 : f32
        %broadcast_in_dim3A_1551 = vector.broadcast %broadcast_in_dim3A_1550 : f32 to vector<16xf32>
        %and3A_1552 = arith.andi %and3A_1522, %and3A_1536 : vector<16xi1>
        %mul3A_1553 = arith.mulf %sub3A_1546, %sub3A_1549 : vector<16xf32>
        %select_n3A_1554 = arith.select %and3A_1552, %mul3A_1553, %broadcast_in_dim3A_1551 : vector<16xi1>, vector<16xf32>
        %swap3A_1555 = arith.constant 16 : index
        %swap3A_1556 = tpu.vector_load %arg8[%swap3A_1555] {strides = array<i32>} : memref<64xf32, #tpu.memory_space<vmem>>, vector<16xf32>,
        tpu.vector_store %arg8[%swap3A_1555], %select_n3A_1554 {strides = array<i32>} : memref<64xf32, #tpu.memory_space<vmem>>, vector<16xf32>,
        %and3A_1557 = arith.andi %and3A_1522, %and3A_1543 : vector<16xi1>
        %mul3A_1558 = arith.mulf %sub3A_1546, %sub3A_1509 : vector<16xf32>
        %select_n3A_1559 = arith.select %and3A_1557, %mul3A_1558, %broadcast_in_dim3A_1551 : vector<16xi1>, vector<16xf32>
        %swap3A_1560 = arith.constant 16 : index
        %swap3A_1561 = tpu.vector_load %arg9[%swap3A_1560] {strides = array<i32>} : memref<64xf32, #tpu.memory_space<vmem>>, vector<16xf32>,
        tpu.vector_store %arg9[%swap3A_1560], %select_n3A_1559 {strides = array<i32>} : memref<64xf32, #tpu.memory_space<vmem>>, vector<16xf32>,
        %and3A_1562 = arith.andi %and3A_1529, %and3A_1536 : vector<16xi1>
        %mul3A_1563 = arith.mulf %sub3A_1507, %sub3A_1549 : vector<16xf32>
        %select_n3A_1564 = arith.select %and3A_1562, %mul3A_1563, %broadcast_in_dim3A_1551 : vector<16xi1>, vector<16xf32>
        %swap3A_1565 = arith.constant 16 : index
        %swap3A_1566 = tpu.vector_load %arg10[%swap3A_1565] {strides = array<i32>} : memref<64xf32, #tpu.memory_space<vmem>>, vector<16xf32>,
        tpu.vector_store %arg10[%swap3A_1565], %select_n3A_1564 {strides = array<i32>} : memref<64xf32, #tpu.memory_space<vmem>>, vector<16xf32>,
        %and3A_1567 = arith.andi %and3A_1529, %and3A_1543 : vector<16xi1>
        %mul3A_1568 = arith.mulf %sub3A_1507, %sub3A_1509 : vector<16xf32>
        %select_n3A_1569 = arith.select %and3A_1567, %mul3A_1568, %broadcast_in_dim3A_1551 : vector<16xi1>, vector<16xf32>
        %swap3A_1570 = arith.constant 16 : index
        %swap3A_1571 = tpu.vector_load %arg11[%swap3A_1570] {strides = array<i32>} : memref<64xf32, #tpu.memory_space<vmem>>, vector<16xf32>,
        tpu.vector_store %arg11[%swap3A_1570], %select_n3A_1569 {strides = array<i32>} : memref<64xf32, #tpu.memory_space<vmem>>, vector<16xf32>,
        %jit3A_1572 = arith.constant 0 : i32
        %jit3A_1573 = arith.constant 511 : i32
        %max3A_1574 = vector.broadcast %jit3A_1572 : i32 to vector<16xi32>
        %max3A_1575 = arith.maxsi %max3A_1574, %select_n3A_1498 : vector<16xi32>
        %min3A_1576 = vector.broadcast %jit3A_1573 : i32 to vector<16xi32>
        %min3A_1577 = arith.minsi %min3A_1576, %max3A_1575 : vector<16xi32>
        %jit3A_1578 = arith.constant 0 : i32
        %jit3A_1579 = arith.constant 511 : i32
        %max3A_1580 = vector.broadcast %jit3A_1578 : i32 to vector<16xi32>
        %max3A_1581 = arith.maxsi %max3A_1580, %add3A_1512 : vector<16xi32>
        %min3A_1582 = vector.broadcast %jit3A_1579 : i32 to vector<16xi32>
        %min3A_1583 = arith.minsi %min3A_1582, %max3A_1581 : vector<16xi32>
        %jit3A_1584 = arith.constant 0 : i32
        %jit3A_1585 = arith.constant 511 : i32
        %max3A_1586 = vector.broadcast %jit3A_1584 : i32 to vector<16xi32>
        %max3A_1587 = arith.maxsi %max3A_1586, %select_n3A_1505 : vector<16xi32>
        %min3A_1588 = vector.broadcast %jit3A_1585 : i32 to vector<16xi32>
        %min3A_1589 = arith.minsi %min3A_1588, %max3A_1587 : vector<16xi32>
        %mul3A_1590 = arith.constant 512 : i32
        %mul3A_1591 = vector.broadcast %mul3A_1590 : i32 to vector<16xi32>
        %mul3A_1592 = arith.muli %min3A_1589, %mul3A_1591 : vector<16xi32>
        %add3A_1593 = vector.broadcast %mul3A_1333 : i32 to vector<16xi32>
        %add3A_1594 = arith.addi %add3A_1593, %mul3A_1592 : vector<16xi32>
        %jit3A_1595 = arith.constant 0 : i32
        %jit3A_1596 = arith.constant 511 : i32
        %max3A_1597 = vector.broadcast %jit3A_1595 : i32 to vector<16xi32>
        %max3A_1598 = arith.maxsi %max3A_1597, %add3A_1515 : vector<16xi32>
        %min3A_1599 = vector.broadcast %jit3A_1596 : i32 to vector<16xi32>
        %min3A_1600 = arith.minsi %min3A_1599, %max3A_1598 : vector<16xi32>
        %mul3A_1601 = arith.constant 512 : i32
        %mul3A_1602 = vector.broadcast %mul3A_1601 : i32 to vector<16xi32>
        %mul3A_1603 = arith.muli %min3A_1600, %mul3A_1602 : vector<16xi32>
        %add3A_1604 = vector.broadcast %mul3A_1333 : i32 to vector<16xi32>
        %add3A_1605 = arith.addi %add3A_1604, %mul3A_1603 : vector<16xi32>
        %add3A_1606 = arith.addi %add3A_1594, %min3A_1577 : vector<16xi32>
        %swap3A_1607 = arith.constant 16 : index
        %swap3A_1608 = tpu.vector_load %arg16[%swap3A_1607] {strides = array<i32>} : memref<64xi32, #tpu.memory_space<vmem>>, vector<16xi32>,
        tpu.vector_store %arg16[%swap3A_1607], %add3A_1606 {strides = array<i32>} : memref<64xi32, #tpu.memory_space<vmem>>, vector<16xi32>,
        %add3A_1609 = arith.addi %add3A_1605, %min3A_1577 : vector<16xi32>
        %swap3A_1610 = arith.constant 16 : index
        %swap3A_1611 = tpu.vector_load %arg17[%swap3A_1610] {strides = array<i32>} : memref<64xi32, #tpu.memory_space<vmem>>, vector<16xi32>,
        tpu.vector_store %arg17[%swap3A_1610], %add3A_1609 {strides = array<i32>} : memref<64xi32, #tpu.memory_space<vmem>>, vector<16xi32>,
        %add3A_1612 = arith.addi %add3A_1594, %min3A_1583 : vector<16xi32>
        %swap3A_1613 = arith.constant 16 : index
        %swap3A_1614 = tpu.vector_load %arg18[%swap3A_1613] {strides = array<i32>} : memref<64xi32, #tpu.memory_space<vmem>>, vector<16xi32>,
        tpu.vector_store %arg18[%swap3A_1613], %add3A_1612 {strides = array<i32>} : memref<64xi32, #tpu.memory_space<vmem>>, vector<16xi32>,
        %add3A_1615 = arith.addi %add3A_1605, %min3A_1583 : vector<16xi32>
        %swap3A_1616 = arith.constant 16 : index
        %swap3A_1617 = tpu.vector_load %arg19[%swap3A_1616] {strides = array<i32>} : memref<64xi32, #tpu.memory_space<vmem>>, vector<16xi32>,
        tpu.vector_store %arg19[%swap3A_1616], %add3A_1615 {strides = array<i32>} : memref<64xi32, #tpu.memory_space<vmem>>, vector<16xi32>,
        %get3A_1618 = arith.constant 32 : index
        %get3A_1619 = tpu.vector_load %arg6[%get3A_1618] {strides = array<i32>} : memref<64xf32, #tpu.memory_space<vmem>>, vector<16xf32>,
        %add3A_1620 = arith.constant 1.000000e+00 : f32
        %add3A_1621 = vector.broadcast %add3A_1620 : f32 to vector<16xf32>
        %add3A_1622 = arith.addf %get3A_1619, %add3A_1621 : vector<16xf32>
        %mul3A_1623 = arith.constant 2.555000e+02 : f32
        %mul3A_1624 = vector.broadcast %mul3A_1623 : f32 to vector<16xf32>
        %mul3A_1625 = arith.mulf %add3A_1622, %mul3A_1624 : vector<16xf32>
        %get3A_1626 = arith.constant 32 : index
        %get3A_1627 = tpu.vector_load %arg7[%get3A_1626] {strides = array<i32>} : memref<64xf32, #tpu.memory_space<vmem>>, vector<16xf32>,
        %add3A_1628 = arith.constant 1.000000e+00 : f32
        %add3A_1629 = vector.broadcast %add3A_1628 : f32 to vector<16xf32>
        %add3A_1630 = arith.addf %get3A_1627, %add3A_1629 : vector<16xf32>
        %mul3A_1631 = arith.constant 2.555000e+02 : f32
        %mul3A_1632 = vector.broadcast %mul3A_1631 : f32 to vector<16xf32>
        %mul3A_1633 = arith.mulf %add3A_1630, %mul3A_1632 : vector<16xf32>
        %convert_element_type3A_1634 = arith.fptosi %mul3A_1625 : vector<16xf32> to vector<16xi32>
        %convert_element_type3A_1635 = arith.sitofp %convert_element_type3A_1634 : vector<16xi32> to vector<16xf32>
        %gt3A_1636 = arith.cmpf ogt, %convert_element_type3A_1635, %mul3A_1625 : vector<16xf32>
        %sub3A_1637 = arith.constant 1 : i32
        %sub3A_1638 = vector.broadcast %sub3A_1637 : i32 to vector<16xi32>
        %sub3A_1639 = arith.subi %convert_element_type3A_1634, %sub3A_1638 : vector<16xi32>
        %select_n3A_1640 = arith.select %gt3A_1636, %sub3A_1639, %convert_element_type3A_1634 : vector<16xi1>, vector<16xi32>
        %convert_element_type3A_1641 = arith.fptosi %mul3A_1633 : vector<16xf32> to vector<16xi32>
        %convert_element_type3A_1642 = arith.sitofp %convert_element_type3A_1641 : vector<16xi32> to vector<16xf32>
        %gt3A_1643 = arith.cmpf ogt, %convert_element_type3A_1642, %mul3A_1633 : vector<16xf32>
        %sub3A_1644 = arith.constant 1 : i32
        %sub3A_1645 = vector.broadcast %sub3A_1644 : i32 to vector<16xi32>
        %sub3A_1646 = arith.subi %convert_element_type3A_1641, %sub3A_1645 : vector<16xi32>
        %select_n3A_1647 = arith.select %gt3A_1643, %sub3A_1646, %convert_element_type3A_1641 : vector<16xi1>, vector<16xi32>
        %convert_element_type3A_1648 = arith.sitofp %select_n3A_1640 : vector<16xi32> to vector<16xf32>
        %sub3A_1649 = arith.subf %mul3A_1625, %convert_element_type3A_1648 : vector<16xf32>
        %convert_element_type3A_1650 = arith.sitofp %select_n3A_1647 : vector<16xi32> to vector<16xf32>
        %sub3A_1651 = arith.subf %mul3A_1633, %convert_element_type3A_1650 : vector<16xf32>
        %add3A_1652 = arith.constant 1 : i32
        %add3A_1653 = vector.broadcast %add3A_1652 : i32 to vector<16xi32>
        %add3A_1654 = arith.addi %select_n3A_1640, %add3A_1653 : vector<16xi32>
        %add3A_1655 = arith.constant 1 : i32
        %add3A_1656 = vector.broadcast %add3A_1655 : i32 to vector<16xi32>
        %add3A_1657 = arith.addi %select_n3A_1647, %add3A_1656 : vector<16xi32>
        %ge3A_1658 = arith.constant 0 : i32
        %ge3A_1659 = vector.broadcast %ge3A_1658 : i32 to vector<16xi32>
        %ge3A_1660 = arith.cmpi sge, %select_n3A_1640, %ge3A_1659 : vector<16xi32>
        %lt3A_1661 = arith.constant 512 : i32
        %lt3A_1662 = vector.broadcast %lt3A_1661 : i32 to vector<16xi32>
        %lt3A_1663 = arith.cmpi slt, %select_n3A_1640, %lt3A_1662 : vector<16xi32>
        %and3A_1664 = arith.andi %ge3A_1660, %lt3A_1663 : vector<16xi1>
        %ge3A_1665 = arith.constant 0 : i32
        %ge3A_1666 = vector.broadcast %ge3A_1665 : i32 to vector<16xi32>
        %ge3A_1667 = arith.cmpi sge, %add3A_1654, %ge3A_1666 : vector<16xi32>
        %lt3A_1668 = arith.constant 512 : i32
        %lt3A_1669 = vector.broadcast %lt3A_1668 : i32 to vector<16xi32>
        %lt3A_1670 = arith.cmpi slt, %add3A_1654, %lt3A_1669 : vector<16xi32>
        %and3A_1671 = arith.andi %ge3A_1667, %lt3A_1670 : vector<16xi1>
        %ge3A_1672 = arith.constant 0 : i32
        %ge3A_1673 = vector.broadcast %ge3A_1672 : i32 to vector<16xi32>
        %ge3A_1674 = arith.cmpi sge, %select_n3A_1647, %ge3A_1673 : vector<16xi32>
        %lt3A_1675 = arith.constant 512 : i32
        %lt3A_1676 = vector.broadcast %lt3A_1675 : i32 to vector<16xi32>
        %lt3A_1677 = arith.cmpi slt, %select_n3A_1647, %lt3A_1676 : vector<16xi32>
        %and3A_1678 = arith.andi %ge3A_1674, %lt3A_1677 : vector<16xi1>
        %ge3A_1679 = arith.constant 0 : i32
        %ge3A_1680 = vector.broadcast %ge3A_1679 : i32 to vector<16xi32>
        %ge3A_1681 = arith.cmpi sge, %add3A_1657, %ge3A_1680 : vector<16xi32>
        %lt3A_1682 = arith.constant 512 : i32
        %lt3A_1683 = vector.broadcast %lt3A_1682 : i32 to vector<16xi32>
        %lt3A_1684 = arith.cmpi slt, %add3A_1657, %lt3A_1683 : vector<16xi32>
        %and3A_1685 = arith.andi %ge3A_1681, %lt3A_1684 : vector<16xi1>
        %sub3A_1686 = arith.constant 1.000000e+00 : f32
        %sub3A_1687 = vector.broadcast %sub3A_1686 : f32 to vector<16xf32>
        %sub3A_1688 = arith.subf %sub3A_1687, %sub3A_1649 : vector<16xf32>
        %sub3A_1689 = arith.constant 1.000000e+00 : f32
        %sub3A_1690 = vector.broadcast %sub3A_1689 : f32 to vector<16xf32>
        %sub3A_1691 = arith.subf %sub3A_1690, %sub3A_1651 : vector<16xf32>
        %broadcast_in_dim3A_1692 = arith.constant 0.000000e+00 : f32
        %broadcast_in_dim3A_1693 = vector.broadcast %broadcast_in_dim3A_1692 : f32 to vector<16xf32>
        %and3A_1694 = arith.andi %and3A_1664, %and3A_1678 : vector<16xi1>
        %mul3A_1695 = arith.mulf %sub3A_1688, %sub3A_1691 : vector<16xf32>
        %select_n3A_1696 = arith.select %and3A_1694, %mul3A_1695, %broadcast_in_dim3A_1693 : vector<16xi1>, vector<16xf32>
        %swap3A_1697 = arith.constant 32 : index
        %swap3A_1698 = tpu.vector_load %arg8[%swap3A_1697] {strides = array<i32>} : memref<64xf32, #tpu.memory_space<vmem>>, vector<16xf32>,
        tpu.vector_store %arg8[%swap3A_1697], %select_n3A_1696 {strides = array<i32>} : memref<64xf32, #tpu.memory_space<vmem>>, vector<16xf32>,
        %and3A_1699 = arith.andi %and3A_1664, %and3A_1685 : vector<16xi1>
        %mul3A_1700 = arith.mulf %sub3A_1688, %sub3A_1651 : vector<16xf32>
        %select_n3A_1701 = arith.select %and3A_1699, %mul3A_1700, %broadcast_in_dim3A_1693 : vector<16xi1>, vector<16xf32>
        %swap3A_1702 = arith.constant 32 : index
        %swap3A_1703 = tpu.vector_load %arg9[%swap3A_1702] {strides = array<i32>} : memref<64xf32, #tpu.memory_space<vmem>>, vector<16xf32>,
        tpu.vector_store %arg9[%swap3A_1702], %select_n3A_1701 {strides = array<i32>} : memref<64xf32, #tpu.memory_space<vmem>>, vector<16xf32>,
        %and3A_1704 = arith.andi %and3A_1671, %and3A_1678 : vector<16xi1>
        %mul3A_1705 = arith.mulf %sub3A_1649, %sub3A_1691 : vector<16xf32>
        %select_n3A_1706 = arith.select %and3A_1704, %mul3A_1705, %broadcast_in_dim3A_1693 : vector<16xi1>, vector<16xf32>
        %swap3A_1707 = arith.constant 32 : index
        %swap3A_1708 = tpu.vector_load %arg10[%swap3A_1707] {strides = array<i32>} : memref<64xf32, #tpu.memory_space<vmem>>, vector<16xf32>,
        tpu.vector_store %arg10[%swap3A_1707], %select_n3A_1706 {strides = array<i32>} : memref<64xf32, #tpu.memory_space<vmem>>, vector<16xf32>,
        %and3A_1709 = arith.andi %and3A_1671, %and3A_1685 : vector<16xi1>
        %mul3A_1710 = arith.mulf %sub3A_1649, %sub3A_1651 : vector<16xf32>
        %select_n3A_1711 = arith.select %and3A_1709, %mul3A_1710, %broadcast_in_dim3A_1693 : vector<16xi1>, vector<16xf32>
        %swap3A_1712 = arith.constant 32 : index
        %swap3A_1713 = tpu.vector_load %arg11[%swap3A_1712] {strides = array<i32>} : memref<64xf32, #tpu.memory_space<vmem>>, vector<16xf32>,
        tpu.vector_store %arg11[%swap3A_1712], %select_n3A_1711 {strides = array<i32>} : memref<64xf32, #tpu.memory_space<vmem>>, vector<16xf32>,
        %jit3A_1714 = arith.constant 0 : i32
        %jit3A_1715 = arith.constant 511 : i32
        %max3A_1716 = vector.broadcast %jit3A_1714 : i32 to vector<16xi32>
        %max3A_1717 = arith.maxsi %max3A_1716, %select_n3A_1640 : vector<16xi32>
        %min3A_1718 = vector.broadcast %jit3A_1715 : i32 to vector<16xi32>
        %min3A_1719 = arith.minsi %min3A_1718, %max3A_1717 : vector<16xi32>
        %jit3A_1720 = arith.constant 0 : i32
        %jit3A_1721 = arith.constant 511 : i32
        %max3A_1722 = vector.broadcast %jit3A_1720 : i32 to vector<16xi32>
        %max3A_1723 = arith.maxsi %max3A_1722, %add3A_1654 : vector<16xi32>
        %min3A_1724 = vector.broadcast %jit3A_1721 : i32 to vector<16xi32>
        %min3A_1725 = arith.minsi %min3A_1724, %max3A_1723 : vector<16xi32>
        %jit3A_1726 = arith.constant 0 : i32
        %jit3A_1727 = arith.constant 511 : i32
        %max3A_1728 = vector.broadcast %jit3A_1726 : i32 to vector<16xi32>
        %max3A_1729 = arith.maxsi %max3A_1728, %select_n3A_1647 : vector<16xi32>
        %min3A_1730 = vector.broadcast %jit3A_1727 : i32 to vector<16xi32>
        %min3A_1731 = arith.minsi %min3A_1730, %max3A_1729 : vector<16xi32>
        %mul3A_1732 = arith.constant 512 : i32
        %mul3A_1733 = vector.broadcast %mul3A_1732 : i32 to vector<16xi32>
        %mul3A_1734 = arith.muli %min3A_1731, %mul3A_1733 : vector<16xi32>
        %add3A_1735 = vector.broadcast %mul3A_1333 : i32 to vector<16xi32>
        %add3A_1736 = arith.addi %add3A_1735, %mul3A_1734 : vector<16xi32>
        %jit3A_1737 = arith.constant 0 : i32
        %jit3A_1738 = arith.constant 511 : i32
        %max3A_1739 = vector.broadcast %jit3A_1737 : i32 to vector<16xi32>
        %max3A_1740 = arith.maxsi %max3A_1739, %add3A_1657 : vector<16xi32>
        %min3A_1741 = vector.broadcast %jit3A_1738 : i32 to vector<16xi32>
        %min3A_1742 = arith.minsi %min3A_1741, %max3A_1740 : vector<16xi32>
        %mul3A_1743 = arith.constant 512 : i32
        %mul3A_1744 = vector.broadcast %mul3A_1743 : i32 to vector<16xi32>
        %mul3A_1745 = arith.muli %min3A_1742, %mul3A_1744 : vector<16xi32>
        %add3A_1746 = vector.broadcast %mul3A_1333 : i32 to vector<16xi32>
        %add3A_1747 = arith.addi %add3A_1746, %mul3A_1745 : vector<16xi32>
        %add3A_1748 = arith.addi %add3A_1736, %min3A_1719 : vector<16xi32>
        %swap3A_1749 = arith.constant 32 : index
        %swap3A_1750 = tpu.vector_load %arg16[%swap3A_1749] {strides = array<i32>} : memref<64xi32, #tpu.memory_space<vmem>>, vector<16xi32>,
        tpu.vector_store %arg16[%swap3A_1749], %add3A_1748 {strides = array<i32>} : memref<64xi32, #tpu.memory_space<vmem>>, vector<16xi32>,
        %add3A_1751 = arith.addi %add3A_1747, %min3A_1719 : vector<16xi32>
        %swap3A_1752 = arith.constant 32 : index
        %swap3A_1753 = tpu.vector_load %arg17[%swap3A_1752] {strides = array<i32>} : memref<64xi32, #tpu.memory_space<vmem>>, vector<16xi32>,
        tpu.vector_store %arg17[%swap3A_1752], %add3A_1751 {strides = array<i32>} : memref<64xi32, #tpu.memory_space<vmem>>, vector<16xi32>,
        %add3A_1754 = arith.addi %add3A_1736, %min3A_1725 : vector<16xi32>
        %swap3A_1755 = arith.constant 32 : index
        %swap3A_1756 = tpu.vector_load %arg18[%swap3A_1755] {strides = array<i32>} : memref<64xi32, #tpu.memory_space<vmem>>, vector<16xi32>,
        tpu.vector_store %arg18[%swap3A_1755], %add3A_1754 {strides = array<i32>} : memref<64xi32, #tpu.memory_space<vmem>>, vector<16xi32>,
        %add3A_1757 = arith.addi %add3A_1747, %min3A_1725 : vector<16xi32>
        %swap3A_1758 = arith.constant 32 : index
        %swap3A_1759 = tpu.vector_load %arg19[%swap3A_1758] {strides = array<i32>} : memref<64xi32, #tpu.memory_space<vmem>>, vector<16xi32>,
        tpu.vector_store %arg19[%swap3A_1758], %add3A_1757 {strides = array<i32>} : memref<64xi32, #tpu.memory_space<vmem>>, vector<16xi32>,
        %get3A_1760 = arith.constant 48 : index
        %get3A_1761 = tpu.vector_load %arg6[%get3A_1760] {strides = array<i32>} : memref<64xf32, #tpu.memory_space<vmem>>, vector<16xf32>,
        %add3A_1762 = arith.constant 1.000000e+00 : f32
        %add3A_1763 = vector.broadcast %add3A_1762 : f32 to vector<16xf32>
        %add3A_1764 = arith.addf %get3A_1761, %add3A_1763 : vector<16xf32>
        %mul3A_1765 = arith.constant 2.555000e+02 : f32
        %mul3A_1766 = vector.broadcast %mul3A_1765 : f32 to vector<16xf32>
        %mul3A_1767 = arith.mulf %add3A_1764, %mul3A_1766 : vector<16xf32>
        %get3A_1768 = arith.constant 48 : index
        %get3A_1769 = tpu.vector_load %arg7[%get3A_1768] {strides = array<i32>} : memref<64xf32, #tpu.memory_space<vmem>>, vector<16xf32>,
        %add3A_1770 = arith.constant 1.000000e+00 : f32
        %add3A_1771 = vector.broadcast %add3A_1770 : f32 to vector<16xf32>
        %add3A_1772 = arith.addf %get3A_1769, %add3A_1771 : vector<16xf32>
        %mul3A_1773 = arith.constant 2.555000e+02 : f32
        %mul3A_1774 = vector.broadcast %mul3A_1773 : f32 to vector<16xf32>
        %mul3A_1775 = arith.mulf %add3A_1772, %mul3A_1774 : vector<16xf32>
        %convert_element_type3A_1776 = arith.fptosi %mul3A_1767 : vector<16xf32> to vector<16xi32>
        %convert_element_type3A_1777 = arith.sitofp %convert_element_type3A_1776 : vector<16xi32> to vector<16xf32>
        %gt3A_1778 = arith.cmpf ogt, %convert_element_type3A_1777, %mul3A_1767 : vector<16xf32>
        %sub3A_1779 = arith.constant 1 : i32
        %sub3A_1780 = vector.broadcast %sub3A_1779 : i32 to vector<16xi32>
        %sub3A_1781 = arith.subi %convert_element_type3A_1776, %sub3A_1780 : vector<16xi32>
        %select_n3A_1782 = arith.select %gt3A_1778, %sub3A_1781, %convert_element_type3A_1776 : vector<16xi1>, vector<16xi32>
        %convert_element_type3A_1783 = arith.fptosi %mul3A_1775 : vector<16xf32> to vector<16xi32>
        %convert_element_type3A_1784 = arith.sitofp %convert_element_type3A_1783 : vector<16xi32> to vector<16xf32>
        %gt3A_1785 = arith.cmpf ogt, %convert_element_type3A_1784, %mul3A_1775 : vector<16xf32>
        %sub3A_1786 = arith.constant 1 : i32
        %sub3A_1787 = vector.broadcast %sub3A_1786 : i32 to vector<16xi32>
        %sub3A_1788 = arith.subi %convert_element_type3A_1783, %sub3A_1787 : vector<16xi32>
        %select_n3A_1789 = arith.select %gt3A_1785, %sub3A_1788, %convert_element_type3A_1783 : vector<16xi1>, vector<16xi32>
        %convert_element_type3A_1790 = arith.sitofp %select_n3A_1782 : vector<16xi32> to vector<16xf32>
        %sub3A_1791 = arith.subf %mul3A_1767, %convert_element_type3A_1790 : vector<16xf32>
        %convert_element_type3A_1792 = arith.sitofp %select_n3A_1789 : vector<16xi32> to vector<16xf32>
        %sub3A_1793 = arith.subf %mul3A_1775, %convert_element_type3A_1792 : vector<16xf32>
        %add3A_1794 = arith.constant 1 : i32
        %add3A_1795 = vector.broadcast %add3A_1794 : i32 to vector<16xi32>
        %add3A_1796 = arith.addi %select_n3A_1782, %add3A_1795 : vector<16xi32>
        %add3A_1797 = arith.constant 1 : i32
        %add3A_1798 = vector.broadcast %add3A_1797 : i32 to vector<16xi32>
        %add3A_1799 = arith.addi %select_n3A_1789, %add3A_1798 : vector<16xi32>
        %ge3A_1800 = arith.constant 0 : i32
        %ge3A_1801 = vector.broadcast %ge3A_1800 : i32 to vector<16xi32>
        %ge3A_1802 = arith.cmpi sge, %select_n3A_1782, %ge3A_1801 : vector<16xi32>
        %lt3A_1803 = arith.constant 512 : i32
        %lt3A_1804 = vector.broadcast %lt3A_1803 : i32 to vector<16xi32>
        %lt3A_1805 = arith.cmpi slt, %select_n3A_1782, %lt3A_1804 : vector<16xi32>
        %and3A_1806 = arith.andi %ge3A_1802, %lt3A_1805 : vector<16xi1>
        %ge3A_1807 = arith.constant 0 : i32
        %ge3A_1808 = vector.broadcast %ge3A_1807 : i32 to vector<16xi32>
        %ge3A_1809 = arith.cmpi sge, %add3A_1796, %ge3A_1808 : vector<16xi32>
        %lt3A_1810 = arith.constant 512 : i32
        %lt3A_1811 = vector.broadcast %lt3A_1810 : i32 to vector<16xi32>
        %lt3A_1812 = arith.cmpi slt, %add3A_1796, %lt3A_1811 : vector<16xi32>
        %and3A_1813 = arith.andi %ge3A_1809, %lt3A_1812 : vector<16xi1>
        %ge3A_1814 = arith.constant 0 : i32
        %ge3A_1815 = vector.broadcast %ge3A_1814 : i32 to vector<16xi32>
        %ge3A_1816 = arith.cmpi sge, %select_n3A_1789, %ge3A_1815 : vector<16xi32>
        %lt3A_1817 = arith.constant 512 : i32
        %lt3A_1818 = vector.broadcast %lt3A_1817 : i32 to vector<16xi32>
        %lt3A_1819 = arith.cmpi slt, %select_n3A_1789, %lt3A_1818 : vector<16xi32>
        %and3A_1820 = arith.andi %ge3A_1816, %lt3A_1819 : vector<16xi1>
        %ge3A_1821 = arith.constant 0 : i32
        %ge3A_1822 = vector.broadcast %ge3A_1821 : i32 to vector<16xi32>
        %ge3A_1823 = arith.cmpi sge, %add3A_1799, %ge3A_1822 : vector<16xi32>
        %lt3A_1824 = arith.constant 512 : i32
        %lt3A_1825 = vector.broadcast %lt3A_1824 : i32 to vector<16xi32>
        %lt3A_1826 = arith.cmpi slt, %add3A_1799, %lt3A_1825 : vector<16xi32>
        %and3A_1827 = arith.andi %ge3A_1823, %lt3A_1826 : vector<16xi1>
        %sub3A_1828 = arith.constant 1.000000e+00 : f32
        %sub3A_1829 = vector.broadcast %sub3A_1828 : f32 to vector<16xf32>
        %sub3A_1830 = arith.subf %sub3A_1829, %sub3A_1791 : vector<16xf32>
        %sub3A_1831 = arith.constant 1.000000e+00 : f32
        %sub3A_1832 = vector.broadcast %sub3A_1831 : f32 to vector<16xf32>
        %sub3A_1833 = arith.subf %sub3A_1832, %sub3A_1793 : vector<16xf32>
        %broadcast_in_dim3A_1834 = arith.constant 0.000000e+00 : f32
        %broadcast_in_dim3A_1835 = vector.broadcast %broadcast_in_dim3A_1834 : f32 to vector<16xf32>
        %and3A_1836 = arith.andi %and3A_1806, %and3A_1820 : vector<16xi1>
        %mul3A_1837 = arith.mulf %sub3A_1830, %sub3A_1833 : vector<16xf32>
        %select_n3A_1838 = arith.select %and3A_1836, %mul3A_1837, %broadcast_in_dim3A_1835 : vector<16xi1>, vector<16xf32>
        %swap3A_1839 = arith.constant 48 : index
        %swap3A_1840 = tpu.vector_load %arg8[%swap3A_1839] {strides = array<i32>} : memref<64xf32, #tpu.memory_space<vmem>>, vector<16xf32>,
        tpu.vector_store %arg8[%swap3A_1839], %select_n3A_1838 {strides = array<i32>} : memref<64xf32, #tpu.memory_space<vmem>>, vector<16xf32>,
        %and3A_1841 = arith.andi %and3A_1806, %and3A_1827 : vector<16xi1>
        %mul3A_1842 = arith.mulf %sub3A_1830, %sub3A_1793 : vector<16xf32>
        %select_n3A_1843 = arith.select %and3A_1841, %mul3A_1842, %broadcast_in_dim3A_1835 : vector<16xi1>, vector<16xf32>
        %swap3A_1844 = arith.constant 48 : index
        %swap3A_1845 = tpu.vector_load %arg9[%swap3A_1844] {strides = array<i32>} : memref<64xf32, #tpu.memory_space<vmem>>, vector<16xf32>,
        tpu.vector_store %arg9[%swap3A_1844], %select_n3A_1843 {strides = array<i32>} : memref<64xf32, #tpu.memory_space<vmem>>, vector<16xf32>,
        %and3A_1846 = arith.andi %and3A_1813, %and3A_1820 : vector<16xi1>
        %mul3A_1847 = arith.mulf %sub3A_1791, %sub3A_1833 : vector<16xf32>
        %select_n3A_1848 = arith.select %and3A_1846, %mul3A_1847, %broadcast_in_dim3A_1835 : vector<16xi1>, vector<16xf32>
        %swap3A_1849 = arith.constant 48 : index
        %swap3A_1850 = tpu.vector_load %arg10[%swap3A_1849] {strides = array<i32>} : memref<64xf32, #tpu.memory_space<vmem>>, vector<16xf32>,
        tpu.vector_store %arg10[%swap3A_1849], %select_n3A_1848 {strides = array<i32>} : memref<64xf32, #tpu.memory_space<vmem>>, vector<16xf32>,
        %and3A_1851 = arith.andi %and3A_1813, %and3A_1827 : vector<16xi1>
        %mul3A_1852 = arith.mulf %sub3A_1791, %sub3A_1793 : vector<16xf32>
        %select_n3A_1853 = arith.select %and3A_1851, %mul3A_1852, %broadcast_in_dim3A_1835 : vector<16xi1>, vector<16xf32>
        %swap3A_1854 = arith.constant 48 : index
        %swap3A_1855 = tpu.vector_load %arg11[%swap3A_1854] {strides = array<i32>} : memref<64xf32, #tpu.memory_space<vmem>>, vector<16xf32>,
        tpu.vector_store %arg11[%swap3A_1854], %select_n3A_1853 {strides = array<i32>} : memref<64xf32, #tpu.memory_space<vmem>>, vector<16xf32>,
        %jit3A_1856 = arith.constant 0 : i32
        %jit3A_1857 = arith.constant 511 : i32
        %max3A_1858 = vector.broadcast %jit3A_1856 : i32 to vector<16xi32>
        %max3A_1859 = arith.maxsi %max3A_1858, %select_n3A_1782 : vector<16xi32>
        %min3A_1860 = vector.broadcast %jit3A_1857 : i32 to vector<16xi32>
        %min3A_1861 = arith.minsi %min3A_1860, %max3A_1859 : vector<16xi32>
        %jit3A_1862 = arith.constant 0 : i32
        %jit3A_1863 = arith.constant 511 : i32
        %max3A_1864 = vector.broadcast %jit3A_1862 : i32 to vector<16xi32>
        %max3A_1865 = arith.maxsi %max3A_1864, %add3A_1796 : vector<16xi32>
        %min3A_1866 = vector.broadcast %jit3A_1863 : i32 to vector<16xi32>
        %min3A_1867 = arith.minsi %min3A_1866, %max3A_1865 : vector<16xi32>
        %jit3A_1868 = arith.constant 0 : i32
        %jit3A_1869 = arith.constant 511 : i32
        %max3A_1870 = vector.broadcast %jit3A_1868 : i32 to vector<16xi32>
        %max3A_1871 = arith.maxsi %max3A_1870, %select_n3A_1789 : vector<16xi32>
        %min3A_1872 = vector.broadcast %jit3A_1869 : i32 to vector<16xi32>
        %min3A_1873 = arith.minsi %min3A_1872, %max3A_1871 : vector<16xi32>
        %mul3A_1874 = arith.constant 512 : i32
        %mul3A_1875 = vector.broadcast %mul3A_1874 : i32 to vector<16xi32>
        %mul3A_1876 = arith.muli %min3A_1873, %mul3A_1875 : vector<16xi32>
        %add3A_1877 = vector.broadcast %mul3A_1333 : i32 to vector<16xi32>
        %add3A_1878 = arith.addi %add3A_1877, %mul3A_1876 : vector<16xi32>
        %jit3A_1879 = arith.constant 0 : i32
        %jit3A_1880 = arith.constant 511 : i32
        %max3A_1881 = vector.broadcast %jit3A_1879 : i32 to vector<16xi32>
        %max3A_1882 = arith.maxsi %max3A_1881, %add3A_1799 : vector<16xi32>
        %min3A_1883 = vector.broadcast %jit3A_1880 : i32 to vector<16xi32>
        %min3A_1884 = arith.minsi %min3A_1883, %max3A_1882 : vector<16xi32>
        %mul3A_1885 = arith.constant 512 : i32
        %mul3A_1886 = vector.broadcast %mul3A_1885 : i32 to vector<16xi32>
        %mul3A_1887 = arith.muli %min3A_1884, %mul3A_1886 : vector<16xi32>
        %add3A_1888 = vector.broadcast %mul3A_1333 : i32 to vector<16xi32>
        %add3A_1889 = arith.addi %add3A_1888, %mul3A_1887 : vector<16xi32>
        %add3A_1890 = arith.addi %add3A_1878, %min3A_1861 : vector<16xi32>
        %swap3A_1891 = arith.constant 48 : index
        %swap3A_1892 = tpu.vector_load %arg16[%swap3A_1891] {strides = array<i32>} : memref<64xi32, #tpu.memory_space<vmem>>, vector<16xi32>,
        tpu.vector_store %arg16[%swap3A_1891], %add3A_1890 {strides = array<i32>} : memref<64xi32, #tpu.memory_space<vmem>>, vector<16xi32>,
        %add3A_1893 = arith.addi %add3A_1889, %min3A_1861 : vector<16xi32>
        %swap3A_1894 = arith.constant 48 : index
        %swap3A_1895 = tpu.vector_load %arg17[%swap3A_1894] {strides = array<i32>} : memref<64xi32, #tpu.memory_space<vmem>>, vector<16xi32>,
        tpu.vector_store %arg17[%swap3A_1894], %add3A_1893 {strides = array<i32>} : memref<64xi32, #tpu.memory_space<vmem>>, vector<16xi32>,
        %add3A_1896 = arith.addi %add3A_1878, %min3A_1867 : vector<16xi32>
        %swap3A_1897 = arith.constant 48 : index
        %swap3A_1898 = tpu.vector_load %arg18[%swap3A_1897] {strides = array<i32>} : memref<64xi32, #tpu.memory_space<vmem>>, vector<16xi32>,
        tpu.vector_store %arg18[%swap3A_1897], %add3A_1896 {strides = array<i32>} : memref<64xi32, #tpu.memory_space<vmem>>, vector<16xi32>,
        %add3A_1899 = arith.addi %add3A_1889, %min3A_1867 : vector<16xi32>
        %swap3A_1900 = arith.constant 48 : index
        %swap3A_1901 = tpu.vector_load %arg19[%swap3A_1900] {strides = array<i32>} : memref<64xi32, #tpu.memory_space<vmem>>, vector<16xi32>,
        tpu.vector_store %arg19[%swap3A_1900], %add3A_1899 {strides = array<i32>} : memref<64xi32, #tpu.memory_space<vmem>>, vector<16xi32>,
        %dma_start3A_1902 = arith.constant 0 : i32
        %dma_start3A_1903 = arith.constant 0 : i32
        %dma_start3A_1904 = tpu.memref_slice %arg2[%dma_start3A_1902, %dma_start3A_1903] : memref<1048576x128xf32, #tpu.memory_space<hbm>> -> memref<1048576x128xf32, #tpu.memory_space<hbm>>
        tpu.enqueue_indirect_dma source(%dma_start3A_1904 : memref<1048576x128xf32, #tpu.memory_space<hbm>>) target(%arg24 : memref<64x128xf32, #tpu.memory_space<vmem>>) offsets(%arg16 : memref<64xi32, #tpu.memory_space<vmem>>) semaphore(%arg34 : memref<!tpu.dma_semaphore, #tpu.memory_space<semaphore_mem>>)
        %dma_start3A_1905 = arith.constant 0 : i32
        %dma_start3A_1906 = arith.constant 0 : i32
        %dma_start3A_1907 = tpu.memref_slice %arg2[%dma_start3A_1905, %dma_start3A_1906] : memref<1048576x128xf32, #tpu.memory_space<hbm>> -> memref<1048576x128xf32, #tpu.memory_space<hbm>>
        tpu.enqueue_indirect_dma source(%dma_start3A_1907 : memref<1048576x128xf32, #tpu.memory_space<hbm>>) target(%arg25 : memref<64x128xf32, #tpu.memory_space<vmem>>) offsets(%arg17 : memref<64xi32, #tpu.memory_space<vmem>>) semaphore(%arg34 : memref<!tpu.dma_semaphore, #tpu.memory_space<semaphore_mem>>)
        %dma_start3A_1908 = arith.constant 0 : i32
        %dma_start3A_1909 = arith.constant 0 : i32
        %dma_start3A_1910 = tpu.memref_slice %arg2[%dma_start3A_1908, %dma_start3A_1909] : memref<1048576x128xf32, #tpu.memory_space<hbm>> -> memref<1048576x128xf32, #tpu.memory_space<hbm>>
        tpu.enqueue_indirect_dma source(%dma_start3A_1910 : memref<1048576x128xf32, #tpu.memory_space<hbm>>) target(%arg26 : memref<64x128xf32, #tpu.memory_space<vmem>>) offsets(%arg18 : memref<64xi32, #tpu.memory_space<vmem>>) semaphore(%arg34 : memref<!tpu.dma_semaphore, #tpu.memory_space<semaphore_mem>>)
        %dma_start3A_1911 = arith.constant 0 : i32
        %dma_start3A_1912 = arith.constant 0 : i32
        %dma_start3A_1913 = tpu.memref_slice %arg2[%dma_start3A_1911, %dma_start3A_1912] : memref<1048576x128xf32, #tpu.memory_space<hbm>> -> memref<1048576x128xf32, #tpu.memory_space<hbm>>
        tpu.enqueue_indirect_dma source(%dma_start3A_1913 : memref<1048576x128xf32, #tpu.memory_space<hbm>>) target(%arg27 : memref<64x128xf32, #tpu.memory_space<vmem>>) offsets(%arg19 : memref<64xi32, #tpu.memory_space<vmem>>) semaphore(%arg34 : memref<!tpu.dma_semaphore, #tpu.memory_space<semaphore_mem>>)
      } else {
      }
      %dma_wait3A_1267 = arith.constant 0 : i32
      %dma_wait3A_1268 = arith.constant 0 : i32
      %dma_wait3A_1269 = tpu.memref_slice %arg2[%dma_wait3A_1267, %dma_wait3A_1268] : memref<1048576x128xf32, #tpu.memory_space<hbm>> -> memref<1048576x128xf32, #tpu.memory_space<hbm>>
      tpu.wait_indirect_dma semaphore(%arg35 : memref<!tpu.dma_semaphore, #tpu.memory_space<semaphore_mem>>) src(%dma_wait3A_1269 : memref<1048576x128xf32, #tpu.memory_space<hbm>>) dst(%arg28 : memref<64x128xf32, #tpu.memory_space<vmem>>)
      %dma_wait3A_1270 = arith.constant 0 : i32
      %dma_wait3A_1271 = arith.constant 0 : i32
      %dma_wait3A_1272 = tpu.memref_slice %arg2[%dma_wait3A_1270, %dma_wait3A_1271] : memref<1048576x128xf32, #tpu.memory_space<hbm>> -> memref<1048576x128xf32, #tpu.memory_space<hbm>>
      tpu.wait_indirect_dma semaphore(%arg35 : memref<!tpu.dma_semaphore, #tpu.memory_space<semaphore_mem>>) src(%dma_wait3A_1272 : memref<1048576x128xf32, #tpu.memory_space<hbm>>) dst(%arg29 : memref<64x128xf32, #tpu.memory_space<vmem>>)
      %dma_wait3A_1273 = arith.constant 0 : i32
      %dma_wait3A_1274 = arith.constant 0 : i32
      %dma_wait3A_1275 = tpu.memref_slice %arg2[%dma_wait3A_1273, %dma_wait3A_1274] : memref<1048576x128xf32, #tpu.memory_space<hbm>> -> memref<1048576x128xf32, #tpu.memory_space<hbm>>
      tpu.wait_indirect_dma semaphore(%arg35 : memref<!tpu.dma_semaphore, #tpu.memory_space<semaphore_mem>>) src(%dma_wait3A_1275 : memref<1048576x128xf32, #tpu.memory_space<hbm>>) dst(%arg30 : memref<64x128xf32, #tpu.memory_space<vmem>>)
      %dma_wait3A_1276 = arith.constant 0 : i32
      %dma_wait3A_1277 = arith.constant 0 : i32
      %dma_wait3A_1278 = tpu.memref_slice %arg2[%dma_wait3A_1276, %dma_wait3A_1277] : memref<1048576x128xf32, #tpu.memory_space<hbm>> -> memref<1048576x128xf32, #tpu.memory_space<hbm>>
      tpu.wait_indirect_dma semaphore(%arg35 : memref<!tpu.dma_semaphore, #tpu.memory_space<semaphore_mem>>) src(%dma_wait3A_1278 : memref<1048576x128xf32, #tpu.memory_space<hbm>>) dst(%arg31 : memref<64x128xf32, #tpu.memory_space<vmem>>)
      %gt3A_1279 = arith.constant 0 : i32
      %gt3A_1280 = arith.cmpi sgt, %scan3A_613, %gt3A_1279 : i32
      %convert_element_type3A_1281 = arith.extui %gt3A_1280 : i1 to i32
      %cond3A_1282 = arith.constant 0 : i32
      %cond3A_1283 = arith.cmpi ne, %convert_element_type3A_1281, %cond3A_1282 : i32
      scf.if %cond3A_1283 {
        %add3A_1301 = arith.constant 1 : i32
        %add3A_1302 = arith.addi %mul3A_615, %add3A_1301 : i32
        %mul3A_1303 = arith.constant 32768 : i32
        %mul3A_1304 = arith.muli %add3A, %mul3A_1303 : i32
        %mul3A_1305 = arith.constant 64 : i32
        %mul3A_1306 = arith.muli %add3A_1302, %mul3A_1305 : i32
        %add3A_1307 = arith.addi %mul3A_1304, %mul3A_1306 : i32
        %dma_wait3A_1308 = arith.constant 0 : i32
        %dma_wait3A_1309 = tpu.memref_slice %arg5[%add3A_1307, %dma_wait3A_1308] : memref<1048576x128xf32, #tpu.memory_space<hbm>> -> memref<64x128xf32, #tpu.memory_space<hbm>>
        %dma_wait3A_1310 = arith.constant 0 : i32
        %dma_wait3A_1311 = tpu.memref_slice %arg5[%add3A_1307, %dma_wait3A_1310] : memref<1048576x128xf32, #tpu.memory_space<hbm>> -> memref<64x128xf32, #tpu.memory_space<hbm>>
        tpu.wait_dma2 semaphore(%arg37 : memref<!tpu.dma_semaphore, #tpu.memory_space<semaphore_mem>>) src(%arg33 : memref<64x128xf32, #tpu.memory_space<vmem>>) dst(%dma_wait3A_1311 : memref<64x128xf32, #tpu.memory_space<hbm>>)
      } else {
      }
      %scan3A_1284 = arith.constant 0 : i32
      %scan3A_1285 = arith.constant 0 : i32
      %scan3A_1286 = arith.constant 64 : i32
      %scan3A_1287 = arith.addi %scan3A_1285, %scan3A_1286 : i32
      %scan3A_1288 = arith.constant 1 : i32
      scf.for %scan3A_1301 = %scan3A_1285 to %scan3A_1287 step %scan3A_1288  : i32 {
        %broadcast_in_dim3A_1302 = arith.constant 0 : i32
        %broadcast_in_dim3A_1303 = vector.broadcast %broadcast_in_dim3A_1302 : i32 to vector<16xi32>
        %add3A_1304 = vector.broadcast %scan3A_1301 : i32 to vector<16xi32>
        %add3A_1305 = arith.addi %broadcast_in_dim3A_1303, %add3A_1304 : vector<16xi32>
        %gather3A = tpu.vector_load_idx %arg12[%add3A_1305] : memref<64xf32, #tpu.memory_space<vmem>>[vector<16xi32>], vector<16xf32>,
        %gather3A_1306 = tpu.vector_load_idx %arg13[%add3A_1305] : memref<64xf32, #tpu.memory_space<vmem>>[vector<16xi32>], vector<16xf32>,
        %gather3A_1307 = tpu.vector_load_idx %arg14[%add3A_1305] : memref<64xf32, #tpu.memory_space<vmem>>[vector<16xi32>], vector<16xf32>,
        %gather3A_1308 = tpu.vector_load_idx %arg15[%add3A_1305] : memref<64xf32, #tpu.memory_space<vmem>>[vector<16xi32>], vector<16xf32>,
        %get3A_1309 = arith.index_cast %scan3A_1301 : i32 to index
        %get3A_1310 = arith.constant 0 : index
        %get3A_1311 = tpu.vector_load %arg28[%get3A_1309, %get3A_1310] {strides = array<i32>} : memref<64x128xf32, #tpu.memory_space<vmem>>, vector<16xf32>,
        %mul3A_1312 = arith.mulf %gather3A, %get3A_1311 : vector<16xf32>
        %get3A_1313 = arith.index_cast %scan3A_1301 : i32 to index
        %get3A_1314 = arith.constant 0 : index
        %get3A_1315 = tpu.vector_load %arg29[%get3A_1313, %get3A_1314] {strides = array<i32>} : memref<64x128xf32, #tpu.memory_space<vmem>>, vector<16xf32>,
        %mul3A_1316 = arith.mulf %gather3A_1306, %get3A_1315 : vector<16xf32>
        %add3A_1317 = arith.addf %mul3A_1312, %mul3A_1316 : vector<16xf32>
        %get3A_1318 = arith.index_cast %scan3A_1301 : i32 to index
        %get3A_1319 = arith.constant 0 : index
        %get3A_1320 = tpu.vector_load %arg30[%get3A_1318, %get3A_1319] {strides = array<i32>} : memref<64x128xf32, #tpu.memory_space<vmem>>, vector<16xf32>,
        %mul3A_1321 = arith.mulf %gather3A_1307, %get3A_1320 : vector<16xf32>
        %add3A_1322 = arith.addf %add3A_1317, %mul3A_1321 : vector<16xf32>
        %get3A_1323 = arith.index_cast %scan3A_1301 : i32 to index
        %get3A_1324 = arith.constant 0 : index
        %get3A_1325 = tpu.vector_load %arg31[%get3A_1323, %get3A_1324] {strides = array<i32>} : memref<64x128xf32, #tpu.memory_space<vmem>>, vector<16xf32>,
        %mul3A_1326 = arith.mulf %gather3A_1308, %get3A_1325 : vector<16xf32>
        %add3A_1327 = arith.addf %add3A_1322, %mul3A_1326 : vector<16xf32>
        %swap3A_1328 = arith.index_cast %scan3A_1301 : i32 to index
        %swap3A_1329 = arith.constant 0 : index
        %swap3A_1330 = tpu.vector_load %arg33[%swap3A_1328, %swap3A_1329] {strides = array<i32>} : memref<64x128xf32, #tpu.memory_space<vmem>>, vector<16xf32>,
        tpu.vector_store %arg33[%swap3A_1328, %swap3A_1329], %add3A_1327 {strides = array<i32>} : memref<64x128xf32, #tpu.memory_space<vmem>>, vector<16xf32>,
        %get3A_1331 = arith.index_cast %scan3A_1301 : i32 to index
        %get3A_1332 = arith.constant 16 : index
        %get3A_1333 = tpu.vector_load %arg28[%get3A_1331, %get3A_1332] {strides = array<i32>} : memref<64x128xf32, #tpu.memory_space<vmem>>, vector<16xf32>,
        %mul3A_1334 = arith.mulf %gather3A, %get3A_1333 : vector<16xf32>
        %get3A_1335 = arith.index_cast %scan3A_1301 : i32 to index
        %get3A_1336 = arith.constant 16 : index
        %get3A_1337 = tpu.vector_load %arg29[%get3A_1335, %get3A_1336] {strides = array<i32>} : memref<64x128xf32, #tpu.memory_space<vmem>>, vector<16xf32>,
        %mul3A_1338 = arith.mulf %gather3A_1306, %get3A_1337 : vector<16xf32>
        %add3A_1339 = arith.addf %mul3A_1334, %mul3A_1338 : vector<16xf32>
        %get3A_1340 = arith.index_cast %scan3A_1301 : i32 to index
        %get3A_1341 = arith.constant 16 : index
        %get3A_1342 = tpu.vector_load %arg30[%get3A_1340, %get3A_1341] {strides = array<i32>} : memref<64x128xf32, #tpu.memory_space<vmem>>, vector<16xf32>,
        %mul3A_1343 = arith.mulf %gather3A_1307, %get3A_1342 : vector<16xf32>
        %add3A_1344 = arith.addf %add3A_1339, %mul3A_1343 : vector<16xf32>
        %get3A_1345 = arith.index_cast %scan3A_1301 : i32 to index
        %get3A_1346 = arith.constant 16 : index
        %get3A_1347 = tpu.vector_load %arg31[%get3A_1345, %get3A_1346] {strides = array<i32>} : memref<64x128xf32, #tpu.memory_space<vmem>>, vector<16xf32>,
        %mul3A_1348 = arith.mulf %gather3A_1308, %get3A_1347 : vector<16xf32>
        %add3A_1349 = arith.addf %add3A_1344, %mul3A_1348 : vector<16xf32>
        %swap3A_1350 = arith.index_cast %scan3A_1301 : i32 to index
        %swap3A_1351 = arith.constant 16 : index
        %swap3A_1352 = tpu.vector_load %arg33[%swap3A_1350, %swap3A_1351] {strides = array<i32>} : memref<64x128xf32, #tpu.memory_space<vmem>>, vector<16xf32>,
        tpu.vector_store %arg33[%swap3A_1350, %swap3A_1351], %add3A_1349 {strides = array<i32>} : memref<64x128xf32, #tpu.memory_space<vmem>>, vector<16xf32>,
        %get3A_1353 = arith.index_cast %scan3A_1301 : i32 to index
        %get3A_1354 = arith.constant 32 : index
        %get3A_1355 = tpu.vector_load %arg28[%get3A_1353, %get3A_1354] {strides = array<i32>} : memref<64x128xf32, #tpu.memory_space<vmem>>, vector<16xf32>,
        %mul3A_1356 = arith.mulf %gather3A, %get3A_1355 : vector<16xf32>
        %get3A_1357 = arith.index_cast %scan3A_1301 : i32 to index
        %get3A_1358 = arith.constant 32 : index
        %get3A_1359 = tpu.vector_load %arg29[%get3A_1357, %get3A_1358] {strides = array<i32>} : memref<64x128xf32, #tpu.memory_space<vmem>>, vector<16xf32>,
        %mul3A_1360 = arith.mulf %gather3A_1306, %get3A_1359 : vector<16xf32>
        %add3A_1361 = arith.addf %mul3A_1356, %mul3A_1360 : vector<16xf32>
        %get3A_1362 = arith.index_cast %scan3A_1301 : i32 to index
        %get3A_1363 = arith.constant 32 : index
        %get3A_1364 = tpu.vector_load %arg30[%get3A_1362, %get3A_1363] {strides = array<i32>} : memref<64x128xf32, #tpu.memory_space<vmem>>, vector<16xf32>,
        %mul3A_1365 = arith.mulf %gather3A_1307, %get3A_1364 : vector<16xf32>
        %add3A_1366 = arith.addf %add3A_1361, %mul3A_1365 : vector<16xf32>
        %get3A_1367 = arith.index_cast %scan3A_1301 : i32 to index
        %get3A_1368 = arith.constant 32 : index
        %get3A_1369 = tpu.vector_load %arg31[%get3A_1367, %get3A_1368] {strides = array<i32>} : memref<64x128xf32, #tpu.memory_space<vmem>>, vector<16xf32>,
        %mul3A_1370 = arith.mulf %gather3A_1308, %get3A_1369 : vector<16xf32>
        %add3A_1371 = arith.addf %add3A_1366, %mul3A_1370 : vector<16xf32>
        %swap3A_1372 = arith.index_cast %scan3A_1301 : i32 to index
        %swap3A_1373 = arith.constant 32 : index
        %swap3A_1374 = tpu.vector_load %arg33[%swap3A_1372, %swap3A_1373] {strides = array<i32>} : memref<64x128xf32, #tpu.memory_space<vmem>>, vector<16xf32>,
        tpu.vector_store %arg33[%swap3A_1372, %swap3A_1373], %add3A_1371 {strides = array<i32>} : memref<64x128xf32, #tpu.memory_space<vmem>>, vector<16xf32>,
        %get3A_1375 = arith.index_cast %scan3A_1301 : i32 to index
        %get3A_1376 = arith.constant 48 : index
        %get3A_1377 = tpu.vector_load %arg28[%get3A_1375, %get3A_1376] {strides = array<i32>} : memref<64x128xf32, #tpu.memory_space<vmem>>, vector<16xf32>,
        %mul3A_1378 = arith.mulf %gather3A, %get3A_1377 : vector<16xf32>
        %get3A_1379 = arith.index_cast %scan3A_1301 : i32 to index
        %get3A_1380 = arith.constant 48 : index
        %get3A_1381 = tpu.vector_load %arg29[%get3A_1379, %get3A_1380] {strides = array<i32>} : memref<64x128xf32, #tpu.memory_space<vmem>>, vector<16xf32>,
        %mul3A_1382 = arith.mulf %gather3A_1306, %get3A_1381 : vector<16xf32>
        %add3A_1383 = arith.addf %mul3A_1378, %mul3A_1382 : vector<16xf32>
        %get3A_1384 = arith.index_cast %scan3A_1301 : i32 to index
        %get3A_1385 = arith.constant 48 : index
        %get3A_1386 = tpu.vector_load %arg30[%get3A_1384, %get3A_1385] {strides = array<i32>} : memref<64x128xf32, #tpu.memory_space<vmem>>, vector<16xf32>,
        %mul3A_1387 = arith.mulf %gather3A_1307, %get3A_1386 : vector<16xf32>
        %add3A_1388 = arith.addf %add3A_1383, %mul3A_1387 : vector<16xf32>
        %get3A_1389 = arith.index_cast %scan3A_1301 : i32 to index
        %get3A_1390 = arith.constant 48 : index
        %get3A_1391 = tpu.vector_load %arg31[%get3A_1389, %get3A_1390] {strides = array<i32>} : memref<64x128xf32, #tpu.memory_space<vmem>>, vector<16xf32>,
        %mul3A_1392 = arith.mulf %gather3A_1308, %get3A_1391 : vector<16xf32>
        %add3A_1393 = arith.addf %add3A_1388, %mul3A_1392 : vector<16xf32>
        %swap3A_1394 = arith.index_cast %scan3A_1301 : i32 to index
        %swap3A_1395 = arith.constant 48 : index
        %swap3A_1396 = tpu.vector_load %arg33[%swap3A_1394, %swap3A_1395] {strides = array<i32>} : memref<64x128xf32, #tpu.memory_space<vmem>>, vector<16xf32>,
        tpu.vector_store %arg33[%swap3A_1394, %swap3A_1395], %add3A_1393 {strides = array<i32>} : memref<64x128xf32, #tpu.memory_space<vmem>>, vector<16xf32>,
        %get3A_1397 = arith.index_cast %scan3A_1301 : i32 to index
        %get3A_1398 = arith.constant 64 : index
        %get3A_1399 = tpu.vector_load %arg28[%get3A_1397, %get3A_1398] {strides = array<i32>} : memref<64x128xf32, #tpu.memory_space<vmem>>, vector<16xf32>,
        %mul3A_1400 = arith.mulf %gather3A, %get3A_1399 : vector<16xf32>
        %get3A_1401 = arith.index_cast %scan3A_1301 : i32 to index
        %get3A_1402 = arith.constant 64 : index
        %get3A_1403 = tpu.vector_load %arg29[%get3A_1401, %get3A_1402] {strides = array<i32>} : memref<64x128xf32, #tpu.memory_space<vmem>>, vector<16xf32>,
        %mul3A_1404 = arith.mulf %gather3A_1306, %get3A_1403 : vector<16xf32>
        %add3A_1405 = arith.addf %mul3A_1400, %mul3A_1404 : vector<16xf32>
        %get3A_1406 = arith.index_cast %scan3A_1301 : i32 to index
        %get3A_1407 = arith.constant 64 : index
        %get3A_1408 = tpu.vector_load %arg30[%get3A_1406, %get3A_1407] {strides = array<i32>} : memref<64x128xf32, #tpu.memory_space<vmem>>, vector<16xf32>,
        %mul3A_1409 = arith.mulf %gather3A_1307, %get3A_1408 : vector<16xf32>
        %add3A_1410 = arith.addf %add3A_1405, %mul3A_1409 : vector<16xf32>
        %get3A_1411 = arith.index_cast %scan3A_1301 : i32 to index
        %get3A_1412 = arith.constant 64 : index
        %get3A_1413 = tpu.vector_load %arg31[%get3A_1411, %get3A_1412] {strides = array<i32>} : memref<64x128xf32, #tpu.memory_space<vmem>>, vector<16xf32>,
        %mul3A_1414 = arith.mulf %gather3A_1308, %get3A_1413 : vector<16xf32>
        %add3A_1415 = arith.addf %add3A_1410, %mul3A_1414 : vector<16xf32>
        %swap3A_1416 = arith.index_cast %scan3A_1301 : i32 to index
        %swap3A_1417 = arith.constant 64 : index
        %swap3A_1418 = tpu.vector_load %arg33[%swap3A_1416, %swap3A_1417] {strides = array<i32>} : memref<64x128xf32, #tpu.memory_space<vmem>>, vector<16xf32>,
        tpu.vector_store %arg33[%swap3A_1416, %swap3A_1417], %add3A_1415 {strides = array<i32>} : memref<64x128xf32, #tpu.memory_space<vmem>>, vector<16xf32>,
        %get3A_1419 = arith.index_cast %scan3A_1301 : i32 to index
        %get3A_1420 = arith.constant 80 : index
        %get3A_1421 = tpu.vector_load %arg28[%get3A_1419, %get3A_1420] {strides = array<i32>} : memref<64x128xf32, #tpu.memory_space<vmem>>, vector<16xf32>,
        %mul3A_1422 = arith.mulf %gather3A, %get3A_1421 : vector<16xf32>
        %get3A_1423 = arith.index_cast %scan3A_1301 : i32 to index
        %get3A_1424 = arith.constant 80 : index
        %get3A_1425 = tpu.vector_load %arg29[%get3A_1423, %get3A_1424] {strides = array<i32>} : memref<64x128xf32, #tpu.memory_space<vmem>>, vector<16xf32>,
        %mul3A_1426 = arith.mulf %gather3A_1306, %get3A_1425 : vector<16xf32>
        %add3A_1427 = arith.addf %mul3A_1422, %mul3A_1426 : vector<16xf32>
        %get3A_1428 = arith.index_cast %scan3A_1301 : i32 to index
        %get3A_1429 = arith.constant 80 : index
        %get3A_1430 = tpu.vector_load %arg30[%get3A_1428, %get3A_1429] {strides = array<i32>} : memref<64x128xf32, #tpu.memory_space<vmem>>, vector<16xf32>,
        %mul3A_1431 = arith.mulf %gather3A_1307, %get3A_1430 : vector<16xf32>
        %add3A_1432 = arith.addf %add3A_1427, %mul3A_1431 : vector<16xf32>
        %get3A_1433 = arith.index_cast %scan3A_1301 : i32 to index
        %get3A_1434 = arith.constant 80 : index
        %get3A_1435 = tpu.vector_load %arg31[%get3A_1433, %get3A_1434] {strides = array<i32>} : memref<64x128xf32, #tpu.memory_space<vmem>>, vector<16xf32>,
        %mul3A_1436 = arith.mulf %gather3A_1308, %get3A_1435 : vector<16xf32>
        %add3A_1437 = arith.addf %add3A_1432, %mul3A_1436 : vector<16xf32>
        %swap3A_1438 = arith.index_cast %scan3A_1301 : i32 to index
        %swap3A_1439 = arith.constant 80 : index
        %swap3A_1440 = tpu.vector_load %arg33[%swap3A_1438, %swap3A_1439] {strides = array<i32>} : memref<64x128xf32, #tpu.memory_space<vmem>>, vector<16xf32>,
        tpu.vector_store %arg33[%swap3A_1438, %swap3A_1439], %add3A_1437 {strides = array<i32>} : memref<64x128xf32, #tpu.memory_space<vmem>>, vector<16xf32>,
      }
      %scan3A_1289 = arith.constant 64 : i32
      %add3A_1290 = arith.constant 1 : i32
      %add3A_1291 = arith.addi %mul3A_615, %add3A_1290 : i32
      %mul3A_1292 = arith.constant 32768 : i32
      %mul3A_1293 = arith.muli %add3A, %mul3A_1292 : i32
      %mul3A_1294 = arith.constant 64 : i32
      %mul3A_1295 = arith.muli %add3A_1291, %mul3A_1294 : i32
      %add3A_1296 = arith.addi %mul3A_1293, %mul3A_1295 : i32
      %dma_start3A_1297 = arith.constant 0 : i32
      %dma_start3A_1298 = tpu.memref_slice %arg5[%add3A_1296, %dma_start3A_1297] : memref<1048576x128xf32, #tpu.memory_space<hbm>> -> memref<64x128xf32, #tpu.memory_space<hbm>>
      %dma_start3A_1299 = arith.constant 0 : i32
      %dma_start3A_1300 = tpu.memref_slice %arg5[%add3A_1296, %dma_start3A_1299] : memref<1048576x128xf32, #tpu.memory_space<hbm>> -> memref<64x128xf32, #tpu.memory_space<hbm>>
      tpu.enqueue_dma source(%arg33 : memref<64x128xf32, #tpu.memory_space<vmem>>) target(%dma_start3A_1300 : memref<64x128xf32, #tpu.memory_space<hbm>>) target_semaphore(%arg37 : memref<!tpu.dma_semaphore, #tpu.memory_space<semaphore_mem>>)
    }
    %scan3A_597 = arith.constant 256 : i32
    %mul3A_598 = arith.constant 32768 : i32
    %mul3A_599 = arith.muli %add3A, %mul3A_598 : i32
    %add3A_600 = arith.constant 32640 : i32
    %add3A_601 = arith.addi %mul3A_599, %add3A_600 : i32
    %dma_wait3A = arith.constant 0 : i32
    %dma_wait3A_602 = tpu.memref_slice %arg5[%add3A_601, %dma_wait3A] : memref<1048576x128xf32, #tpu.memory_space<hbm>> -> memref<64x128xf32, #tpu.memory_space<hbm>>
    %dma_wait3A_603 = arith.constant 0 : i32
    %dma_wait3A_604 = tpu.memref_slice %arg5[%add3A_601, %dma_wait3A_603] : memref<1048576x128xf32, #tpu.memory_space<hbm>> -> memref<64x128xf32, #tpu.memory_space<hbm>>
    tpu.wait_dma2 semaphore(%arg36 : memref<!tpu.dma_semaphore, #tpu.memory_space<semaphore_mem>>) src(%arg32 : memref<64x128xf32, #tpu.memory_space<vmem>>) dst(%dma_wait3A_604 : memref<64x128xf32, #tpu.memory_space<hbm>>)
    %mul3A_605 = arith.constant 32768 : i32
    %mul3A_606 = arith.muli %add3A, %mul3A_605 : i32
    %add3A_607 = arith.constant 32704 : i32
    %add3A_608 = arith.addi %mul3A_606, %add3A_607 : i32
    %dma_wait3A_609 = arith.constant 0 : i32
    %dma_wait3A_610 = tpu.memref_slice %arg5[%add3A_608, %dma_wait3A_609] : memref<1048576x128xf32, #tpu.memory_space<hbm>> -> memref<64x128xf32, #tpu.memory_space<hbm>>
    %dma_wait3A_611 = arith.constant 0 : i32
    %dma_wait3A_612 = tpu.memref_slice %arg5[%add3A_608, %dma_wait3A_611] : memref<1048576x128xf32, #tpu.memory_space<hbm>> -> memref<64x128xf32, #tpu.memory_space<hbm>>
    tpu.wait_dma2 semaphore(%arg37 : memref<!tpu.dma_semaphore, #tpu.memory_space<semaphore_mem>>) src(%arg33 : memref<64x128xf32, #tpu.memory_space<vmem>>) dst(%dma_wait3A_612 : memref<64x128xf32, #tpu.memory_space<hbm>>)
    return
  }
}

</mosaic_0001>

<sc_bundles>
// kernel: kernel.3.cloned.1.call-start
scs
__scs_entry_jumppad:
0x0: {  	(pc) =	sbr.rel $0x88, $3  }
0x1: {  	(tag) =	ssettag $0x0;
	lr =	simm.s32 $0x1  }
0x2: {  	[smem:$0x3F9F] =	sst lr;
	_ =	strace $0xD0000000  }
0x3: {  	_ = 	snop  }
0x4: {  	_ = 	snop  }
0x5: {  	_ = 	snop  }
0x6: {  	_ = 	snop  }
0x7: {  	_ = 	snop  }
__scs_overlays_trampoline_lowered:
0x8: {  	[smem:$0x3FAE] =	sst s0  }
0x9: {  	[smem:$0x3FAF] =	sst s1  }
0xa: {  	[smem:$0x3FB0] =	sst s2  }
0xb: {  	[smem:$0x3FB1] =	sst s3  }
0xc: {  	[smem:$0x3FB2] =	sst s4  }
0xd: {  	[smem:$0x3FB3] =	sst s5  }
0xe: {  	[smem:$0x3FB4] =	sst s6  }
0xf: {  	[smem:$0x3FB5] =	sst s7  }
0x10: {  	[smem:$0x3FB6] =	sst s8  }
0x11: {  	[smem:$0x3FB7] =	sst s9;
	s0 =	simm.s32 @!p0 $0x0  }
0x12: {  	s1 =	sld [smem:$0x3F9D];
	s0 =	simm.s32 @p0 $0x1  }
0x13: {  	[smem:$0x3FB8] =	sst s0;
	s0 =	simm.s32 @!p1 $0x0  }
0x14: {  	s2 =	sld [smem:$0x3F9C];
	s0 =	simm.s32 @p1 $0x1  }
0x15: {  	[smem:$0x3FB9] =	sst s0;
	s0 =	simm.s32 @!p2 $0x0  }
0x16: {  	s3 =	sld [smem:$0x3FDB];
	s0 =	simm.s32 @p2 $0x1  }
0x17: {  	s4 =	simm.s32 $0x1BF5;
	[smem:$0x3FBB] =	sst s0  }
0x18: {  	s0 =	sld [smem:$0x3F9E];
	_ =	swait.ge [sflag:s4], $0x0  }
0x19: {  	s7 =	sld [smem:$0x3F9F]  }
0x1a: {  	s8 =	sadd.s32 $0xFFFFE003, lr  }
0x1b: {  	s9 =	sadd.s32 $0xFFFFFEF7, lr;
	s5 =	simm.s32 $0xFFFFFFFF;
	p2 =	slt.u32 s8, $0xFFFFF086  }
0x1c: {  	p1 =	slt.u32 s9, $0xF7A;
	s5 =	simm.s32 @!p2 $0x0  }
0x1d: {  	s5 =	simm.s32 @p1 $0x1;
	p0 =	seq.s32 s7, s2  }
0x1e: {  	s7 =	smul.u32 @!p0 $0xF7A, s2;
	p2 =	seq.s32 @!p0 s5, $0x0  }
0x1f: {  	s9 =	smul.u32 $0xF7A, s1;
	s8 =	simm.s32 @!p0 $0x1BF5;
	p2 =	por !p2, p0  }
0x20: {  	[sflag:s8] =	ssyncset.s32 @!p0 $0xFFFFF086;
	s6 =	sadd.s32 @!p0 s3, s7;
	s7 =	simm.s32 @!p0 $0x108  }
0x21: {  	s3 =	sadd.s32 s3, s9;
	s6 =	sadd.s32 @!p0 $0x88, s6;
	s7 =	simm.s32 @p2 $0x1082  }
0x22: {  	[simem:s7], [sflag:s8] =	dma.local @!p0 [hbm:s6], $0xF7A  }
0x23: {  	s9 =	sor.u32 $0xD0000000, s2;
	s6 =	simm.s32 $0x108;
	_ =	swait.ge @!p0 [sflag:s8], $0x0  }
0x24: {  	s3 =	sadd.s32 $0x88, s3;
	s6 =	simm.s32 @!p1 $0x1082;
	[sflag:s4] =	ssyncset.s32 $0xFFFFF086  }
0x25: {  	[simem:s6], [sflag:s4] =	dma.local [hbm:s3], $0xF7A  }
0x26: {  	[smem:$0x3F9F] =	sst s1;
	(tag) =	ssettag s2;
	_ =	strace s9  }
0x27: {  	s1 =	sld [smem:$0x3FAF]  }
0x28: {  	s2 =	sld [smem:$0x3FB0]  }
0x29: {  	s4 =	sld [smem:$0x3FB2]  }
0x2a: {  	p0 =	seq.s32 s5, $0x0;
	s5 =	sld [smem:$0x3FB3]  }
0x2b: {  	s6 =	sld [smem:$0x3FB4]  }
0x2c: {  	s7 =	sld [smem:$0x3FB5]  }
0x2d: {  	s3 =	simm.s32 $0x108;
	s8 =	sld [smem:$0x3FB6]  }
0x2e: {  	s3 =	simm.s32 @!p0 $0x1082;
	s9 =	sld [smem:$0x3FB7]  }
0x2f: {  	lr =	sadd.s32 s0, s3;
	s0 =	sld [smem:$0x3FAE]  }
0x30: {  	s3 =	sld [smem:$0x3FB1]  }
0x31: {  	[smem:$0x3FBA] =	sst s10  }
0x32: {  	s10 =	sld [smem:$0x3FB8];
	_ =	sdelay $0x3  }
0x33: {  	p0 =	seq.s32 s10, $0x1;
	s10 =	sld [smem:$0x3FBA];
	_ =	sdelay $0x3  }
0x34: {  	[smem:$0x3FBA] =	sst s10  }
0x35: {  	s10 =	sld [smem:$0x3FB9];
	_ =	sdelay $0x3  }
0x36: {  	p1 =	seq.s32 s10, $0x1;
	s10 =	sld [smem:$0x3FBA];
	_ =	sdelay $0x3  }
0x37: {  	[smem:$0x3FBA] =	sst s10  }
0x38: {  	s10 =	sld [smem:$0x3FBB]  }
0x39: {  	_ = 	snop;
	(pc) =	sbr.ind lr, $3  }
0x3a: {  	_ = 	snop  }
0x3b: {  	_ = 	snop  }
0x3c: {  	p2 =	seq.s32 s10, $0x1;
	s10 =	sld [smem:$0x3FBA]  }
0x3d: {  	_ =	shalt  }
0x3e: {  	_ =	shalt  }
0x3f: {  	_ =	shalt  }
0x40: {  	_ =	shalt  }
0x41: {  	_ =	shalt  }
0x42: {  	_ =	shalt  }
0x43: {  	_ =	shalt  }
0x44: {  	_ =	shalt  }
0x45: {  	_ =	shalt  }
0x46: {  	_ =	shalt  }
0x47: {  	_ =	shalt  }
0x48: {  	_ =	shalt  }
0x49: {  	_ =	shalt  }
0x4a: {  	_ =	shalt  }
0x4b: {  	_ =	shalt  }
0x4c: {  	_ =	shalt  }
0x4d: {  	_ =	shalt  }
0x4e: {  	_ =	shalt  }
0x4f: {  	_ =	shalt  }
0x50: {  	_ =	shalt  }
0x51: {  	_ =	shalt  }
0x52: {  	_ =	shalt  }
0x53: {  	_ =	shalt  }
0x54: {  	_ =	shalt  }
0x55: {  	_ =	shalt  }
0x56: {  	_ =	shalt  }
0x57: {  	_ =	shalt  }
0x58: {  	_ =	shalt  }
0x59: {  	_ =	shalt  }
0x5a: {  	_ =	shalt  }
0x5b: {  	_ =	shalt  }
0x5c: {  	_ =	shalt  }
0x5d: {  	_ =	shalt  }
0x5e: {  	_ =	shalt  }
0x5f: {  	_ =	shalt  }
0x60: {  	_ =	shalt  }
0x61: {  	_ =	shalt  }
0x62: {  	_ =	shalt  }
0x63: {  	_ =	shalt  }
0x64: {  	_ =	shalt  }
0x65: {  	_ =	shalt  }
0x66: {  	_ =	shalt  }
0x67: {  	_ =	shalt  }
0x68: {  	_ =	shalt  }
0x69: {  	_ =	shalt  }
0x6a: {  	_ =	shalt  }
0x6b: {  	_ =	shalt  }
0x6c: {  	_ =	shalt  }
0x6d: {  	_ =	shalt  }
0x6e: {  	_ =	shalt  }
0x6f: {  	_ =	shalt  }
0x70: {  	_ =	shalt  }
0x71: {  	_ =	shalt  }
0x72: {  	_ =	shalt  }
0x73: {  	_ =	shalt  }
0x74: {  	_ =	shalt  }
0x75: {  	_ =	shalt  }
0x76: {  	_ =	shalt  }
0x77: {  	_ =	shalt  }
0x78: {  	_ =	shalt  }
0x79: {  	_ =	shalt  }
0x7a: {  	_ =	shalt  }
0x7b: {  	_ =	shalt  }
0x7c: {  	_ =	shalt  }
0x7d: {  	_ =	shalt  }
0x7e: {  	_ =	shalt  }
0x7f: {  	_ =	shalt  }
0x80: {  	_ =	shalt  }
0x81: {  	_ =	shalt  }
0x82: {  	_ =	shalt  }
0x83: {  	_ =	shalt  }
0x84: {  	_ =	shalt  }
0x85: {  	_ =	shalt  }
0x86: {  	_ =	shalt  }
0x87: {  	_ =	shalt  }
.Lfunc_end0:
.L_simem_size_0:
called_computation.2_lowered:
.L_overlay_start_0:
0x88: {  	s2 =	sld [smem:$0x3FD9]  }
0x89: {  	s3 =	sld [smem:$0x3FFE];
	_ =	sdelay $0x1  }
0x8a: {  	s1 =	srdreg.scid  }
0x8b: {  	s0 =	sand.u32 $0x1, s1  }
0x8c: {  	s17 =	sshll.u32 s0, $0xA;
	s2 =	sadd.s32 s3, s2  }
0x8d: {  	s2 =	sadd.s32 s2, s17  }
0x8e: {  	[smem:$0x3FC6] =	sst s2  }
0x8f: {  	_ = 	snop  }
0x90: {  	s2 =	sld [smem:$0x3FD0];
	(tm) =	ssettm $0x1  }
0x91: {  	s18 =	sld [smem:$0x3FFB];
	_ =	sdelay $0x3  }
0x92: {  	_ =	strace s18  }
0x93: {  	s3 =	sld [smem:$0x3FFC];
	_ =	sdelay $0x3  }
0x94: {  	_ =	strace s3  }
0x95: {  	s3 =	sld [smem:$0x3FFD];
	_ =	sdelay $0x3  }
0x96: {  	_ =	strace s3  }
0x97: {  	_ =	strace $0x8FFFFFFF  }
0x98: {  	s19 =	sld [smem:$0x3FDB];
	_ =	sdelay $0x1  }
0x99: {  	s4 =	simm.s32 $_scs_section_size  }
0x9a: {  	s5 =	simm.s32 $_size__tile_overlayer_lowered;
	s6 =	simm.s32 $_tile_overlayer_lowered  }
0x9b: {  	s22 =	simm.s32 $0x1BFF;
	s21 =	sshll.u32 s6, $0x1;
	s3 =	sadd.s32 s4, s19  }
0x9c: {  	s7 =	simm.s32 $0x0;
	s20 =	sshll.u32 s5, $0x1;
	s5 =	sadd.s32 s21, s3  }
0x9d: {  	[timem:s7], [sflag:s22] =	dma.local [hbm:s5], s20  }
0x9e: {  	_ =	swait.ge [sflag:s22], s20  }
0x9f: {  	s4 =	ssub.s32 $0x0, s20;
	[sflag:s22] =	ssyncset.done $0x0  }
0xa0: {  	[sflag:s22] =	ssyncadd.s32 s4;
	_ =	sdelay $0x1  }
0xa1: {  	s23 =	simm.s32 $0x1B8B  }
0xa2: {  	_ =	swait.ge [sflag:s23], $0x1  }
0xa3: {  	[sflag:s23] =	ssyncset.done $0x0  }
0xa4: {  	s25 =	simm.s32 $0x1B8E;
	s24 =	sld [smem:$0x3FFE];
	[sflag:s23] =	ssyncadd.s32 $0xFFFFFFFF  }
0xa5: {  	s26 =	simm.s32 $execute0_lowered;
	[smem:$0x3FD2] =	sst s25  }
0xa6: {  	s5 =	sshll.u32 s26, $0x1;
	_ =	strace $0x80000049;
	[dreg:$0x1] =	wrdreg $0xFFFFFFFF  }
0xa7: {  	s28 =	simm.s32 $_size_execute0_lowered;
	s3 =	sadd.s32 s3, s5;
	[dreg:$0x0] =	wrdreg $0x0  }
0xa8: {  	s5 =	sshll.u32 s28, $0x1;
	[dreg:$0x2] =	wrdreg s3  }
0xa9: {  	[dreg:$0x3] =	wrdreg s5  }
0xaa: {  	[dreg:$0x4] =	wrdreg $0xC0  }
0xab: {  	_ =	task [dreg:s7], $0x5FFFF  }
0xac: {  	[dreg:$0x1] =	wrdreg $0xFFFFFFFF  }
0xad: {  	[dreg:$0x0] =	wrdreg $0x60  }
0xae: {  	[dreg:$0x2] =	wrdreg s24  }
0xaf: {  	[dreg:$0x3] =	wrdreg s2  }
0xb0: {  	[dreg:$0x4] =	wrdreg $0x9  }
0xb1: {  	_ =	task.clear_ibuf [dreg:s7], $0x5FFFF;
	_ =	strace $0x90000049  }
0xb2: {  	s29 =	simm.s32 $0x9;
	_ =	strace $0x8000004B  }
0xb3: {  	_ =	swait.ge [sflag:s29], $0x1  }
0xb4: {  	[sflag:s29] =	ssyncadd.s32 $0xFFFFFFFF  }
0xb5: {  	_ =	strace $0x9000004B  }
0xb6: {  	_ =	sfence  }
0xb7: {  	s30 =	sld [smem:$0x0];
	_ =	sdelay $0x2  }
0xb8: {  	s31 =	sshll.u32 s1, $0xD;
	s1 =	sshrl.u32 s1, $0x2  }
0xb9: {  	s3 =	sand.u32 $0x4000, s31;
	s1 =	sadd.s32 s1, s30  }
0xba: {  	s0 =	sor.u32 s3, s0;
	s1 =	sshll.u32 s1, $0x11  }
0xbb: {  	s0 =	sor.u32 s1, s0  }
0xbc: {  	s0 =	sadd.s32 $0x8F2B, s0  }
0xbd: {  	[sflag:s0] =	ssyncadd.remote.s32 $0x1  }
0xbe: {  	_ =	sfence.sel $0xFFFF  }
0xbf: {  	[dreg:$0x0] =	wrdreg $0xFFFFFFFF;
	(pc) =	sbr.abs _section_cstart, $3  }
0xc0: {  	[dreg:$0x1] =	wrdreg $0xFFFFFFFF  }
0xc1: {  	_ =	task.clear_ibuf [dreg:s7], $0x2FFFF;
	_ =	strace $0x9FFFFFFF  }
0xc2: {  	(tm) =	ssettm $0x7FFFFFFF  }
0xc3: {  	_ =	shalt  }
tec
execute0_lowered:
.L_overlay_start_1:
0x0: {  	(tag) =	ssettag $0x1  }
0x1: {  	s0 =	rddreg [dreg:$0x0]  }
0x2: {  	s8 =	rddreg [dreg:$0x1];
	s2 =	simm.s32 $0x0;
	s1 =	srdreg.scid  }
0x3: {  	s5 =	stileid.u32;
	s13 =	simm.s32 $0x5;
	s15 =	simm.s32 $0x40  }
0x4: {  	s11 =	simm.s32 $0x200;
	s16 =	simm.s32 $0x280;
	s18 =	simm.s32 $0x2  }
0x5: {  	s19 =	simm.s32 $0x300;
	s20 =	simm.s32 $0x380;
	s21 =	simm.s32 $0x400  }
0x6: {  	s22 =	simm.s32 $0x480;
	[smem:$0x7FF] =	sst s2;
	s4 =	sadd.s32 $0x1021000, s0  }
0x7: {  	s1 =	sand.u32 $0x1, s1;
	s6 =	sshll.u32 s5, $0x10;
	s5 =	sadd.s32 $0x1001000, s0  }
0x8: {  	s9 =	sadd.s32 $0x1000, s0;
	s3 =	ssub.s32 $0x2, s1;
	s1 =	sshll.u32 s1, $0xF  }
0x9: {  	_ =	strace $0x8000004A;
	s12 =	smov.u32 s9;
	s1 =	sor.u32 s1, s6  }
0xa: {  	s7 =	sshrl.u32 s3, $0x1;
	s6 =	sand.u32 $0xC0000, s6;
	s30 =	sor.u32 $0x80, s1  }
0xb: {  	s26 =	sshrl.u32 s1, $0x3;
	s31 =	sor.u32 $0x40, s1;
	[dreg:$0x6] =	wrdreg s30  }
0xc: {  	s25 =	ssub.s32 s3, s7;
	s28 =	sadd.s32 s5, s26;
	[dreg:$0x8] =	wrdreg s31  }
0xd: {  	s29 =	sshll.u32 s1, $0x4;
	s3 =	sadd.s32 s8, s26;
	[dreg:$0x3] =	wrdreg s28  }
0xe: {  	s7 =	simm.s32 $0x100;
	s0 =	smax.u32 s25, $0x1;
	[dreg:$0x4] =	wrdreg s3  }
0xf: {  	v0 =	vmov s6;
	s6 =	simm.s32 $0x0;
	s3 =	sadd.s32 s9, s29;
	[dreg:$0x7] =	wrdreg s0  }
0x10: {  	v1 =	vimm.s32 $0x0;
	s8 =	simm.s32 $0x180;
	[dreg:$0x5] =	wrdreg s3;
	s3 =	simm.s32 $0x1  }
.LBB2_1:
0x11: {  	[dreg:$0x9] =	wrdreg s6  }
0x12: {  	s0 =	rddreg [dreg:$0x3]  }
0x13: {  	[tilespmem:s2], [sflag:$0x5] =	stream.linear.gather [hbm4b:s0+s2], $0x40, $0x38;
	[tilespmem:$0x14900] =	vst v63  }
0x14: {  	_ =	swait.ge [sflag:s13], $0x40  }
0x15: {  	[sflag:s13] =	ssyncset.done $0x0  }
0x16: {  	s1 =	simm.s32 $0x80;
	s17 =	rddreg [dreg:$0x4];
	[sflag:s13] =	ssyncadd.s32 $0xFFFFFFC0  }
0x17: {  	[tilespmem:s1], [sflag:$0x5] =	stream.linear.gather [hbm4b:s17+s2], $0x40, $0x38;
	[tilespmem:$0x14900] =	vst v63  }
0x18: {  	_ =	swait.ge [sflag:s13], $0x40  }
0x19: {  	[sflag:s13] =	ssyncset.done $0x0  }
0x1a: {  	[sflag:s13] =	ssyncadd.s32 $0xFFFFFFC0  }
0x1b: {  	v2 =	vld [tilespmem:$0x0]  }
0x1c: {  	v3 =	vld [tilespmem:$0x80]  }
0x1d: {  	v24 =	vld [tilespmem:$0x30]  }
0x1e: {  	v25 =	vld [tilespmem:$0xB0];
	_ =	sdelay $0x1  }
0x1f: {  	v13 =	vld [tilespmem:$0x90]  }
0x20: {  	v19 =	vld [tilespmem:$0x20]  }
0x21: {  	v20 =	vld [tilespmem:$0xA0];
	v2 =	vadd.f32 $1.000000000e+00, v2;
	v3 =	vadd.f32 $1.000000000e+00, v3  }
0x22: {  	v24 =	vadd.f32 $1.000000000e+00, v24;
	v25 =	vadd.f32 $1.000000000e+00, v25  }
0x23: {  	v2 =	vmul.f32 $2.555000000e+02, v2;
	v3 =	vmul.f32 $2.555000000e+02, v3  }
0x24: {  	v39 =	vadd.f32 $1.000000000e+00, v13;
	v24 =	vmul.f32 $2.555000000e+02, v24;
	v25 =	vmul.f32 $2.555000000e+02, v25  }
0x25: {  	v50 =	vadd.f32 $1.000000000e+00, v19;
	v4 =	vtrunc.f32 v2;
	v6 =	vtrunc.f32 v3  }
0x26: {  	v51 =	vadd.f32 $1.000000000e+00, v20;
	v62 =	vtrunc.f32 v24;
	v5 =	vcvt.f32.s32 v4  }
0x27: {  	vm0 =	vlt.f32 v2, v4;
	v34 =	vcvt.f32.s32 v6;
	vm1 =	vlt.f32 v3, v6  }
0x28: {  	v32 =	vtrunc.f32 v25;
	v35 =	vsel vm0, $0xFFFFFFFF, v1;
	v7 =	vsel vm1, $0xFFFFFFFF, v1  }
0x29: {  	v63 =	vcvt.f32.s32 v62;
	v5 =	vadd.s32 v5, v35;
	v4 =	vadd.s32 v34, v7  }
0x2a: {  	v6 =	vcvt.s32.f32 v5;
	v7 =	vcvt.s32.f32 v4;
	v8 =	vadd.s32 $0x1, v5  }
0x2b: {  	v10 =	vadd.s32 $0x1, v4;
	v11 =	vor.u32 v5, v4;
	vm6 =	vgt.s32 v5, $0x0  }
0x2c: {  	vm7 =	vgt.s32 v4, $0x0;
	vm14 =	vlt.u32 v11, $0x200;
	v36 =	vor.u32 v5, v10  }
0x2d: {  	v37 =	vor.u32 v4, v8;
	v38 =	vor.u32 v8, v10;
	v5 =	vnsel vm6, $0x0, v5  }
0x2e: {  	v4 =	vnsel vm7, $0x0, v4;
	vm10 =	vgt.s32 v8, $0x0;
	vm11 =	vgt.s32 v10, $0x0  }
0x2f: {  	v2 =	vsub.f32 v2, v6;
	v3 =	vsub.f32 v3, v7;
	vm15 =	vlt.u32 v36, $0x200  }
0x30: {  	vm4 =	vlt.u32 v37, $0x200;
	vm5 =	vlt.u32 v38, $0x200;
	v5 =	vmin.u32 v5, $0x1FF  }
0x31: {  	v9 =	vld [tilespmem:$0x10];
	v4 =	vmin.u32 v4, $0x1FF;
	v10 =	vnsel vm11, $0x0, v10;
	v8 =	vnsel vm10, $0x0, v8  }
0x32: {  	v10 =	vmin.u32 v10, $0x1FF;
	v6 =	vsub.f32 $1.000000000e+00, v2;
	v7 =	vsub.f32 $1.000000000e+00, v3  }
0x33: {  	v4 =	vshll.u32 v4, $0x9;
	v8 =	vmin.u32 v8, $0x1FF;
	v10 =	vshll.u32 v10, $0x9  }
0x34: {  	v4 =	vor.u32 v0, v4;
	v10 =	vor.u32 v0, v10;
	v12 =	vmul.f32 v7, v6  }
0x35: {  	v43 =	vor.u32 v5, v4;
	v6 =	vmul.f32 v3, v6;
	v7 =	vmul.f32 v7, v2  }
0x36: {  	v2 =	vmul.f32 v3, v2;
	v3 =	vadd.f32 $1.000000000e+00, v9;
	v9 =	vmul.f32 $2.555000000e+02, v39  }
0x37: {  	v4 =	vor.u32 v8, v4;
	v5 =	vor.u32 v5, v10;
	v8 =	vor.u32 v8, v10  }
0x38: {  	v12 =	vnsel vm14, $0x0, v12;
	v3 =	vmul.f32 $2.555000000e+02, v3;
	v42 =	vtrunc.f32 v9  }
0x39: {  	v6 =	vnsel vm15, $0x0, v6;
	v15 =	vcvt.f32.s32 v42;
	vm9 =	vlt.f32 v9, v42  }
0x3a: {  	v7 =	vnsel vm4, $0x0, v7;
	v40 =	vtrunc.f32 v3;
	v11 =	vsel vm9, $0xFFFFFFFF, v1  }
0x3b: {  	v41 =	vcvt.f32.s32 v40;
	vm8 =	vlt.f32 v3, v40;
	v11 =	vadd.s32 v15, v11  }
0x3c: {  	v2 =	vnsel vm5, $0x0, v2;
	v14 =	vsel vm8, $0xFFFFFFFF, v1;
	v15 =	vcvt.s32.f32 v11  }
0x3d: {  	v45 =	vadd.s32 $0x1, v11;
	vm5 =	vgt.s32 v11, $0x0;
	v13 =	vadd.s32 v41, v14  }
0x3e: {  	vm9 =	vgt.s32 v45, $0x0;
	v14 =	vcvt.s32.f32 v13;
	v9 =	vsub.f32 v9, v15  }
0x3f: {  	v17 =	vor.u32 v13, v11;
	v46 =	vor.u32 v13, v45;
	v21 =	vadd.s32 $0x1, v13  }
0x40: {  	vm4 =	vgt.s32 v13, $0x0;
	v10 =	vnsel vm9, $0x0, v45;
	vm12 =	vlt.u32 v17, $0x200  }
0x41: {  	vm13 =	vlt.u32 v46, $0x200;
	v47 =	vor.u32 v11, v21;
	v48 =	vor.u32 v21, v45  }
0x42: {  	v13 =	vnsel vm4, $0x0, v13;
	v11 =	vnsel vm5, $0x0, v11;
	v17 =	vmul.f32 $2.555000000e+02, v51  }
0x43: {  	vm6 =	vgt.s32 v21, $0x0;
	v10 =	vmin.u32 v10, $0x1FF;
	v3 =	vsub.f32 v3, v14  }
0x44: {  	v16 =	vsub.f32 $1.000000000e+00, v9;
	vm14 =	vlt.u32 v47, $0x200;
	vm15 =	vlt.u32 v48, $0x200  }
0x45: {  	v13 =	vmin.u32 v13, $0x1FF;
	v11 =	vmin.u32 v11, $0x1FF;
	v21 =	vnsel vm6, $0x0, v21  }
0x46: {  	v10 =	vshll.u32 v10, $0x9;
	v54 =	vtrunc.f32 v17;
	v11 =	vshll.u32 v11, $0x9  }
0x47: {  	v10 =	vor.u32 v0, v10;
	v21 =	vmin.u32 v21, $0x1FF;
	v44 =	vsub.f32 $1.000000000e+00, v3  }
0x48: {  	v23 =	vcvt.f32.s32 v54;
	vm8 =	vlt.f32 v17, v54;
	v11 =	vor.u32 v0, v11  }
0x49: {  	v19 =	vsel vm8, $0xFFFFFFFF, v1;
	v55 =	vor.u32 v13, v11;
	v13 =	vor.u32 v13, v10  }
0x4a: {  	v11 =	vor.u32 v21, v11;
	v10 =	vor.u32 v21, v10;
	v18 =	vmul.f32 v16, v44  }
0x4b: {  	v15 =	vmul.f32 v9, v44;
	v16 =	vmul.f32 v16, v3;
	v19 =	vadd.s32 v23, v19  }
0x4c: {  	v3 =	vmul.f32 v9, v3;
	v23 =	vcvt.s32.f32 v19;
	v58 =	vadd.s32 $0x1, v19  }
0x4d: {  	vm5 =	vgt.s32 v19, $0x0;
	v18 =	vnsel vm12, $0x0, v18;
	v15 =	vnsel vm13, $0x0, v15  }
0x4e: {  	v49 =	vnsel vm14, $0x0, v16;
	v3 =	vnsel vm15, $0x0, v3;
	v16 =	vmul.f32 $2.555000000e+02, v50  }
0x4f: {  	[tilespmem:$0x280] =	vst v2;
	vm12 =	vlt.f32 v24, v62;
	vm13 =	vlt.f32 v25, v32;
	v44 =	vnsel vm5, $0x0, v19  }
0x50: {  	vm6 =	vgt.s32 v58, $0x0;
	v17 =	vsub.f32 v17, v23;
	v2 =	vsel vm12, $0xFFFFFFFF, v1;
	[tilespmem:$0x190] =	vst v15  }
0x51: {  	v33 =	vsel vm13, $0xFFFFFFFF, v1;
	[tilespmem:$0x290] =	vst v3;
	v3 =	vnsel vm6, $0x0, v58;
	v15 =	vmin.u32 v44, $0x1FF  }
0x52: {  	v52 =	vtrunc.f32 v16;
	v2 =	vadd.s32 v63, v2;
	v15 =	vshll.u32 v15, $0x9  }
0x53: {  	v3 =	vmin.u32 v3, $0x1FF;
	v53 =	vcvt.f32.s32 v52;
	vm7 =	vlt.f32 v16, v52  }
0x54: {  	v26 =	vsub.f32 $1.000000000e+00, v17;
	v38 =	vcvt.s32.f32 v2;
	v15 =	vor.u32 v0, v15  }
0x55: {  	[tilespmem:$0x500] =	vst v43;
	v3 =	vshll.u32 v3, $0x9;
	v54 =	vadd.s32 $0x1, v2;
	v22 =	vsel vm7, $0xFFFFFFFF, v1  }
0x56: {  	[tilespmem:$0x600] =	vst v4;
	vm13 =	vgt.s32 v2, $0x0;
	v3 =	vor.u32 v0, v3;
	v20 =	vadd.s32 v53, v22  }
0x57: {  	[tilespmem:$0x580] =	vst v5;
	v41 =	vsub.f32 v24, v38;
	v22 =	vcvt.s32.f32 v20;
	v57 =	vadd.s32 $0x1, v20  }
0x58: {  	[tilespmem:$0x680] =	vst v8;
	v27 =	vor.u32 v20, v19;
	v60 =	vor.u32 v20, v58;
	vm4 =	vgt.s32 v20, $0x0  }
0x59: {  	[tilespmem:$0x100] =	vst v12;
	vm10 =	vlt.u32 v27, $0x200;
	vm11 =	vlt.u32 v60, $0x200;
	v16 =	vsub.f32 v16, v22  }
0x5a: {  	[tilespmem:$0x180] =	vst v6;
	v61 =	vor.u32 v19, v57;
	v37 =	vor.u32 v57, v58;
	v43 =	vnsel vm4, $0x0, v20  }
0x5b: {  	[tilespmem:$0x200] =	vst v7;
	vm7 =	vgt.s32 v57, $0x0;
	v46 =	vsub.f32 $1.000000000e+00, v41;
	v56 =	vsub.f32 $1.000000000e+00, v16  }
0x5c: {  	[tilespmem:$0x510] =	vst v55;
	vm14 =	vlt.u32 v61, $0x200;
	vm15 =	vlt.u32 v37, $0x200;
	v45 =	vnsel vm7, $0x0, v57  }
0x5d: {  	[tilespmem:$0x590] =	vst v13;
	v9 =	vmin.u32 v43, $0x1FF;
	v48 =	vmin.u32 v45, $0x1FF;
	v28 =	vmul.f32 v26, v56  }
0x5e: {  	[tilespmem:$0x210] =	vst v49;
	v49 =	vor.u32 v9, v15;
	v9 =	vor.u32 v9, v3;
	v35 =	vmul.f32 v26, v16  }
0x5f: {  	[tilespmem:$0x610] =	vst v11;
	v40 =	vmul.f32 v17, v16;
	v59 =	vnsel vm10, $0x0, v28;
	v28 =	vcvt.f32.s32 v32  }
0x60: {  	[tilespmem:$0x690] =	vst v10;
	v50 =	vor.u32 v48, v15;
	v3 =	vor.u32 v48, v3;
	v34 =	vmul.f32 v17, v56  }
0x61: {  	[tilespmem:$0x110] =	vst v18;
	v5 =	vnsel vm14, $0x0, v35;
	v4 =	vnsel vm15, $0x0, v40;
	v36 =	vadd.s32 v28, v33  }
0x62: {  	[tilespmem:$0x520] =	vst v49;
	vm15 =	vgt.s32 v54, $0x0;
	v6 =	vnsel vm11, $0x0, v34;
	v39 =	vcvt.s32.f32 v36  }
0x63: {  	[tilespmem:$0x5A0] =	vst v9;
	v51 =	vor.u32 v2, v36;
	v53 =	vadd.s32 $0x1, v36;
	v58 =	vor.u32 v36, v54  }
0x64: {  	[tilespmem:$0x620] =	vst v50;
	vm12 =	vgt.s32 v36, $0x0;
	vm8 =	vlt.u32 v51, $0x200;
	v56 =	vor.u32 v2, v53  }
0x65: {  	[tilespmem:$0x6A0] =	vst v3;
	v60 =	vor.u32 v54, v53;
	v3 =	vnsel vm12, $0x0, v36;
	vm14 =	vgt.s32 v53, $0x0  }
0x66: {  	[tilespmem:$0x220] =	vst v5;
	v2 =	vnsel vm13, $0x0, v2;
	v42 =	vsub.f32 v25, v39;
	v3 =	vmin.u32 v3, $0x1FF  }
0x67: {  	[tilespmem:$0x2A0] =	vst v4;
	vm9 =	vlt.u32 v56, $0x200;
	v2 =	vmin.u32 v2, $0x1FF;
	v3 =	vshll.u32 v3, $0x9  }
0x68: {  	[tilespmem:$0x120] =	vst v59;
	v47 =	vsub.f32 $1.000000000e+00, v42;
	v57 =	vmul.f32 v42, v46;
	v3 =	vor.u32 v0, v3  }
0x69: {  	[tilespmem:$0x1A0] =	vst v6;
	vm11 =	vlt.u32 v60, $0x200;
	v8 =	vmul.f32 v42, v41;
	v63 =	vor.u32 v2, v3  }
0x6a: {  	v6 =	vnsel vm14, $0x0, v53;
	v52 =	vmul.f32 v47, v46;
	v4 =	vnsel vm9, $0x0, v57;
	[tilespmem:$0x530] =	vst v63  }
0x6b: {  	v62 =	vmin.u32 v6, $0x1FF;
	v59 =	vmul.f32 v47, v41;
	v8 =	vnsel vm11, $0x0, v8;
	[tilespmem:$0x1B0] =	vst v4  }
0x6c: {  	vm10 =	vlt.u32 v58, $0x200;
	v4 =	vshll.u32 v62, $0x9;
	[tilespmem:$0x2B0] =	vst v8;
	v55 =	vnsel vm8, $0x0, v52  }
0x6d: {  	v5 =	vnsel vm15, $0x0, v54;
	v61 =	vnsel vm10, $0x0, v59;
	v4 =	vor.u32 v0, v4;
	[tilespmem:$0x130] =	vst v55  }
0x6e: {  	v5 =	vmin.u32 v5, $0x1FF;
	[tilespmem:$0x230] =	vst v61;
	v2 =	vor.u32 v2, v4  }
0x6f: {  	[tilespmem:$0x5B0] =	vst v2;
	v2 =	vor.u32 v5, v3  }
0x70: {  	[tilespmem:$0x630] =	vst v2;
	v2 =	vor.u32 v5, v4  }
0x71: {  	s23 =	simm.s32 $0x500;
	s24 =	simm.s32 $0x900;
	[tilespmem:$0x6B0] =	vst v2  }
0x72: {  	[tilespmem:s24], [sflag:$0x1] =	stream.indirect.gather [hbm4b:s4+s15], $0x80, s23, s15, $0xb8;
	[tilespmem:$0x14900] =	vst v63  }
0x73: {  	s25 =	simm.s32 $0x580;
	s26 =	simm.s32 $0x2900  }
0x74: {  	[tilespmem:s26], [sflag:$0x1] =	stream.indirect.gather [hbm4b:s4+s15], $0x80, s25, s15, $0xb8;
	[tilespmem:$0x14900] =	vst v63  }
0x75: {  	s28 =	simm.s32 $0x600;
	s29 =	simm.s32 $0x4900  }
0x76: {  	[tilespmem:s29], [sflag:$0x1] =	stream.indirect.gather [hbm4b:s4+s15], $0x80, s28, s15, $0xb8;
	[tilespmem:$0x14900] =	vst v63  }
0x77: {  	s30 =	simm.s32 $0x680;
	s31 =	simm.s32 $0x6900;
	s10 =	simm.s32 $0x0  }
0x78: {  	[tilespmem:s31], [sflag:$0x1] =	stream.indirect.gather [hbm4b:s4+s15], $0x80, s30, s15, $0xb8;
	[tilespmem:$0x14900] =	vst v63  }
.LBB2_2:
0x79: {  	s25 =	sshll.u32 s10, $0x7;
	s0 =	rddreg [dreg:$0x8]  }
0x7a: {  	s24 =	sor.u32 s0, s25  }
0x7b: {  	s0 =	sshrl.u32 s24, $0x3  }
0x7c: {  	s1 =	sadd.s32 s5, s0  }
0x7d: {  	[tilespmem:s2], [sflag:$0x5] =	stream.linear.gather [hbm4b:s1+s2], $0x40, $0x38;
	[tilespmem:$0x14900] =	vst v63  }
0x7e: {  	_ =	swait.ge [sflag:s13], $0x40  }
0x7f: {  	[sflag:s13] =	ssyncset.done $0x0  }
0x80: {  	[sflag:s13] =	ssyncadd.s32 $0xFFFFFFC0  }
0x81: {  	s14 =	rddreg [dreg:$0x1]  }
0x82: {  	s17 =	simm.s32 $0x80;
	s0 =	sadd.s32 s14, s0  }
0x83: {  	[tilespmem:s17], [sflag:$0x5] =	stream.linear.gather [hbm4b:s0+s2], $0x40, $0x38;
	[tilespmem:$0x14900] =	vst v63  }
0x84: {  	_ =	swait.ge [sflag:s13], $0x40  }
0x85: {  	[sflag:s13] =	ssyncset.done $0x0  }
0x86: {  	[sflag:s13] =	ssyncadd.s32 $0xFFFFFFC0  }
0x87: {  	v2 =	vld [tilespmem:$0x0]  }
0x88: {  	v3 =	vld [tilespmem:$0x80]  }
0x89: {  	v24 =	vld [tilespmem:$0x30]  }
0x8a: {  	v25 =	vld [tilespmem:$0xB0];
	_ =	sdelay $0x2  }
0x8b: {  	v19 =	vld [tilespmem:$0x20];
	v2 =	vadd.f32 $1.000000000e+00, v2  }
0x8c: {  	v3 =	vadd.f32 $1.000000000e+00, v3;
	v24 =	vadd.f32 $1.000000000e+00, v24  }
0x8d: {  	v25 =	vadd.f32 $1.000000000e+00, v25;
	v2 =	vmul.f32 $2.555000000e+02, v2  }
0x8e: {  	v3 =	vmul.f32 $2.555000000e+02, v3;
	v24 =	vmul.f32 $2.555000000e+02, v24  }
0x8f: {  	v20 =	vld [tilespmem:$0xA0];
	v25 =	vmul.f32 $2.555000000e+02, v25;
	v4 =	vtrunc.f32 v2  }
0x90: {  	v37 =	vadd.f32 $1.000000000e+00, v19;
	v6 =	vtrunc.f32 v3;
	v5 =	vcvt.f32.s32 v4  }
0x91: {  	vm0 =	vlt.f32 v2, v4;
	v4 =	vcvt.f32.s32 v6;
	vm1 =	vlt.f32 v3, v6  }
0x92: {  	v48 =	vtrunc.f32 v24;
	v6 =	vsel vm0, $0xFFFFFFFF, v1;
	v7 =	vsel vm1, $0xFFFFFFFF, v1  }
0x93: {  	v49 =	vtrunc.f32 v25;
	v5 =	vadd.s32 v5, v6;
	v4 =	vadd.s32 v4, v7  }
0x94: {  	v38 =	vadd.f32 $1.000000000e+00, v20;
	v6 =	vcvt.s32.f32 v5;
	v7 =	vcvt.s32.f32 v4  }
0x95: {  	v8 =	vadd.s32 $0x1, v5;
	v10 =	vadd.s32 $0x1, v4;
	v11 =	vor.u32 v5, v4  }
0x96: {  	vm6 =	vgt.s32 v5, $0x0;
	vm7 =	vgt.s32 v4, $0x0;
	vm14 =	vlt.u32 v11, $0x200  }
0x97: {  	v11 =	vor.u32 v5, v10;
	v5 =	vnsel vm6, $0x0, v5;
	vm10 =	vgt.s32 v8, $0x0  }
0x98: {  	vm11 =	vgt.s32 v10, $0x0;
	v2 =	vsub.f32 v2, v6;
	v3 =	vsub.f32 v3, v7  }
0x99: {  	vm15 =	vlt.u32 v11, $0x200;
	v11 =	vor.u32 v4, v8;
	v5 =	vmin.u32 v5, $0x1FF  }
0x9a: {  	v9 =	vld [tilespmem:$0x10];
	v4 =	vnsel vm7, $0x0, v4;
	vm4 =	vlt.u32 v11, $0x200;
	v11 =	vor.u32 v8, v10  }
0x9b: {  	v13 =	vld [tilespmem:$0x90];
	v4 =	vmin.u32 v4, $0x1FF;
	v10 =	vnsel vm11, $0x0, v10;
	v8 =	vnsel vm10, $0x0, v8  }
0x9c: {  	v6 =	vsub.f32 $1.000000000e+00, v2;
	v7 =	vsub.f32 $1.000000000e+00, v3;
	vm5 =	vlt.u32 v11, $0x200  }
0x9d: {  	v4 =	vshll.u32 v4, $0x9;
	v10 =	vmin.u32 v10, $0x1FF;
	v8 =	vmin.u32 v8, $0x1FF  }
0x9e: {  	v10 =	vshll.u32 v10, $0x9;
	v12 =	vmul.f32 v7, v6;
	v6 =	vmul.f32 v3, v6  }
0x9f: {  	v7 =	vmul.f32 v7, v2;
	v2 =	vmul.f32 v3, v2;
	v3 =	vadd.f32 $1.000000000e+00, v9  }
0xa0: {  	v4 =	vor.u32 v0, v4;
	v9 =	vadd.f32 $1.000000000e+00, v13;
	v10 =	vor.u32 v0, v10  }
0xa1: {  	v32 =	vor.u32 v5, v4;
	v4 =	vor.u32 v8, v4;
	v3 =	vmul.f32 $2.555000000e+02, v3  }
0xa2: {  	v5 =	vor.u32 v5, v10;
	v8 =	vor.u32 v8, v10;
	v9 =	vmul.f32 $2.555000000e+02, v9  }
0xa3: {  	v12 =	vnsel vm14, $0x0, v12;
	v6 =	vnsel vm15, $0x0, v6;
	v11 =	vtrunc.f32 v3  }
0xa4: {  	v31 =	vcvt.f32.s32 v11;
	vm8 =	vlt.f32 v3, v11;
	v11 =	vtrunc.f32 v9  }
0xa5: {  	v7 =	vnsel vm4, $0x0, v7;
	v15 =	vcvt.f32.s32 v11;
	vm9 =	vlt.f32 v9, v11  }
0xa6: {  	v2 =	vnsel vm5, $0x0, v2;
	v14 =	vsel vm8, $0xFFFFFFFF, v1;
	v11 =	vsel vm9, $0xFFFFFFFF, v1  }
0xa7: {  	[tilespmem:$0x400] =	vst v7;
	v7 =	vcvt.f32.s32 v48;
	v13 =	vadd.s32 v31, v14;
	v11 =	vadd.s32 v15, v11  }
0xa8: {  	v14 =	vcvt.s32.f32 v13;
	v21 =	vadd.s32 $0x1, v13;
	vm4 =	vgt.s32 v13, $0x0  }
0xa9: {  	v15 =	vcvt.s32.f32 v11;
	v10 =	vadd.s32 $0x1, v11;
	v17 =	vor.u32 v13, v11  }
0xaa: {  	v35 =	vor.u32 v11, v21;
	vm5 =	vgt.s32 v11, $0x0;
	vm6 =	vgt.s32 v21, $0x0  }
0xab: {  	v3 =	vsub.f32 v3, v14;
	vm12 =	vlt.u32 v17, $0x200;
	v34 =	vor.u32 v13, v10  }
0xac: {  	vm14 =	vlt.u32 v35, $0x200;
	v36 =	vor.u32 v21, v10;
	v13 =	vnsel vm4, $0x0, v13  }
0xad: {  	v11 =	vnsel vm5, $0x0, v11;
	v17 =	vmul.f32 $2.555000000e+02, v38;
	vm9 =	vgt.s32 v10, $0x0  }
0xae: {  	v21 =	vnsel vm6, $0x0, v21;
	v9 =	vsub.f32 v9, v15;
	vm13 =	vlt.u32 v34, $0x200  }
0xaf: {  	vm15 =	vlt.u32 v36, $0x200;
	v13 =	vmin.u32 v13, $0x1FF;
	v11 =	vmin.u32 v11, $0x1FF  }
0xb0: {  	v10 =	vnsel vm9, $0x0, v10;
	v21 =	vmin.u32 v21, $0x1FF;
	v33 =	vsub.f32 $1.000000000e+00, v3  }
0xb1: {  	v41 =	vtrunc.f32 v17;
	v11 =	vshll.u32 v11, $0x9;
	v10 =	vmin.u32 v10, $0x1FF  }
0xb2: {  	v16 =	vsub.f32 $1.000000000e+00, v9;
	v23 =	vcvt.f32.s32 v41;
	vm8 =	vlt.f32 v17, v41  }
0xb3: {  	v11 =	vor.u32 v0, v11;
	v10 =	vshll.u32 v10, $0x9;
	v15 =	vmul.f32 v9, v33  }
0xb4: {  	v19 =	vsel vm8, $0xFFFFFFFF, v1;
	v10 =	vor.u32 v0, v10;
	v42 =	vor.u32 v13, v11  }
0xb5: {  	v11 =	vor.u32 v21, v11;
	v18 =	vmul.f32 v16, v33;
	v16 =	vmul.f32 v16, v3  }
0xb6: {  	v3 =	vmul.f32 v9, v3;
	v19 =	vadd.s32 v23, v19;
	v13 =	vor.u32 v13, v10  }
0xb7: {  	v10 =	vor.u32 v21, v10;
	v15 =	vnsel vm13, $0x0, v15;
	v23 =	vcvt.s32.f32 v19  }
0xb8: {  	v45 =	vadd.s32 $0x1, v19;
	vm13 =	vlt.f32 v25, v49;
	vm5 =	vgt.s32 v19, $0x0  }
0xb9: {  	v18 =	vnsel vm12, $0x0, v18;
	v9 =	vnsel vm14, $0x0, v16;
	v3 =	vnsel vm15, $0x0, v3  }
0xba: {  	[tilespmem:$0x480] =	vst v2;
	v16 =	vmul.f32 $2.555000000e+02, v37;
	vm12 =	vlt.f32 v24, v48;
	v50 =	vsel vm13, $0xFFFFFFFF, v1  }
0xbb: {  	[tilespmem:$0x390] =	vst v15;
	v54 =	vnsel vm5, $0x0, v19;
	vm6 =	vgt.s32 v45, $0x0;
	v17 =	vsub.f32 v17, v23  }
0xbc: {  	v2 =	vsel vm12, $0xFFFFFFFF, v1;
	[tilespmem:$0x490] =	vst v3;
	v3 =	vnsel vm6, $0x0, v45;
	v15 =	vmin.u32 v54, $0x1FF  }
0xbd: {  	v39 =	vtrunc.f32 v16;
	v2 =	vadd.s32 v7, v2;
	v15 =	vshll.u32 v15, $0x9  }
0xbe: {  	v3 =	vmin.u32 v3, $0x1FF;
	v40 =	vcvt.f32.s32 v39;
	vm7 =	vlt.f32 v16, v39  }
0xbf: {  	v26 =	vsub.f32 $1.000000000e+00, v17;
	v51 =	vcvt.s32.f32 v2;
	v15 =	vor.u32 v0, v15  }
0xc0: {  	v3 =	vshll.u32 v3, $0x9;
	vm13 =	vgt.s32 v2, $0x0;
	v22 =	vsel vm7, $0xFFFFFFFF, v1  }
0xc1: {  	[tilespmem:$0x880] =	vst v8;
	v3 =	vor.u32 v0, v3;
	v20 =	vadd.s32 v40, v22;
	v8 =	vsub.f32 v24, v51  }
0xc2: {  	[tilespmem:$0x700] =	vst v32;
	v22 =	vcvt.s32.f32 v20;
	v44 =	vadd.s32 $0x1, v20;
	v27 =	vor.u32 v20, v19  }
0xc3: {  	[tilespmem:$0x800] =	vst v4;
	v47 =	vor.u32 v20, v45;
	vm4 =	vgt.s32 v20, $0x0;
	vm10 =	vlt.u32 v27, $0x200  }
0xc4: {  	[tilespmem:$0x380] =	vst v6;
	vm11 =	vlt.u32 v47, $0x200;
	v6 =	vor.u32 v19, v44;
	v16 =	vsub.f32 v16, v22  }
0xc5: {  	[tilespmem:$0x410] =	vst v9;
	v4 =	vor.u32 v44, v45;
	v9 =	vnsel vm4, $0x0, v20;
	vm7 =	vgt.s32 v44, $0x0  }
0xc6: {  	[tilespmem:$0x810] =	vst v11;
	v11 =	vsub.f32 $1.000000000e+00, v8;
	vm14 =	vlt.u32 v6, $0x200;
	v43 =	vsub.f32 $1.000000000e+00, v16  }
0xc7: {  	[tilespmem:$0x780] =	vst v5;
	vm15 =	vlt.u32 v4, $0x200;
	v9 =	vmin.u32 v9, $0x1FF;
	v55 =	vnsel vm7, $0x0, v44  }
0xc8: {  	[tilespmem:$0x890] =	vst v10;
	v10 =	vmin.u32 v55, $0x1FF;
	v57 =	vor.u32 v9, v15;
	v28 =	vmul.f32 v26, v43  }
0xc9: {  	[tilespmem:$0x300] =	vst v12;
	v9 =	vor.u32 v9, v3;
	v5 =	vmul.f32 v26, v16;
	v4 =	vmul.f32 v17, v16  }
0xca: {  	[tilespmem:$0x710] =	vst v42;
	v58 =	vor.u32 v10, v15;
	v46 =	vnsel vm10, $0x0, v28;
	v28 =	vcvt.f32.s32 v49  }
0xcb: {  	[tilespmem:$0x790] =	vst v13;
	v3 =	vor.u32 v10, v3;
	v6 =	vmul.f32 v17, v43;
	v5 =	vnsel vm14, $0x0, v5  }
0xcc: {  	v4 =	vnsel vm15, $0x0, v4;
	[tilespmem:$0x420] =	vst v5;
	v5 =	vadd.s32 $0x1, v2;
	v7 =	vadd.s32 v28, v50  }
0xcd: {  	[tilespmem:$0x310] =	vst v18;
	v6 =	vnsel vm11, $0x0, v6;
	vm15 =	vgt.s32 v5, $0x0;
	v52 =	vcvt.s32.f32 v7  }
0xce: {  	[tilespmem:$0x3A0] =	vst v6;
	v59 =	vor.u32 v2, v7;
	v6 =	vadd.s32 $0x1, v7;
	vm12 =	vgt.s32 v7, $0x0  }
0xcf: {  	[tilespmem:$0x720] =	vst v57;
	vm8 =	vlt.u32 v59, $0x200;
	v61 =	vor.u32 v2, v6;
	v63 =	vor.u32 v5, v6  }
0xd0: {  	[tilespmem:$0x8A0] =	vst v3;
	v3 =	vnsel vm12, $0x0, v7;
	vm14 =	vgt.s32 v6, $0x0;
	v53 =	vsub.f32 v25, v52  }
0xd1: {  	[tilespmem:$0x7A0] =	vst v9;
	v2 =	vnsel vm13, $0x0, v2;
	vm9 =	vlt.u32 v61, $0x200;
	v3 =	vmin.u32 v3, $0x1FF  }
0xd2: {  	[tilespmem:$0x4A0] =	vst v4;
	v3 =	vshll.u32 v3, $0x9;
	v56 =	vsub.f32 $1.000000000e+00, v53;
	v4 =	vmul.f32 v53, v11  }
0xd3: {  	[tilespmem:$0x820] =	vst v58;
	v6 =	vnsel vm14, $0x0, v6;
	v2 =	vmin.u32 v2, $0x1FF;
	v3 =	vor.u32 v0, v3  }
0xd4: {  	[tilespmem:$0x320] =	vst v46;
	v60 =	vmul.f32 v56, v11;
	v11 =	vor.u32 v7, v5;
	v4 =	vnsel vm9, $0x0, v4  }
0xd5: {  	v62 =	vmul.f32 v56, v8;
	[tilespmem:$0x3B0] =	vst v4;
	v4 =	vmin.u32 v6, $0x1FF;
	v6 =	vor.u32 v2, v3  }
0xd6: {  	v8 =	vmul.f32 v53, v8;
	vm10 =	vlt.u32 v11, $0x200;
	v10 =	vnsel vm8, $0x0, v60;
	[tilespmem:$0x730] =	vst v6  }
0xd7: {  	vm11 =	vlt.u32 v63, $0x200;
	v9 =	vnsel vm10, $0x0, v62;
	v4 =	vshll.u32 v4, $0x9;
	[tilespmem:$0x330] =	vst v10  }
0xd8: {  	v5 =	vnsel vm15, $0x0, v5;
	v8 =	vnsel vm11, $0x0, v8;
	[tilespmem:$0x430] =	vst v9;
	v4 =	vor.u32 v0, v4  }
0xd9: {  	v5 =	vmin.u32 v5, $0x1FF;
	[tilespmem:$0x4B0] =	vst v8;
	v2 =	vor.u32 v2, v4  }
0xda: {  	[tilespmem:$0x7B0] =	vst v2;
	v2 =	vor.u32 v5, v3  }
0xdb: {  	[tilespmem:$0x830] =	vst v2;
	v2 =	vor.u32 v5, v4  }
0xdc: {  	s23 =	simm.s32 $0x700;
	s26 =	simm.s32 $0x8900;
	[tilespmem:$0x8B0] =	vst v2  }
0xdd: {  	[tilespmem:s26], [sflag:$0x2] =	stream.indirect.gather [hbm4b:s4+s15], $0x80, s23, s15, $0xb8;
	[tilespmem:$0x14900] =	vst v63  }
0xde: {  	s6 =	simm.s32 $0xA900;
	s1 =	simm.s32 $0x780  }
0xdf: {  	[tilespmem:s6], [sflag:$0x2] =	stream.indirect.gather [hbm4b:s4+s15], $0x80, s1, s15, $0xb8;
	[tilespmem:$0x14900] =	vst v63  }
0xe0: {  	s9 =	simm.s32 $0x800;
	s14 =	simm.s32 $0xC900  }
0xe1: {  	[tilespmem:s14], [sflag:$0x2] =	stream.indirect.gather [hbm4b:s4+s15], $0x80, s9, s15, $0xb8;
	[tilespmem:$0x14900] =	vst v63  }
0xe2: {  	s17 =	simm.s32 $0x880;
	s23 =	simm.s32 $0xE900  }
0xe3: {  	[tilespmem:s23], [sflag:$0x2] =	stream.indirect.gather [hbm4b:s4+s15], $0x80, s17, s15, $0xb8;
	[tilespmem:$0x14900] =	vst v63  }
0xe4: {  	_ =	swait.ge [sflag:s3], $0x2000  }
0xe5: {  	[sflag:s3] =	ssyncset.done $0x0  }
0xe6: {  	[sflag:s3] =	ssyncadd.s32 $0xFFFFE000  }
0xe7: {  	_ =	swait.ge [sflag:s3], $0x2000  }
0xe8: {  	[sflag:s3] =	ssyncset.done $0x0  }
0xe9: {  	[sflag:s3] =	ssyncadd.s32 $0xFFFFE000  }
0xea: {  	_ =	swait.ge [sflag:s3], $0x2000  }
0xeb: {  	[sflag:s3] =	ssyncset.done $0x0  }
0xec: {  	[sflag:s3] =	ssyncadd.s32 $0xFFFFE000  }
0xed: {  	s26 =	simm.s32 $0x0;
	_ =	swait.ge [sflag:s3], $0x2000  }
0xee: {  	p0 =	seq.s32 s10, $0x0;
	v5 =	vmov s26;
	[sflag:s3] =	ssyncset.done $0x0  }
0xef: {  	s0 =	simm.s32 @!p0 $0x3;
	[sflag:s3] =	ssyncadd.s32 $0xFFFFE000  }
0xf0: {  	_ =	swait.ge @!p0 [sflag:s0], $0x2000  }
0xf1: {  	[sflag:s0] =	ssyncset.done @!p0 $0x0  }
0xf2: {  	[sflag:s0] =	ssyncadd.s32 @!p0 $0xFFFFE000  }
0xf3: {  	s28 =	simm.s32 $0x2930;
	v2 =	vld.idx.msk [tilespmem:v5+s8+$0x0], $0xffff  }
0xf4: {  	v6 =	vld [tilespmem:s28+$0xFFFFFFD0]  }
0xf5: {  	s26 =	simm.s32 $0x930;
	v3 =	vld.idx.msk [tilespmem:v5+s7+$0x0], $0xffff  }
0xf6: {  	v7 =	vld [tilespmem:s26+$0xFFFFFFD0]  }
0xf7: {  	s30 =	simm.s32 $0x4930;
	v4 =	vld.idx.msk [tilespmem:v5+s11+$0x0], $0xffff  }
0xf8: {  	v8 =	vld [tilespmem:s30+$0xFFFFFFD0]  }
0xf9: {  	s31 =	simm.s32 $0x6930;
	v5 =	vld.idx.msk [tilespmem:v5+s16+$0x0], $0xffff  }
0xfa: {  	v9 =	vld [tilespmem:s31+$0xFFFFFFD0]  }
0xfb: {  	v6 =	vmul.f32 v6, v2;
	v7 =	vmul.f32 v7, v3;
	_ =	sdelay $0x1  }
0xfc: {  	v6 =	vadd.f32 v6, v7;
	v7 =	vmul.f32 v8, v4;
	_ =	sdelay $0x1  }
0xfd: {  	v6 =	vadd.f32 v7, v6;
	v7 =	vmul.f32 v9, v5;
	_ =	sdelay $0x1  }
0xfe: {  	v6 =	vadd.f32 v7, v6  }
0xff: {  	s29 =	simm.s32 $0x10930  }
0x100: {  	[tilespmem:s29+$0xFFFFFFD0] =	vst v6  }
0x101: {  	v6 =	vld [tilespmem:s26+$0xFFFFFFE0]  }
0x102: {  	v7 =	vld [tilespmem:s28+$0xFFFFFFE0];
	_ =	sdelay $0x1  }
0x103: {  	v8 =	vld [tilespmem:s30+$0xFFFFFFE0];
	_ =	sdelay $0x1  }
0x104: {  	v9 =	vld [tilespmem:s31+$0xFFFFFFE0]  }
0x105: {  	v6 =	vmul.f32 v6, v3;
	v7 =	vmul.f32 v7, v2;
	_ =	sdelay $0x1  }
0x106: {  	v6 =	vadd.f32 v7, v6;
	v7 =	vmul.f32 v8, v4;
	_ =	sdelay $0x1  }
0x107: {  	v6 =	vadd.f32 v7, v6;
	v7 =	vmul.f32 v9, v5;
	_ =	sdelay $0x1  }
0x108: {  	v6 =	vadd.f32 v7, v6;
	_ =	sdelay $0x1  }
0x109: {  	[tilespmem:s29+$0xFFFFFFE0] =	vst v6  }
0x10a: {  	v6 =	vld [tilespmem:s26+$0xFFFFFFF0]  }
0x10b: {  	v7 =	vld [tilespmem:s28+$0xFFFFFFF0];
	_ =	sdelay $0x1  }
0x10c: {  	v8 =	vld [tilespmem:s30+$0xFFFFFFF0];
	_ =	sdelay $0x1  }
0x10d: {  	v9 =	vld [tilespmem:s31+$0xFFFFFFF0]  }
0x10e: {  	v6 =	vmul.f32 v6, v3;
	v7 =	vmul.f32 v7, v2;
	_ =	sdelay $0x1  }
0x10f: {  	v8 =	vmul.f32 v8, v4;
	v6 =	vadd.f32 v7, v6;
	_ =	sdelay $0x1  }
0x110: {  	v7 =	vmul.f32 v9, v5;
	v6 =	vadd.f32 v8, v6;
	_ =	sdelay $0x1  }
0x111: {  	v6 =	vadd.f32 v7, v6;
	_ =	sdelay $0x1  }
0x112: {  	[tilespmem:s29+$0xFFFFFFF0] =	vst v6  }
0x113: {  	v6 =	vld [tilespmem:s26+$0x0]  }
0x114: {  	v7 =	vld [tilespmem:s28+$0x0];
	_ =	sdelay $0x1  }
0x115: {  	v8 =	vld [tilespmem:s30+$0x0];
	_ =	sdelay $0x1  }
0x116: {  	v9 =	vld [tilespmem:s31+$0x0]  }
0x117: {  	v6 =	vmul.f32 v6, v3;
	v7 =	vmul.f32 v7, v2;
	_ =	sdelay $0x1  }
0x118: {  	v6 =	vadd.f32 v7, v6;
	v7 =	vmul.f32 v8, v4;
	_ =	sdelay $0x1  }
0x119: {  	v6 =	vadd.f32 v7, v6;
	v7 =	vmul.f32 v9, v5;
	_ =	sdelay $0x1  }
0x11a: {  	v6 =	vadd.f32 v7, v6;
	_ =	sdelay $0x1  }
0x11b: {  	[tilespmem:s29+$0x0] =	vst v6  }
0x11c: {  	v6 =	vld [tilespmem:s26+$0x10]  }
0x11d: {  	v7 =	vld [tilespmem:s28+$0x10]  }
0x11e: {  	v10 =	vld [tilespmem:s30+$0x10];
	_ =	sdelay $0x2  }
0x11f: {  	v8 =	vmul.f32 v6, v3;
	v6 =	vld [tilespmem:s31+$0x10]  }
0x120: {  	s6 =	simm.s32 $0x9B0;
	s1 =	simm.s32 $0x2930;
	s14 =	simm.s32 $0x109B0;
	v9 =	vmul.f32 v7, v2  }
0x121: {  	s17 =	simm.s32 $0x4930;
	s23 =	simm.s32 $0x6930;
	s0 =	simm.s32 $0x1;
	v7 =	vmul.f32 v10, v4  }
.LBB2_3:
0x122: {  	v8 =	vadd.f32 v9, v8;
	s28 =	sadd.s32 $0x80, s28;
	s30 =	sadd.s32 $0x80, s30;
	s31 =	sadd.s32 $0x80, s31  }
0x123: {  	p1 =	sne.s32 s0, $0x3F;
	s9 =	smov.u32 s0;
	s0 =	sadd.s32 $0x1, s0  }
0x124: {  	v6 =	vmul.f32 v6, v5;
	v7 =	vadd.f32 v7, v8  }
0x125: {  	v8 =	vmov s9  }
0x126: {  	v6 =	vadd.f32 v6, v7;
	_ =	sdelay $0x1  }
0x127: {  	[tilespmem:s29+$0x10] =	vst v6  }
0x128: {  	v6 =	vld [tilespmem:s1+$0x20];
	s1 =	smov.u32 s28  }
0x129: {  	v7 =	vld [tilespmem:s26+$0x20];
	s26 =	smov.u32 s6  }
0x12a: {  	v9 =	vld [tilespmem:s17+$0x20];
	s17 =	smov.u32 s30  }
0x12b: {  	v10 =	vld [tilespmem:s23+$0x20];
	s23 =	smov.u32 s31;
	_ =	sdelay $0x1  }
0x12c: {  	v2 =	vmul.f32 v6, v2  }
0x12d: {  	v3 =	vmul.f32 v7, v3  }
0x12e: {  	v4 =	vmul.f32 v9, v4  }
0x12f: {  	v2 =	vadd.f32 v2, v3  }
0x130: {  	v3 =	vmul.f32 v10, v5  }
0x131: {  	v2 =	vadd.f32 v4, v2;
	_ =	sdelay $0x1  }
0x132: {  	v2 =	vadd.f32 v3, v2;
	_ =	sdelay $0x1  }
0x133: {  	[tilespmem:s29+$0x20] =	vst v2;
	s29 =	smov.u32 s14  }
0x134: {  	v2 =	vld.idx.msk [tilespmem:v8+s8+$0x0], $0xffff  }
0x135: {  	v6 =	vld [tilespmem:s28+$0xFFFFFFD0]  }
0x136: {  	v3 =	vld.idx.msk [tilespmem:v8+s7+$0x0], $0xffff  }
0x137: {  	v7 =	vld [tilespmem:s6+$0xFFFFFFD0]  }
0x138: {  	v4 =	vld.idx.msk [tilespmem:v8+s11+$0x0], $0xffff  }
0x139: {  	v9 =	vld [tilespmem:s30+$0xFFFFFFD0]  }
0x13a: {  	v5 =	vld.idx.msk [tilespmem:v8+s16+$0x0], $0xffff  }
0x13b: {  	v6 =	vmul.f32 v6, v2;
	v8 =	vld [tilespmem:s31+$0xFFFFFFD0]  }
0x13c: {  	v7 =	vmul.f32 v7, v3;
	_ =	sdelay $0x1  }
0x13d: {  	v6 =	vadd.f32 v6, v7;
	v7 =	vmul.f32 v9, v4;
	_ =	sdelay $0x1  }
0x13e: {  	v6 =	vadd.f32 v7, v6;
	v7 =	vmul.f32 v8, v5;
	_ =	sdelay $0x1  }
0x13f: {  	v6 =	vadd.f32 v7, v6;
	_ =	sdelay $0x1  }
0x140: {  	[tilespmem:s14+$0xFFFFFFD0] =	vst v6  }
0x141: {  	v6 =	vld [tilespmem:s6+$0xFFFFFFE0]  }
0x142: {  	v7 =	vld [tilespmem:s28+$0xFFFFFFE0];
	_ =	sdelay $0x1  }
0x143: {  	v8 =	vld [tilespmem:s30+$0xFFFFFFE0];
	_ =	sdelay $0x1  }
0x144: {  	v6 =	vmul.f32 v6, v3;
	v9 =	vld [tilespmem:s31+$0xFFFFFFE0]  }
0x145: {  	v7 =	vmul.f32 v7, v2;
	_ =	sdelay $0x1  }
0x146: {  	v6 =	vadd.f32 v7, v6;
	v7 =	vmul.f32 v8, v4;
	_ =	sdelay $0x1  }
0x147: {  	v6 =	vadd.f32 v7, v6;
	v7 =	vmul.f32 v9, v5;
	_ =	sdelay $0x1  }
0x148: {  	v6 =	vadd.f32 v7, v6;
	_ =	sdelay $0x1  }
0x149: {  	[tilespmem:s14+$0xFFFFFFE0] =	vst v6  }
0x14a: {  	v6 =	vld [tilespmem:s6+$0xFFFFFFF0]  }
0x14b: {  	v7 =	vld [tilespmem:s28+$0xFFFFFFF0]  }
0x14c: {  	v8 =	vld [tilespmem:s30+$0xFFFFFFF0];
	_ =	sdelay $0x2  }
0x14d: {  	v6 =	vmul.f32 v6, v3;
	v9 =	vld [tilespmem:s31+$0xFFFFFFF0]  }
0x14e: {  	v7 =	vmul.f32 v7, v2  }
0x14f: {  	v8 =	vmul.f32 v8, v4  }
0x150: {  	v6 =	vadd.f32 v7, v6;
	_ =	sdelay $0x1  }
0x151: {  	v6 =	vadd.f32 v8, v6;
	v7 =	vmul.f32 v9, v5;
	_ =	sdelay $0x1  }
0x152: {  	v6 =	vadd.f32 v7, v6;
	_ =	sdelay $0x1  }
0x153: {  	[tilespmem:s14+$0xFFFFFFF0] =	vst v6  }
0x154: {  	v6 =	vld [tilespmem:s6+$0x0]  }
0x155: {  	v7 =	vld [tilespmem:s28+$0x0];
	_ =	sdelay $0x1  }
0x156: {  	v8 =	vld [tilespmem:s30+$0x0];
	_ =	sdelay $0x1  }
0x157: {  	v6 =	vmul.f32 v6, v3;
	v9 =	vld [tilespmem:s31+$0x0]  }
0x158: {  	v7 =	vmul.f32 v7, v2;
	_ =	sdelay $0x1  }
0x159: {  	v6 =	vadd.f32 v7, v6;
	v7 =	vmul.f32 v8, v4;
	_ =	sdelay $0x1  }
0x15a: {  	v6 =	vadd.f32 v7, v6;
	v7 =	vmul.f32 v9, v5;
	_ =	sdelay $0x1  }
0x15b: {  	v6 =	vadd.f32 v7, v6;
	_ =	sdelay $0x1  }
0x15c: {  	[tilespmem:s14+$0x0] =	vst v6  }
0x15d: {  	v7 =	vld [tilespmem:s6+$0x10]  }
0x15e: {  	v9 =	vld [tilespmem:s28+$0x10]  }
0x15f: {  	v10 =	vld [tilespmem:s30+$0x10]  }
.Ltmp0:
0x160: {  	v6 =	vld [tilespmem:s31+$0x10];
	(pc) =	sbr.rel @p1 .LBB2_3-.Ltmp0, $4  }
0x161: {  	_ = 	snop  }
0x162: {  	v8 =	vmul.f32 v7, v3  }
0x163: {  	v9 =	vmul.f32 v9, v2  }
0x164: {  	s14 =	sadd.s32 $0x80, s14;
	s6 =	sadd.s32 $0x80, s6;
	v7 =	vmul.f32 v10, v4  }
0x165: {  	v8 =	vadd.f32 v9, v8;
	_ =	sdelay $0x1  }
0x166: {  	v6 =	vmul.f32 v6, v5;
	v7 =	vadd.f32 v7, v8;
	_ =	sdelay $0x1  }
0x167: {  	v6 =	vadd.f32 v6, v7;
	_ =	sdelay $0x1  }
0x168: {  	[tilespmem:s29+$0x10] =	vst v6  }
0x169: {  	v6 =	vld [tilespmem:s1+$0x20]  }
0x16a: {  	v61 =	vld [tilespmem:s26+$0x20];
	_ =	sdelay $0x1  }
0x16b: {  	v62 =	vld [tilespmem:s17+$0x20];
	_ =	sdelay $0x1  }
0x16c: {  	v63 =	vld [tilespmem:s23+$0x20]  }
0x16d: {  	v2 =	vmul.f32 v6, v2;
	v3 =	vmul.f32 v61, v3;
	_ =	sdelay $0x1  }
0x16e: {  	v4 =	vmul.f32 v62, v4;
	v2 =	vadd.f32 v2, v3;
	_ =	sdelay $0x1  }
0x16f: {  	p1 =	seq.s32 s10, $0xFF;
	v3 =	vmul.f32 v63, v5;
	v2 =	vadd.f32 v4, v2  }
.Ltmp1:
0x170: {  	_ = 	snop;
	(pc) =	sbr.rel @p1 .LBB2_6-.Ltmp1, $4  }
0x171: {  	v2 =	vadd.f32 v3, v2  }
0x172: {  	s0 =	sshll.u32 s10, $0xB;
	s30 =	rddreg [dreg:$0x5]  }
0x173: {  	s31 =	simm.s32 $0x10900;
	s0 =	sadd.s32 s0, s30;
	[tilespmem:s29+$0x20] =	vst v2  }
0x174: {  	[hbm4b:s0+s2] =	stream.linear.scatter [tilespmem:s31], [sflag:$0x3], $0x2000, $0x38;
	[tilespmem:$0x14900] =	vst v63  }
0x175: {  	s0 =	rddreg [dreg:$0x6]  }
0x176: {  	s0 =	sadd.s32 s25, s0  }
0x177: {  	s1 =	sshrl.u32 s0, $0x3  }
0x178: {  	s6 =	sadd.s32 s5, s1  }
0x179: {  	[tilespmem:s2], [sflag:$0x5] =	stream.linear.gather [hbm4b:s6+s2], $0x40, $0x38;
	[tilespmem:$0x14900] =	vst v63  }
0x17a: {  	_ =	swait.ge [sflag:s13], $0x40  }
0x17b: {  	[sflag:s13] =	ssyncset.done $0x0  }
0x17c: {  	[sflag:s13] =	ssyncadd.s32 $0xFFFFFFC0  }
0x17d: {  	s9 =	rddreg [dreg:$0x1]  }
0x17e: {  	s14 =	simm.s32 $0x80;
	s1 =	sadd.s32 s9, s1  }
0x17f: {  	[tilespmem:s14], [sflag:$0x5] =	stream.linear.gather [hbm4b:s1+s2], $0x40, $0x38;
	[tilespmem:$0x14900] =	vst v63  }
0x180: {  	_ =	swait.ge [sflag:s13], $0x40  }
0x181: {  	[sflag:s13] =	ssyncset.done $0x0  }
0x182: {  	[sflag:s13] =	ssyncadd.s32 $0xFFFFFFC0  }
0x183: {  	v2 =	vld [tilespmem:$0x0]  }
0x184: {  	v3 =	vld [tilespmem:$0x80]  }
0x185: {  	v24 =	vld [tilespmem:$0x30]  }
0x186: {  	v25 =	vld [tilespmem:$0xB0];
	_ =	sdelay $0x1  }
0x187: {  	v13 =	vld [tilespmem:$0x90]  }
0x188: {  	v19 =	vld [tilespmem:$0x20]  }
0x189: {  	v20 =	vld [tilespmem:$0xA0];
	v2 =	vadd.f32 $1.000000000e+00, v2;
	v3 =	vadd.f32 $1.000000000e+00, v3  }
0x18a: {  	v24 =	vadd.f32 $1.000000000e+00, v24;
	v25 =	vadd.f32 $1.000000000e+00, v25  }
0x18b: {  	v2 =	vmul.f32 $2.555000000e+02, v2;
	v3 =	vmul.f32 $2.555000000e+02, v3  }
0x18c: {  	v39 =	vadd.f32 $1.000000000e+00, v13;
	v24 =	vmul.f32 $2.555000000e+02, v24;
	v25 =	vmul.f32 $2.555000000e+02, v25  }
0x18d: {  	v50 =	vadd.f32 $1.000000000e+00, v19;
	v4 =	vtrunc.f32 v2;
	v6 =	vtrunc.f32 v3  }
0x18e: {  	v51 =	vadd.f32 $1.000000000e+00, v20;
	v62 =	vtrunc.f32 v24;
	v5 =	vcvt.f32.s32 v4  }
0x18f: {  	vm0 =	vlt.f32 v2, v4;
	v34 =	vcvt.f32.s32 v6;
	vm1 =	vlt.f32 v3, v6  }
0x190: {  	v32 =	vtrunc.f32 v25;
	v35 =	vsel vm0, $0xFFFFFFFF, v1;
	v7 =	vsel vm1, $0xFFFFFFFF, v1  }
0x191: {  	v63 =	vcvt.f32.s32 v62;
	v5 =	vadd.s32 v5, v35;
	v4 =	vadd.s32 v34, v7  }
0x192: {  	v6 =	vcvt.s32.f32 v5;
	v7 =	vcvt.s32.f32 v4;
	v8 =	vadd.s32 $0x1, v5  }
0x193: {  	v10 =	vadd.s32 $0x1, v4;
	v11 =	vor.u32 v5, v4;
	vm6 =	vgt.s32 v5, $0x0  }
0x194: {  	vm7 =	vgt.s32 v4, $0x0;
	vm14 =	vlt.u32 v11, $0x200;
	v36 =	vor.u32 v5, v10  }
0x195: {  	v37 =	vor.u32 v4, v8;
	v38 =	vor.u32 v8, v10;
	v5 =	vnsel vm6, $0x0, v5  }
0x196: {  	v4 =	vnsel vm7, $0x0, v4;
	vm10 =	vgt.s32 v8, $0x0;
	vm11 =	vgt.s32 v10, $0x0  }
0x197: {  	v2 =	vsub.f32 v2, v6;
	v3 =	vsub.f32 v3, v7;
	vm15 =	vlt.u32 v36, $0x200  }
0x198: {  	vm4 =	vlt.u32 v37, $0x200;
	vm5 =	vlt.u32 v38, $0x200;
	v5 =	vmin.u32 v5, $0x1FF  }
0x199: {  	v9 =	vld [tilespmem:$0x10];
	v4 =	vmin.u32 v4, $0x1FF;
	v10 =	vnsel vm11, $0x0, v10;
	v8 =	vnsel vm10, $0x0, v8  }
0x19a: {  	v10 =	vmin.u32 v10, $0x1FF;
	v6 =	vsub.f32 $1.000000000e+00, v2;
	v7 =	vsub.f32 $1.000000000e+00, v3  }
0x19b: {  	s0 =	sand.u32 $0x1C0000, s0;
	v4 =	vshll.u32 v4, $0x9;
	v8 =	vmin.u32 v8, $0x1FF;
	v10 =	vshll.u32 v10, $0x9  }
0x19c: {  	v4 =	vor.u32 s0, v4;
	v10 =	vor.u32 s0, v10;
	v12 =	vmul.f32 v7, v6  }
0x19d: {  	v43 =	vor.u32 v5, v4;
	v6 =	vmul.f32 v3, v6;
	v7 =	vmul.f32 v7, v2  }
0x19e: {  	v2 =	vmul.f32 v3, v2;
	v3 =	vadd.f32 $1.000000000e+00, v9;
	v9 =	vmul.f32 $2.555000000e+02, v39  }
0x19f: {  	v4 =	vor.u32 v8, v4;
	v5 =	vor.u32 v5, v10;
	v8 =	vor.u32 v8, v10  }
0x1a0: {  	v12 =	vnsel vm14, $0x0, v12;
	v3 =	vmul.f32 $2.555000000e+02, v3;
	v42 =	vtrunc.f32 v9  }
0x1a1: {  	v6 =	vnsel vm15, $0x0, v6;
	v15 =	vcvt.f32.s32 v42;
	vm9 =	vlt.f32 v9, v42  }
0x1a2: {  	v7 =	vnsel vm4, $0x0, v7;
	v40 =	vtrunc.f32 v3;
	v11 =	vsel vm9, $0xFFFFFFFF, v1  }
0x1a3: {  	v41 =	vcvt.f32.s32 v40;
	vm8 =	vlt.f32 v3, v40;
	v11 =	vadd.s32 v15, v11  }
0x1a4: {  	v2 =	vnsel vm5, $0x0, v2;
	v14 =	vsel vm8, $0xFFFFFFFF, v1;
	v15 =	vcvt.s32.f32 v11  }
0x1a5: {  	v45 =	vadd.s32 $0x1, v11;
	vm5 =	vgt.s32 v11, $0x0;
	v13 =	vadd.s32 v41, v14  }
0x1a6: {  	vm9 =	vgt.s32 v45, $0x0;
	v14 =	vcvt.s32.f32 v13;
	v9 =	vsub.f32 v9, v15  }
0x1a7: {  	v17 =	vor.u32 v13, v11;
	v46 =	vor.u32 v13, v45;
	v21 =	vadd.s32 $0x1, v13  }
0x1a8: {  	vm4 =	vgt.s32 v13, $0x0;
	v10 =	vnsel vm9, $0x0, v45;
	vm12 =	vlt.u32 v17, $0x200  }
0x1a9: {  	vm13 =	vlt.u32 v46, $0x200;
	v47 =	vor.u32 v11, v21;
	v48 =	vor.u32 v21, v45  }
0x1aa: {  	v13 =	vnsel vm4, $0x0, v13;
	v11 =	vnsel vm5, $0x0, v11;
	v17 =	vmul.f32 $2.555000000e+02, v51  }
0x1ab: {  	vm6 =	vgt.s32 v21, $0x0;
	v10 =	vmin.u32 v10, $0x1FF;
	v3 =	vsub.f32 v3, v14  }
0x1ac: {  	v16 =	vsub.f32 $1.000000000e+00, v9;
	vm14 =	vlt.u32 v47, $0x200;
	vm15 =	vlt.u32 v48, $0x200  }
0x1ad: {  	v13 =	vmin.u32 v13, $0x1FF;
	v11 =	vmin.u32 v11, $0x1FF;
	v21 =	vnsel vm6, $0x0, v21  }
0x1ae: {  	v10 =	vshll.u32 v10, $0x9;
	v54 =	vtrunc.f32 v17;
	v11 =	vshll.u32 v11, $0x9  }
0x1af: {  	v10 =	vor.u32 s0, v10;
	v21 =	vmin.u32 v21, $0x1FF;
	v44 =	vsub.f32 $1.000000000e+00, v3  }
0x1b0: {  	v23 =	vcvt.f32.s32 v54;
	vm8 =	vlt.f32 v17, v54;
	v11 =	vor.u32 s0, v11  }
0x1b1: {  	v19 =	vsel vm8, $0xFFFFFFFF, v1;
	v55 =	vor.u32 v13, v11;
	v13 =	vor.u32 v13, v10  }
0x1b2: {  	v11 =	vor.u32 v21, v11;
	v10 =	vor.u32 v21, v10;
	v18 =	vmul.f32 v16, v44  }
0x1b3: {  	v15 =	vmul.f32 v9, v44;
	v16 =	vmul.f32 v16, v3;
	v19 =	vadd.s32 v23, v19  }
0x1b4: {  	v3 =	vmul.f32 v9, v3;
	v23 =	vcvt.s32.f32 v19;
	v58 =	vadd.s32 $0x1, v19  }
0x1b5: {  	vm5 =	vgt.s32 v19, $0x0;
	v18 =	vnsel vm12, $0x0, v18;
	v15 =	vnsel vm13, $0x0, v15  }
0x1b6: {  	v49 =	vnsel vm14, $0x0, v16;
	v3 =	vnsel vm15, $0x0, v3;
	v16 =	vmul.f32 $2.555000000e+02, v50  }
0x1b7: {  	[tilespmem:$0x280] =	vst v2;
	vm12 =	vlt.f32 v24, v62;
	vm13 =	vlt.f32 v25, v32;
	v44 =	vnsel vm5, $0x0, v19  }
0x1b8: {  	vm6 =	vgt.s32 v58, $0x0;
	v17 =	vsub.f32 v17, v23;
	v2 =	vsel vm12, $0xFFFFFFFF, v1;
	[tilespmem:$0x190] =	vst v15  }
0x1b9: {  	v33 =	vsel vm13, $0xFFFFFFFF, v1;
	[tilespmem:$0x290] =	vst v3;
	v3 =	vnsel vm6, $0x0, v58;
	v15 =	vmin.u32 v44, $0x1FF  }
0x1ba: {  	v52 =	vtrunc.f32 v16;
	v2 =	vadd.s32 v63, v2;
	v15 =	vshll.u32 v15, $0x9  }
0x1bb: {  	v3 =	vmin.u32 v3, $0x1FF;
	v53 =	vcvt.f32.s32 v52;
	vm7 =	vlt.f32 v16, v52  }
0x1bc: {  	v26 =	vsub.f32 $1.000000000e+00, v17;
	v38 =	vcvt.s32.f32 v2;
	v15 =	vor.u32 s0, v15  }
0x1bd: {  	[tilespmem:$0x500] =	vst v43;
	v3 =	vshll.u32 v3, $0x9;
	v54 =	vadd.s32 $0x1, v2;
	v22 =	vsel vm7, $0xFFFFFFFF, v1  }
0x1be: {  	[tilespmem:$0x600] =	vst v4;
	vm13 =	vgt.s32 v2, $0x0;
	v3 =	vor.u32 s0, v3;
	v20 =	vadd.s32 v53, v22  }
0x1bf: {  	[tilespmem:$0x580] =	vst v5;
	v41 =	vsub.f32 v24, v38;
	v22 =	vcvt.s32.f32 v20;
	v57 =	vadd.s32 $0x1, v20  }
0x1c0: {  	[tilespmem:$0x680] =	vst v8;
	v27 =	vor.u32 v20, v19;
	v60 =	vor.u32 v20, v58;
	vm4 =	vgt.s32 v20, $0x0  }
0x1c1: {  	[tilespmem:$0x100] =	vst v12;
	vm10 =	vlt.u32 v27, $0x200;
	vm11 =	vlt.u32 v60, $0x200;
	v16 =	vsub.f32 v16, v22  }
0x1c2: {  	[tilespmem:$0x180] =	vst v6;
	v61 =	vor.u32 v19, v57;
	v37 =	vor.u32 v57, v58;
	v43 =	vnsel vm4, $0x0, v20  }
0x1c3: {  	[tilespmem:$0x200] =	vst v7;
	vm7 =	vgt.s32 v57, $0x0;
	v46 =	vsub.f32 $1.000000000e+00, v41;
	v56 =	vsub.f32 $1.000000000e+00, v16  }
0x1c4: {  	[tilespmem:$0x510] =	vst v55;
	vm14 =	vlt.u32 v61, $0x200;
	vm15 =	vlt.u32 v37, $0x200;
	v45 =	vnsel vm7, $0x0, v57  }
0x1c5: {  	[tilespmem:$0x590] =	vst v13;
	v9 =	vmin.u32 v43, $0x1FF;
	v48 =	vmin.u32 v45, $0x1FF;
	v28 =	vmul.f32 v26, v56  }
0x1c6: {  	[tilespmem:$0x210] =	vst v49;
	v49 =	vor.u32 v9, v15;
	v9 =	vor.u32 v9, v3;
	v35 =	vmul.f32 v26, v16  }
0x1c7: {  	[tilespmem:$0x610] =	vst v11;
	v40 =	vmul.f32 v17, v16;
	v59 =	vnsel vm10, $0x0, v28;
	v28 =	vcvt.f32.s32 v32  }
0x1c8: {  	[tilespmem:$0x690] =	vst v10;
	v50 =	vor.u32 v48, v15;
	v3 =	vor.u32 v48, v3;
	v34 =	vmul.f32 v17, v56  }
0x1c9: {  	[tilespmem:$0x110] =	vst v18;
	v5 =	vnsel vm14, $0x0, v35;
	v4 =	vnsel vm15, $0x0, v40;
	v36 =	vadd.s32 v28, v33  }
0x1ca: {  	[tilespmem:$0x520] =	vst v49;
	vm15 =	vgt.s32 v54, $0x0;
	v6 =	vnsel vm11, $0x0, v34;
	v39 =	vcvt.s32.f32 v36  }
0x1cb: {  	[tilespmem:$0x5A0] =	vst v9;
	v51 =	vor.u32 v2, v36;
	v53 =	vadd.s32 $0x1, v36;
	v58 =	vor.u32 v36, v54  }
0x1cc: {  	[tilespmem:$0x620] =	vst v50;
	vm12 =	vgt.s32 v36, $0x0;
	vm8 =	vlt.u32 v51, $0x200;
	v56 =	vor.u32 v2, v53  }
0x1cd: {  	[tilespmem:$0x6A0] =	vst v3;
	v60 =	vor.u32 v54, v53;
	v3 =	vnsel vm12, $0x0, v36;
	vm14 =	vgt.s32 v53, $0x0  }
0x1ce: {  	[tilespmem:$0x220] =	vst v5;
	v2 =	vnsel vm13, $0x0, v2;
	v42 =	vsub.f32 v25, v39;
	v3 =	vmin.u32 v3, $0x1FF  }
0x1cf: {  	[tilespmem:$0x2A0] =	vst v4;
	vm9 =	vlt.u32 v56, $0x200;
	v2 =	vmin.u32 v2, $0x1FF;
	v3 =	vshll.u32 v3, $0x9  }
0x1d0: {  	[tilespmem:$0x120] =	vst v59;
	v47 =	vsub.f32 $1.000000000e+00, v42;
	v57 =	vmul.f32 v42, v46;
	v3 =	vor.u32 s0, v3  }
0x1d1: {  	[tilespmem:$0x1A0] =	vst v6;
	vm11 =	vlt.u32 v60, $0x200;
	v8 =	vmul.f32 v42, v41;
	v63 =	vor.u32 v2, v3  }
0x1d2: {  	v6 =	vnsel vm14, $0x0, v53;
	v52 =	vmul.f32 v47, v46;
	v4 =	vnsel vm9, $0x0, v57;
	[tilespmem:$0x530] =	vst v63  }
0x1d3: {  	v62 =	vmin.u32 v6, $0x1FF;
	v59 =	vmul.f32 v47, v41;
	v8 =	vnsel vm11, $0x0, v8;
	[tilespmem:$0x1B0] =	vst v4  }
0x1d4: {  	vm10 =	vlt.u32 v58, $0x200;
	v4 =	vshll.u32 v62, $0x9;
	[tilespmem:$0x2B0] =	vst v8;
	v55 =	vnsel vm8, $0x0, v52  }
0x1d5: {  	v5 =	vnsel vm15, $0x0, v54;
	v61 =	vnsel vm10, $0x0, v59;
	v4 =	vor.u32 s0, v4;
	[tilespmem:$0x130] =	vst v55  }
0x1d6: {  	v5 =	vmin.u32 v5, $0x1FF;
	[tilespmem:$0x230] =	vst v61;
	v2 =	vor.u32 v2, v4  }
0x1d7: {  	[tilespmem:$0x5B0] =	vst v2;
	v2 =	vor.u32 v5, v3  }
0x1d8: {  	[tilespmem:$0x630] =	vst v2;
	v2 =	vor.u32 v5, v4  }
0x1d9: {  	s17 =	simm.s32 $0x500;
	s23 =	simm.s32 $0x900;
	[tilespmem:$0x6B0] =	vst v2  }
0x1da: {  	[tilespmem:s23], [sflag:$0x1] =	stream.indirect.gather [hbm4b:s4+s15], $0x80, s17, s15, $0xb8;
	[tilespmem:$0x14900] =	vst v63  }
0x1db: {  	s26 =	simm.s32 $0x2900;
	s25 =	simm.s32 $0x580  }
0x1dc: {  	[tilespmem:s26], [sflag:$0x1] =	stream.indirect.gather [hbm4b:s4+s15], $0x80, s25, s15, $0xb8;
	[tilespmem:$0x14900] =	vst v63  }
0x1dd: {  	s28 =	simm.s32 $0x600;
	s29 =	simm.s32 $0x4900  }
0x1de: {  	[tilespmem:s29], [sflag:$0x1] =	stream.indirect.gather [hbm4b:s4+s15], $0x80, s28, s15, $0xb8;
	[tilespmem:$0x14900] =	vst v63  }
0x1df: {  	s30 =	simm.s32 $0x680;
	s31 =	simm.s32 $0x6900  }
0x1e0: {  	[tilespmem:s31], [sflag:$0x1] =	stream.indirect.gather [hbm4b:s4+s15], $0x80, s30, s15, $0xb8;
	[tilespmem:$0x14900] =	vst v63  }
.LBB2_6:
0x1e1: {  	_ =	swait.ge [sflag:s18], $0x2000  }
0x1e2: {  	[sflag:s18] =	ssyncset.done $0x0  }
0x1e3: {  	[sflag:s18] =	ssyncadd.s32 $0xFFFFE000  }
0x1e4: {  	_ =	swait.ge [sflag:s18], $0x2000  }
0x1e5: {  	[sflag:s18] =	ssyncset.done $0x0  }
0x1e6: {  	[sflag:s18] =	ssyncadd.s32 $0xFFFFE000  }
0x1e7: {  	_ =	swait.ge [sflag:s18], $0x2000  }
0x1e8: {  	[sflag:s18] =	ssyncset.done $0x0  }
0x1e9: {  	[sflag:s18] =	ssyncadd.s32 $0xFFFFE000  }
0x1ea: {  	s0 =	simm.s32 $0x0;
	_ =	swait.ge [sflag:s18], $0x2000  }
0x1eb: {  	v5 =	vmov s0;
	[sflag:s18] =	ssyncset.done $0x0  }
0x1ec: {  	s0 =	simm.s32 @!p0 $0x4;
	[sflag:s18] =	ssyncadd.s32 $0xFFFFE000  }
0x1ed: {  	_ =	swait.ge @!p0 [sflag:s0], $0x2000  }
0x1ee: {  	[sflag:s0] =	ssyncset.done @!p0 $0x0  }
0x1ef: {  	[sflag:s0] =	ssyncadd.s32 @!p0 $0xFFFFE000  }
0x1f0: {  	s26 =	simm.s32 $0xA930;
	v2 =	vld.idx.msk [tilespmem:v5+s20+$0x0], $0xffff  }
0x1f1: {  	v6 =	vld [tilespmem:s26+$0xFFFFFFD0]  }
0x1f2: {  	s25 =	simm.s32 $0x8930;
	v3 =	vld.idx.msk [tilespmem:v5+s19+$0x0], $0xffff  }
0x1f3: {  	v7 =	vld [tilespmem:s25+$0xFFFFFFD0]  }
0x1f4: {  	s29 =	simm.s32 $0xC930;
	v4 =	vld.idx.msk [tilespmem:v5+s21+$0x0], $0xffff  }
0x1f5: {  	v8 =	vld [tilespmem:s29+$0xFFFFFFD0]  }
0x1f6: {  	s30 =	simm.s32 $0xE930;
	v5 =	vld.idx.msk [tilespmem:v5+s22+$0x0], $0xffff  }
0x1f7: {  	v9 =	vld [tilespmem:s30+$0xFFFFFFD0]  }
0x1f8: {  	v6 =	vmul.f32 v6, v2;
	v7 =	vmul.f32 v7, v3;
	_ =	sdelay $0x1  }
0x1f9: {  	v6 =	vadd.f32 v6, v7;
	v7 =	vmul.f32 v8, v4;
	_ =	sdelay $0x1  }
0x1fa: {  	v6 =	vadd.f32 v7, v6;
	v7 =	vmul.f32 v9, v5;
	_ =	sdelay $0x1  }
0x1fb: {  	v6 =	vadd.f32 v7, v6  }
0x1fc: {  	s28 =	simm.s32 $0x12930  }
0x1fd: {  	[tilespmem:s28+$0xFFFFFFD0] =	vst v6  }
0x1fe: {  	v6 =	vld [tilespmem:s25+$0xFFFFFFE0]  }
0x1ff: {  	v7 =	vld [tilespmem:s26+$0xFFFFFFE0];
	_ =	sdelay $0x1  }
0x200: {  	v8 =	vld [tilespmem:s29+$0xFFFFFFE0];
	_ =	sdelay $0x1  }
0x201: {  	v9 =	vld [tilespmem:s30+$0xFFFFFFE0]  }
0x202: {  	v6 =	vmul.f32 v6, v3;
	v7 =	vmul.f32 v7, v2;
	_ =	sdelay $0x1  }
0x203: {  	v6 =	vadd.f32 v7, v6;
	v7 =	vmul.f32 v8, v4;
	_ =	sdelay $0x1  }
0x204: {  	v6 =	vadd.f32 v7, v6;
	v7 =	vmul.f32 v9, v5;
	_ =	sdelay $0x1  }
0x205: {  	v6 =	vadd.f32 v7, v6;
	_ =	sdelay $0x1  }
0x206: {  	[tilespmem:s28+$0xFFFFFFE0] =	vst v6  }
0x207: {  	v6 =	vld [tilespmem:s25+$0xFFFFFFF0]  }
0x208: {  	v7 =	vld [tilespmem:s26+$0xFFFFFFF0];
	_ =	sdelay $0x1  }
0x209: {  	v8 =	vld [tilespmem:s29+$0xFFFFFFF0];
	_ =	sdelay $0x1  }
0x20a: {  	v9 =	vld [tilespmem:s30+$0xFFFFFFF0]  }
0x20b: {  	v6 =	vmul.f32 v6, v3;
	v7 =	vmul.f32 v7, v2;
	_ =	sdelay $0x1  }
0x20c: {  	v8 =	vmul.f32 v8, v4;
	v6 =	vadd.f32 v7, v6;
	_ =	sdelay $0x1  }
0x20d: {  	v7 =	vmul.f32 v9, v5;
	v6 =	vadd.f32 v8, v6;
	_ =	sdelay $0x1  }
0x20e: {  	v6 =	vadd.f32 v7, v6;
	_ =	sdelay $0x1  }
0x20f: {  	[tilespmem:s28+$0xFFFFFFF0] =	vst v6  }
0x210: {  	v6 =	vld [tilespmem:s25+$0x0]  }
0x211: {  	v7 =	vld [tilespmem:s26+$0x0];
	_ =	sdelay $0x1  }
0x212: {  	v8 =	vld [tilespmem:s29+$0x0];
	_ =	sdelay $0x1  }
0x213: {  	v9 =	vld [tilespmem:s30+$0x0]  }
0x214: {  	v6 =	vmul.f32 v6, v3;
	v7 =	vmul.f32 v7, v2;
	_ =	sdelay $0x1  }
0x215: {  	v6 =	vadd.f32 v7, v6;
	v7 =	vmul.f32 v8, v4;
	_ =	sdelay $0x1  }
0x216: {  	v6 =	vadd.f32 v7, v6;
	v7 =	vmul.f32 v9, v5;
	_ =	sdelay $0x1  }
0x217: {  	v6 =	vadd.f32 v7, v6;
	_ =	sdelay $0x1  }
0x218: {  	[tilespmem:s28+$0x0] =	vst v6  }
0x219: {  	v6 =	vld [tilespmem:s25+$0x10]  }
0x21a: {  	v7 =	vld [tilespmem:s26+$0x10]  }
0x21b: {  	v10 =	vld [tilespmem:s29+$0x10];
	_ =	sdelay $0x2  }
0x21c: {  	v8 =	vmul.f32 v6, v3;
	v6 =	vld [tilespmem:s30+$0x10]  }
0x21d: {  	s14 =	simm.s32 $0x129B0;
	s6 =	simm.s32 $0x89B0;
	s1 =	simm.s32 $0xA930;
	v9 =	vmul.f32 v7, v2  }
0x21e: {  	s17 =	simm.s32 $0xC930;
	s23 =	simm.s32 $0xE930;
	s0 =	simm.s32 $0x1;
	v7 =	vmul.f32 v10, v4  }
.LBB2_7:
0x21f: {  	v8 =	vadd.f32 v9, v8;
	s26 =	sadd.s32 $0x80, s26;
	s29 =	sadd.s32 $0x80, s29;
	s30 =	sadd.s32 $0x80, s30  }
0x220: {  	p0 =	sne.s32 s0, $0x3F;
	s9 =	smov.u32 s0;
	s0 =	sadd.s32 $0x1, s0  }
0x221: {  	v6 =	vmul.f32 v6, v5;
	v7 =	vadd.f32 v7, v8  }
0x222: {  	v8 =	vmov s9  }
0x223: {  	v6 =	vadd.f32 v6, v7;
	_ =	sdelay $0x1  }
0x224: {  	[tilespmem:s28+$0x10] =	vst v6  }
0x225: {  	v6 =	vld [tilespmem:s1+$0x20];
	s1 =	smov.u32 s26  }
0x226: {  	v7 =	vld [tilespmem:s25+$0x20];
	s25 =	smov.u32 s6  }
0x227: {  	v9 =	vld [tilespmem:s17+$0x20];
	s17 =	smov.u32 s29  }
0x228: {  	v10 =	vld [tilespmem:s23+$0x20];
	s23 =	smov.u32 s30;
	_ =	sdelay $0x1  }
0x229: {  	v2 =	vmul.f32 v6, v2  }
0x22a: {  	v3 =	vmul.f32 v7, v3  }
0x22b: {  	v4 =	vmul.f32 v9, v4  }
0x22c: {  	v2 =	vadd.f32 v2, v3  }
0x22d: {  	v3 =	vmul.f32 v10, v5  }
0x22e: {  	v2 =	vadd.f32 v4, v2;
	_ =	sdelay $0x1  }
0x22f: {  	v2 =	vadd.f32 v3, v2;
	_ =	sdelay $0x1  }
0x230: {  	[tilespmem:s28+$0x20] =	vst v2;
	s28 =	smov.u32 s14  }
0x231: {  	v2 =	vld.idx.msk [tilespmem:v8+s20+$0x0], $0xffff  }
0x232: {  	v6 =	vld [tilespmem:s26+$0xFFFFFFD0]  }
0x233: {  	v3 =	vld.idx.msk [tilespmem:v8+s19+$0x0], $0xffff  }
0x234: {  	v7 =	vld [tilespmem:s6+$0xFFFFFFD0]  }
0x235: {  	v4 =	vld.idx.msk [tilespmem:v8+s21+$0x0], $0xffff  }
0x236: {  	v9 =	vld [tilespmem:s29+$0xFFFFFFD0]  }
0x237: {  	v5 =	vld.idx.msk [tilespmem:v8+s22+$0x0], $0xffff  }
0x238: {  	v6 =	vmul.f32 v6, v2;
	v8 =	vld [tilespmem:s30+$0xFFFFFFD0]  }
0x239: {  	v7 =	vmul.f32 v7, v3;
	_ =	sdelay $0x1  }
0x23a: {  	v6 =	vadd.f32 v6, v7;
	v7 =	vmul.f32 v9, v4;
	_ =	sdelay $0x1  }
0x23b: {  	v6 =	vadd.f32 v7, v6;
	v7 =	vmul.f32 v8, v5;
	_ =	sdelay $0x1  }
0x23c: {  	v6 =	vadd.f32 v7, v6;
	_ =	sdelay $0x1  }
0x23d: {  	[tilespmem:s14+$0xFFFFFFD0] =	vst v6  }
0x23e: {  	v6 =	vld [tilespmem:s6+$0xFFFFFFE0]  }
0x23f: {  	v7 =	vld [tilespmem:s26+$0xFFFFFFE0];
	_ =	sdelay $0x1  }
0x240: {  	v8 =	vld [tilespmem:s29+$0xFFFFFFE0];
	_ =	sdelay $0x1  }
0x241: {  	v6 =	vmul.f32 v6, v3;
	v9 =	vld [tilespmem:s30+$0xFFFFFFE0]  }
0x242: {  	v7 =	vmul.f32 v7, v2;
	_ =	sdelay $0x1  }
0x243: {  	v6 =	vadd.f32 v7, v6;
	v7 =	vmul.f32 v8, v4;
	_ =	sdelay $0x1  }
0x244: {  	v6 =	vadd.f32 v7, v6;
	v7 =	vmul.f32 v9, v5;
	_ =	sdelay $0x1  }
0x245: {  	v6 =	vadd.f32 v7, v6;
	_ =	sdelay $0x1  }
0x246: {  	[tilespmem:s14+$0xFFFFFFE0] =	vst v6  }
0x247: {  	v6 =	vld [tilespmem:s6+$0xFFFFFFF0]  }
0x248: {  	v7 =	vld [tilespmem:s26+$0xFFFFFFF0]  }
0x249: {  	v8 =	vld [tilespmem:s29+$0xFFFFFFF0];
	_ =	sdelay $0x2  }
0x24a: {  	v6 =	vmul.f32 v6, v3;
	v9 =	vld [tilespmem:s30+$0xFFFFFFF0]  }
0x24b: {  	v7 =	vmul.f32 v7, v2  }
0x24c: {  	v8 =	vmul.f32 v8, v4  }
0x24d: {  	v6 =	vadd.f32 v7, v6;
	_ =	sdelay $0x1  }
0x24e: {  	v6 =	vadd.f32 v8, v6;
	v7 =	vmul.f32 v9, v5;
	_ =	sdelay $0x1  }
0x24f: {  	v6 =	vadd.f32 v7, v6;
	_ =	sdelay $0x1  }
0x250: {  	[tilespmem:s14+$0xFFFFFFF0] =	vst v6  }
0x251: {  	v6 =	vld [tilespmem:s6+$0x0]  }
0x252: {  	v7 =	vld [tilespmem:s26+$0x0];
	_ =	sdelay $0x1  }
0x253: {  	v8 =	vld [tilespmem:s29+$0x0];
	_ =	sdelay $0x1  }
0x254: {  	v6 =	vmul.f32 v6, v3;
	v9 =	vld [tilespmem:s30+$0x0]  }
0x255: {  	v7 =	vmul.f32 v7, v2;
	_ =	sdelay $0x1  }
0x256: {  	v6 =	vadd.f32 v7, v6;
	v7 =	vmul.f32 v8, v4;
	_ =	sdelay $0x1  }
0x257: {  	v6 =	vadd.f32 v7, v6;
	v7 =	vmul.f32 v9, v5;
	_ =	sdelay $0x1  }
0x258: {  	v6 =	vadd.f32 v7, v6;
	_ =	sdelay $0x1  }
0x259: {  	[tilespmem:s14+$0x0] =	vst v6  }
0x25a: {  	v7 =	vld [tilespmem:s6+$0x10]  }
0x25b: {  	v9 =	vld [tilespmem:s26+$0x10]  }
0x25c: {  	v10 =	vld [tilespmem:s29+$0x10]  }
.Ltmp2:
0x25d: {  	v6 =	vld [tilespmem:s30+$0x10];
	(pc) =	sbr.rel @p0 .LBB2_7-.Ltmp2, $4  }
0x25e: {  	_ = 	snop  }
0x25f: {  	v8 =	vmul.f32 v7, v3  }
0x260: {  	v9 =	vmul.f32 v9, v2  }
0x261: {  	s14 =	sadd.s32 $0x80, s14;
	s6 =	sadd.s32 $0x80, s6;
	v7 =	vmul.f32 v10, v4  }
0x262: {  	v8 =	vadd.f32 v9, v8;
	_ =	sdelay $0x1  }
0x263: {  	v6 =	vmul.f32 v6, v5;
	v7 =	vadd.f32 v7, v8;
	_ =	sdelay $0x1  }
0x264: {  	v6 =	vadd.f32 v6, v7;
	_ =	sdelay $0x1  }
0x265: {  	[tilespmem:s28+$0x10] =	vst v6  }
0x266: {  	v6 =	vld [tilespmem:s1+$0x20]  }
0x267: {  	v61 =	vld [tilespmem:s25+$0x20];
	_ =	sdelay $0x1  }
0x268: {  	v62 =	vld [tilespmem:s17+$0x20];
	_ =	sdelay $0x1  }
0x269: {  	v63 =	vld [tilespmem:s23+$0x20]  }
0x26a: {  	v2 =	vmul.f32 v6, v2;
	v3 =	vmul.f32 v61, v3;
	_ =	sdelay $0x1  }
0x26b: {  	v4 =	vmul.f32 v62, v4;
	v2 =	vadd.f32 v2, v3  }
0x26c: {  	s10 =	sadd.s32 $0x1, s10  }
0x26d: {  	p0 =	sne.s32 s10, $0x100;
	v3 =	vmul.f32 v63, v5;
	v2 =	vadd.f32 v4, v2  }
.Ltmp3:
0x26e: {  	_ = 	snop;
	(pc) =	sbr.rel @p0 .LBB2_2-.Ltmp3, $4  }
0x26f: {  	v2 =	vadd.f32 v3, v2  }
0x270: {  	s0 =	sshll.u32 s24, $0x4  }
0x271: {  	s31 =	simm.s32 $0x12900;
	s0 =	sadd.s32 s12, s0;
	[tilespmem:s28+$0x20] =	vst v2  }
0x272: {  	[hbm4b:s0+s2] =	stream.linear.scatter [tilespmem:s31], [sflag:$0x4], $0x2000, $0x38;
	[tilespmem:$0x14900] =	vst v63  }
0x273: {  	s0 =	simm.s32 $0x3  }
0x274: {  	_ =	swait.ge [sflag:s0], $0x2000  }
0x275: {  	[sflag:s0] =	ssyncset.done $0x0  }
0x276: {  	s1 =	simm.s32 $0x4;
	[sflag:s0] =	ssyncadd.s32 $0xFFFFE000  }
0x277: {  	_ =	swait.ge [sflag:s1], $0x2000  }
0x278: {  	s6 =	rddreg [dreg:$0x9]  }
0x279: {  	s31 =	rddreg [dreg:$0x7];
	s6 =	sadd.s32 $0x1, s6  }
0x27a: {  	p0 =	sne.s32 s6, s31  }
.Ltmp4:
0x27b: {  	_ = 	snop;
	(pc) =	sbr.rel @p0 .LBB2_1-.Ltmp4, $3  }
0x27c: {  	_ =	sdelay $0x1  }
0x27d: {  	[sflag:s1] =	ssyncset.done $0x0  }
0x27e: {  	[sflag:s1] =	ssyncadd.s32 $0xFFFFE000  }
0x27f: {  	_ =	sfence.sel $0x180000  }
0x280: {  	[bflag:$0x0] =	sbarrier.arrive $0xFFFF  }
0x281: {  	_ =	strace $0x9000004A  }
0x282: {  	s0 =	stileid.u32;
	[bflag:$0x2] =	sbarrier.arrive $0xFFFF  }
0x283: {  	p0 =	sne.s32 s0, $0x0;
	s0 =	rddreg [dreg:$0x2]  }
0x284: {  	s0 =	sadd.s32 @!p0 $0x100000, s0  }
0x285: {  	[sflag:s0] =	ssyncadd.tile.s32 @!p0 $0x1;
	_ =	shalt  }
.Lfunc_end2:
_tile_overlayer_lowered:
.L_overlay_start_2:
0x286: {  	(tag) =	ssettag $0x2  }
0x287: {  	s0 =	rddreg [dreg:$0x0];
	s2 =	stileid.u32  }
0x288: {  	s1 =	rddreg [dreg:$0x1];
	p0 =	sne.s32 s2, $0x0  }
0x289: {  	s3 =	rddreg [dreg:$0x2];
	[bflag:$0x3] =	sbarrier.arrive $0xFFFF;
	s2 =	simm.s32 @!p0 $0x1C05  }
0x28a: {  	[timem:s3], [sflag:s2] =	dma.local @!p0 [hbm:s0], s1  }
0x28b: {  	s0 =	simm.s32 @!p0 $0x5  }
0x28c: {  	_ =	swait.ge @!p0 [sflag:s0], s1  }
0x28d: {  	s1 =	ssub.s32 @!p0 $0x0, s1;
	[sflag:s0] =	ssyncset.done @!p0 $0x0  }
0x28e: {  	[sflag:s0] =	ssyncadd.s32 @!p0 s1  }
0x28f: {  	[bflag:$0x3] =	sbarrier.arrive $0xFFFF  }
0x290: {  	_ =	shalt  }

// kernel: sparse-core-data-format-call.1.cloned.1.call-start
scs
called_computation.1_lowered:
.L_overlay_start_0:
0x0: {  	s2 =	sld [smem:$0x3FD9]  }
0x1: {  	s3 =	sld [smem:$0x3FFE];
	_ =	sdelay $0x1  }
0x2: {  	s1 =	srdreg.scid  }
0x3: {  	s0 =	sand.u32 $0x1, s1  }
0x4: {  	s18 =	sshll.u32 s0, $0xA;
	s2 =	sadd.s32 s3, s2  }
0x5: {  	s2 =	sadd.s32 s2, s18  }
0x6: {  	[smem:$0x3FC6] =	sst s2  }
0x7: {  	_ = 	snop  }
0x8: {  	s2 =	sld [smem:$0x3FC9];
	(tm) =	ssettm $0x1  }
0x9: {  	s19 =	sld [smem:$0x3FFB];
	_ =	sdelay $0x3  }
0xa: {  	_ =	strace s19  }
0xb: {  	s3 =	sld [smem:$0x3FFC];
	_ =	sdelay $0x3  }
0xc: {  	_ =	strace s3  }
0xd: {  	s3 =	sld [smem:$0x3FFD];
	_ =	sdelay $0x3  }
0xe: {  	_ =	strace s3  }
0xf: {  	_ =	strace $0x8FFFFFFF  }
0x10: {  	s20 =	sld [smem:$0x3FDB];
	_ =	sdelay $0x1  }
0x11: {  	s4 =	simm.s32 $_scs_section_size  }
0x12: {  	s5 =	simm.s32 $_size__tile_overlayer_lowered;
	s6 =	simm.s32 $_tile_overlayer_lowered  }
0x13: {  	s23 =	simm.s32 $0x1BFF;
	s22 =	sshll.u32 s6, $0x1;
	s3 =	sadd.s32 s4, s20  }
0x14: {  	s7 =	simm.s32 $0x0;
	s21 =	sshll.u32 s5, $0x1;
	s5 =	sadd.s32 s22, s3  }
0x15: {  	[timem:s7], [sflag:s23] =	dma.local [hbm:s5], s21  }
0x16: {  	_ =	swait.ge [sflag:s23], s21  }
0x17: {  	s4 =	ssub.s32 $0x0, s21;
	[sflag:s23] =	ssyncset.done $0x0  }
0x18: {  	[sflag:s23] =	ssyncadd.s32 s4;
	_ =	sdelay $0x1  }
0x19: {  	s24 =	simm.s32 $0x1B8B  }
0x1a: {  	_ =	swait.ge [sflag:s24], $0x1  }
0x1b: {  	[sflag:s24] =	ssyncset.done $0x0  }
0x1c: {  	s26 =	simm.s32 $0x1B8E;
	s25 =	sld [smem:$0x3FFE];
	[sflag:s24] =	ssyncadd.s32 $0xFFFFFFFF  }
0x1d: {  	s27 =	simm.s32 $execute0_lowered;
	[smem:$0x3FD2] =	sst s26  }
0x1e: {  	s5 =	sshll.u32 s27, $0x1;
	_ =	strace $0x80000046;
	[dreg:$0x1] =	wrdreg $0xFFFFFFFF  }
0x1f: {  	s28 =	simm.s32 $_size_execute0_lowered;
	s3 =	sadd.s32 s3, s5;
	[dreg:$0x0] =	wrdreg $0x0  }
0x20: {  	s5 =	sshll.u32 s28, $0x1;
	[dreg:$0x2] =	wrdreg s3  }
0x21: {  	[dreg:$0x3] =	wrdreg s5  }
0x22: {  	[dreg:$0x4] =	wrdreg $0xC0  }
0x23: {  	_ =	task [dreg:s7], $0x5FFFF  }
0x24: {  	[dreg:$0x1] =	wrdreg $0xFFFFFFFF  }
0x25: {  	[dreg:$0x0] =	wrdreg $0x60  }
0x26: {  	[dreg:$0x2] =	wrdreg s2  }
0x27: {  	[dreg:$0x3] =	wrdreg s25  }
0x28: {  	[dreg:$0x4] =	wrdreg $0x9  }
0x29: {  	_ =	task.clear_ibuf [dreg:s7], $0x5FFFF;
	_ =	strace $0x90000046  }
0x2a: {  	s29 =	simm.s32 $0x9;
	_ =	strace $0x80000048  }
0x2b: {  	_ =	swait.ge [sflag:s29], $0x1  }
0x2c: {  	[sflag:s29] =	ssyncadd.s32 $0xFFFFFFFF  }
0x2d: {  	_ =	strace $0x90000048  }
0x2e: {  	_ =	sfence  }
0x2f: {  	s30 =	sld [smem:$0x0];
	_ =	sdelay $0x2  }
0x30: {  	s31 =	sshll.u32 s1, $0xD;
	s1 =	sshrl.u32 s1, $0x2  }
0x31: {  	s3 =	sand.u32 $0x4000, s31;
	s1 =	sadd.s32 s1, s30  }
0x32: {  	s0 =	sor.u32 s3, s0;
	s1 =	sshll.u32 s1, $0x11  }
0x33: {  	s0 =	sor.u32 s1, s0  }
0x34: {  	s0 =	sadd.s32 $0x8F2B, s0  }
0x35: {  	[sflag:s0] =	ssyncadd.remote.s32 $0x1  }
0x36: {  	_ =	sfence.sel $0xFFFF  }
0x37: {  	[dreg:$0x0] =	wrdreg $0xFFFFFFFF;
	(pc) =	sbr.abs _section_cstart, $3  }
0x38: {  	[dreg:$0x1] =	wrdreg $0xFFFFFFFF  }
0x39: {  	_ =	task.clear_ibuf [dreg:s7], $0x2FFFF;
	_ =	strace $0x9FFFFFFF  }
0x3a: {  	(tm) =	ssettm $0x7FFFFFFF  }
0x3b: {  	_ =	shalt  }
tec
execute0_lowered:
.L_overlay_start_1:
0x0: {  	(tag) =	ssettag $0x1  }
0x1: {  	s2 =	rddreg [dreg:$0x0]  }
0x2: {  	s1 =	rddreg [dreg:$0x1]  }
0x3: {  	s0 =	rddreg [dreg:$0x2];
	s4 =	srdreg.scid  }
0x4: {  	_ =	strace $0x80000047;
	s7 =	simm.s32 $0x2;
	s16 =	simm.s32 $0x0  }
0x5: {  	p0 =	por $0x0, $0x0;
	s14 =	simm.s32 $0x0;
	s13 =	simm.s32 $0x0  }
0x6: {  	s15 =	simm.s32 $0x0;
	s9 =	simm.s32 $0x0;
	s11 =	simm.s32 $0x0  }
.Ltmp0:
0x7: {  	s3 =	sadd.s32 $0x1000, s1;
	s4 =	sshll.u32 s4, $0x4;
	(pc) =	sbr.rel .LBB1_1-.Ltmp0, $4  }
0x8: {  	s1 =	stileid.u32;
	s5 =	sand.u32 $0x10, s4;
	s4 =	simm.s32 $0x1  }
0x9: {  	s8 =	simm.s32 $0x0;
	s6 =	sor.u32 s1, s5;
	[sflag:s4] =	ssyncpa.u1 $0x0  }
0xa: {  	s5 =	sand.u32 $0x3, s1;
	s6 =	sshrl.u32 s6, $0x2;
	[sflag:s7] =	ssyncpa.u1 $0x0  }
0xb: {  	s7 =	simm.s32 $0x40000;
	s12 =	smov.u32 s5;
	s10 =	smov.u32 s6  }
.LBB1_3:
0xc: {  	p1 =	seq.s32 s8, $0x0  }
0xd: {  	p2 =	seq.s32 @!p1 s8, $0x101  }
0xe: {  	p1 =	por p1, p2  }
.Ltmp1:
0xf: {  	_ = 	snop;
	(pc) =	sbr.rel @!p1 .LBB1_4-.Ltmp1, $1  }
0x10: {  	_ =	sdelay $0x3  }
.LBB1_7:
0x11: {  	s17 =	sadd.s32 $0x80, s9  }
0x12: {  	s13 =	sadd.s32 $0x8, s10;
	s18 =	smov.u32 s10;
	p2 =	sgt.s32 s17, $0x1FF  }
0x13: {  	s18 =	smov.u32 @p2 s13  }
0x14: {  	s19 =	smov.u32 s11;
	s13 =	sadd.s32 $0x80, s11;
	p3 =	sgt.s32 s18, $0x1FF  }
0x15: {  	s19 =	smov.u32 @p3 s13  }
0x16: {  	s20 =	smov.u32 s12;
	s13 =	sadd.s32 $0x4, s12;
	p4 =	sgt.s32 s19, $0x5F  }
0x17: {  	p1 =	slt.u32 s8, $0x2;
	s20 =	smov.u32 @p4 s13  }
0x18: {  	s8 =	sadd.s32 $0x1, s8;
	s17 =	simm.s32 @p2 $0x0;
	p2 =	sgt.s32 s20, $0x3  }
0x19: {  	s16 =	smov.u32 s9;
	s20 =	smov.u32 @p2 s5;
	p2 =	sne.s32 s8, $0x102  }
.Ltmp2:
0x1a: {  	s14 =	smov.u32 s10;
	s21 =	simm.s32 @!p1 $0x2;
	(pc) =	sbr.rel @!p2 .LBB1_8-.Ltmp2, $4  }
0x1b: {  	s15 =	smov.u32 s12;
	p0 =	por !p0, !p0;
	_ =	swait.ge @!p1 [sflag:s21], $0x4000  }
0x1c: {  	[sflag:s21] =	ssyncset.done @!p1 $0x0;
	s9 =	smov.u32 s17;
	s18 =	smov.u32 @p3 s6  }
0x1d: {  	[sflag:s21] =	ssyncadd.s32 @!p1 $0xFFFFC000;
	s10 =	smov.u32 s18;
	s19 =	simm.s32 @p4 $0x0  }
0x1e: {  	s13 =	smov.u32 s11;
	s11 =	smov.u32 s19;
	s12 =	smov.u32 s20  }
.LBB1_1:
0x1f: {  	p1 =	sgt.u32 s8, $0xFF  }
.Ltmp3:
0x20: {  	_ = 	snop;
	(pc) =	sbr.rel @p1 .LBB1_3-.Ltmp3, $1  }
0x21: {  	_ =	sdelay $0x3  }
0x22: {  	s17 =	sshll.u32 s10, $0x9;
	s18 =	sshll.u32 s9, $0x3  }
0x23: {  	s28 =	sshll.u32 s10, $0x7;
	p1 =	sgt.s32 s12, $0x3;
	s20 =	smov.u32 s12  }
0x24: {  	s21 =	sshra.s32 s12, $0x1F;
	s30 =	sshra.s32 s11, $0x1F;
	s23 =	sshra.s32 s10, $0x1F  }
0x25: {  	s31 =	sand.u32 $0x78, s9;
	s25 =	sxor.u32 $0xFFFFFFFF, s8;
	s27 =	smul.u32 $0x300000, s12  }
0x26: {  	s17 =	sand.u32 $0x3F000, s17;
	s18 =	sand.u32 $0x3FC00, s18;
	s19 =	sand.u32 $0x200, s28  }
0x27: {  	s20 =	simm.s32 @!p1 $0x3;
	s29 =	sand.u32 s21, s12;
	p1 =	sgt.s32 s11, $0xFFFFFFE0  }
0x28: {  	s21 =	sand.u32 s30, s11;
	s23 =	sand.u32 s23, s10;
	s17 =	sadd.s32 s17, s18  }
0x29: {  	s18 =	sand.u32 $0x180, s28;
	s28 =	sshll.u32 s11, $0xF;
	s17 =	sor.u32 s19, s17  }
0x2a: {  	s19 =	ssub.s32 s20, s29;
	s20 =	smov.u32 s11;
	s18 =	sor.u32 s31, s18  }
0x2b: {  	s29 =	sand.u32 $0x7, s9;
	s22 =	sadd.s32 $0xFFFFFFFD, s19;
	s20 =	simm.s32 @!p1 $0xFFFFFFE0  }
0x2c: {  	p1 =	sgt.s32 s10, $0x1FF;
	s19 =	ssub.s32 $0x4, s19;
	s17 =	sshrl.u32 s17, $0x3  }
0x2d: {  	s18 =	sshrl.u32 s18, $0x3;
	s20 =	ssub.s32 s20, s21;
	s21 =	smov.u32 s10  }
0x2e: {  	s24 =	sadd.s32 $0x20, s20;
	s21 =	simm.s32 @!p1 $0x1FF;
	p1 =	sgt.s32 s22, $0x0  }
0x2f: {  	s20 =	ssub.s32 $0x60, s20;
	p2 =	sgt.s32 s24, $0x7F;
	s21 =	ssub.s32 s21, s23  }
0x30: {  	s19 =	simm.s32 @p1 $0x0;
	s24 =	sshra.s32 s9, $0x1F;
	s20 =	simm.s32 @p2 $0x0  }
0x31: {  	p2 =	sgt.s32 s9, $0x180;
	s19 =	smul.u32 s19, s20;
	s20 =	smov.u32 s9  }
0x32: {  	s23 =	sadd.s32 $0xFFFFFE01, s21;
	s22 =	sand.u32 s24, s9;
	s20 =	simm.s32 @!p2 $0x180  }
0x33: {  	s21 =	ssub.s32 $0x200, s21;
	p1 =	sgt.s32 s23, $0x0;
	s20 =	ssub.s32 s20, s22  }
0x34: {  	s30 =	sshll.u32 s29, $0x12;
	s21 =	simm.s32 @p1 $0x0;
	s26 =	sadd.s32 $0xFFFFFE80, s20  }
0x35: {  	s19 =	smul.u32 s21, s19;
	s20 =	ssub.s32 $0x200, s20;
	p1 =	sgt.s32 s26, $0x7F  }
.Ltmp4:
0x36: {  	s21 =	sadd.s32 s2, s27;
	s20 =	simm.s32 @p1 $0x0;
	(pc) =	sbr.rel .LBB1_3-.Ltmp4, $4  }
0x37: {  	s17 =	sand.u32 $0x7FC0, s17;
	s19 =	smul.u32 s20, s19;
	s20 =	sadd.s32 s28, s21  }
0x38: {  	s31 =	sor.u32 $0x80, s30;
	s22 =	sshll.u32 s25, $0xE;
	s18 =	sadd.s32 s18, s20  }
0x39: {  	s22 =	sand.u32 $0x4000, s22;
	s19 =	sand.u32 $0x3FFFFFFF, s19;
	s17 =	sadd.s32 s17, s18  }
0x3a: {  	[tilespmem:s22], [sflag:$0x1] =	stream.strided.gather [hbm4b:s17+s31], s19, s7, s31, $0x38;
	[tilespmem:$0x10100] =	vst v63  }
.LBB1_4:
0x3b: {  	p1 =	sgt.s32 s15, $0x3;
	s17 =	smov.u32 s15;
	s18 =	sshra.s32 s15, $0x1F  }
0x3c: {  	s19 =	smov.u32 s13;
	s20 =	sshra.s32 s13, $0x1F;
	s26 =	sshra.s32 s14, $0x1F  }
0x3d: {  	s17 =	simm.s32 @!p1 $0x3;
	s18 =	sand.u32 s18, s15;
	p1 =	sgt.s32 s13, $0xFFFFFFE0  }
0x3e: {  	s24 =	sand.u32 s20, s13;
	s17 =	ssub.s32 s17, s18;
	s19 =	simm.s32 @!p1 $0xFFFFFFE0  }
0x3f: {  	s28 =	sshra.s32 s16, $0x1F;
	s25 =	sadd.s32 $0xFFFFFFFD, s17;
	s18 =	ssub.s32 s19, s24  }
0x40: {  	s17 =	ssub.s32 $0x4, s17;
	p1 =	sgt.s32 s25, $0x0;
	s19 =	sadd.s32 $0x20, s18  }
0x41: {  	s18 =	ssub.s32 $0x60, s18;
	s17 =	simm.s32 @p1 $0x0;
	p1 =	sgt.s32 s19, $0x7F  }
0x42: {  	s19 =	smov.u32 s14;
	s18 =	simm.s32 @p1 $0x0;
	p1 =	sgt.s32 s14, $0x1FF  }
0x43: {  	s27 =	sand.u32 s26, s14;
	s17 =	smul.u32 s17, s18;
	s19 =	simm.s32 @!p1 $0x1FF  }
0x44: {  	p1 =	sgt.s32 s16, $0x180;
	s18 =	ssub.s32 s19, s27;
	s19 =	smov.u32 s16  }
0x45: {  	s20 =	sand.u32 s28, s16;
	s21 =	sadd.s32 $0xFFFFFE01, s18;
	s19 =	simm.s32 @!p1 $0x180  }
0x46: {  	s18 =	ssub.s32 $0x200, s18;
	p1 =	sgt.s32 s21, $0x0;
	s19 =	ssub.s32 s19, s20  }
0x47: {  	s18 =	simm.s32 @p1 $0x0;
	s20 =	sadd.s32 $0xFFFFFE80, s19  }
0x48: {  	s17 =	smul.u32 s18, s17;
	p1 =	sgt.s32 s20, $0x7F;
	s18 =	ssub.s32 $0x200, s19  }
0x49: {  	s18 =	simm.s32 @p1 $0x0  }
0x4a: {  	s17 =	smul.u32 s18, s17;
	_ =	sdelay $0x1  }
0x4b: {  	s18 =	simm.s32 $0x1;
	s17 =	sand.u32 $0x3FFFFFFF, s17  }
0x4c: {  	s18 =	simm.s32 @!p0 $0x0;
	_ =	swait.ge [sflag:s4], s17  }
0x4d: {  	s29 =	sshll.u32 s18, $0xE;
	s17 =	ssub.s32 $0x0, s17;
	[sflag:s4] =	ssyncset.done $0x0  }
0x4e: {  	s19 =	sor.u32 $0x40, s29;
	[sflag:s4] =	ssyncadd.s32 s17  }
0x4f: {  	s30 =	smul.u32 $0x10200, s18;
	v0 =	vld [tilespmem:s19+$0x30]  }
0x50: {  	v3 =	vld [tilespmem:s19+$0xFFFFFFD0]  }
0x51: {  	s17 =	sshrl.u32 s30, $0x2;
	v4 =	vld [tilespmem:s19+$0xFFFFFFE0]  }
0x52: {  	s18 =	sor.u32 $0x8000, s17;
	v5 =	vld [tilespmem:s19+$0xFFFFFFF0]  }
0x53: {  	s31 =	sand.u32 $0x1, s8;
	v1 =	vld [tilespmem:s19+$0x0];
	s20 =	sadd.s32 $0x0, s18  }
0x54: {  	s17 =	smul.u32 $0x10200, s31;
	v2 =	vld [tilespmem:s19+$0x10];
	[tilespmem:s20+$0x3870 ss:$0x81] =	vst.msk $0xffff, v0  }
0x55: {  	[tilespmem:s20+$0x810 ss:$0x81] =	vst.msk $0xffff, v3;
	v3 =	vld [tilespmem:s19+$0x20]  }
0x56: {  	s17 =	sshrl.u32 s17, $0x2;
	v0 =	vld [tilespmem:s19+$0xFFFFFFC0];
	[tilespmem:s20+$0x1020 ss:$0x81] =	vst.msk $0xffff, v4;
	s19 =	sadd.s32 $0x80, s19  }
0x57: {  	s22 =	simm.s32 $0x8;
	s21 =	simm.s32 $0x4;
	s17 =	sor.u32 $0x8000, s17;
	[tilespmem:s20+$0x1830 ss:$0x81] =	vst.msk $0xffff, v5;
	v4 =	vld [tilespmem:s19+$0x30]  }
.LBB1_5:
0x58: {  	p1 =	sne.s32 s22, $0x1FC;
	v5 =	vld [tilespmem:s19+$0xFFFFFFD0];
	[tilespmem:s20+$0x2040 ss:$0x81] =	vst.msk $0xffff, v1  }
0x59: {  	v6 =	vld [tilespmem:s19+$0xFFFFFFE0];
	[tilespmem:s20+$0x2850 ss:$0x81] =	vst.msk $0xffff, v2  }
0x5a: {  	s23 =	sshra.s32 s21, $0x2;
	s21 =	smov.u32 s22;
	v7 =	vld [tilespmem:s19+$0xFFFFFFF0];
	[tilespmem:s20+$0x3060 ss:$0x81] =	vst.msk $0xffff, v3  }
.Ltmp5:
0x5b: {  	v1 =	vld [tilespmem:s19+$0x0];
	[tilespmem:s20+$0x0 ss:$0x81] =	vst.msk $0xffff, v0;
	s20 =	sadd.s32 s23, s18;
	(pc) =	sbr.rel @p1 .LBB1_5-.Ltmp5, $4  }
0x5c: {  	v2 =	vld [tilespmem:s19+$0x10];
	[tilespmem:s20+$0x3870 ss:$0x81] =	vst.msk $0xffff, v4  }
0x5d: {  	[tilespmem:s20+$0x810 ss:$0x81] =	vst.msk $0xffff, v5;
	v3 =	vld [tilespmem:s19+$0x20]  }
0x5e: {  	v0 =	vld [tilespmem:s19+$0xFFFFFFC0];
	[tilespmem:s20+$0x1020 ss:$0x81] =	vst.msk $0xffff, v6;
	s19 =	sadd.s32 $0x80, s19  }
0x5f: {  	s22 =	sadd.s32 $0x4, s22;
	v4 =	vld [tilespmem:s19+$0x30];
	[tilespmem:s20+$0x1830 ss:$0x81] =	vst.msk $0xffff, v7  }
0x60: {  	v5 =	vld [tilespmem:s19+$0xFFFFFFD0];
	[tilespmem:s20+$0x2040 ss:$0x81] =	vst.msk $0xffff, v1  }
0x61: {  	v58 =	vld [tilespmem:s19+$0xFFFFFFE0];
	[tilespmem:s20+$0x2850 ss:$0x81] =	vst.msk $0xffff, v2  }
0x62: {  	s21 =	sshra.s32 s21, $0x2;
	v59 =	vld [tilespmem:s19+$0xFFFFFFF0];
	[tilespmem:s20+$0x3060 ss:$0x81] =	vst.msk $0xffff, v3  }
0x63: {  	v60 =	vld [tilespmem:s19+$0x0];
	s18 =	sadd.s32 s21, s18;
	[tilespmem:s20+$0x0 ss:$0x81] =	vst.msk $0xffff, v0  }
0x64: {  	v61 =	vld [tilespmem:s19+$0x10];
	[tilespmem:s18+$0x3870 ss:$0x81] =	vst.msk $0xffff, v4  }
0x65: {  	s16 =	sshll.u32 s16, $0x7;
	s26 =	sshll.u32 s13, $0x3;
	v62 =	vld [tilespmem:s19+$0x20];
	s15 =	sshll.u32 s15, $0x16;
	[tilespmem:s18+$0x810 ss:$0x81] =	vst.msk $0xffff, v5  }
0x66: {  	v63 =	vld [tilespmem:s19+$0xFFFFFFC0];
	s14 =	sshll.u32 s14, $0xD;
	s27 =	sand.u32 $0xFC00, s16;
	s20 =	sand.u32 $0xFC00, s26;
	[tilespmem:s18+$0x1020 ss:$0x81] =	vst.msk $0xffff, v58  }
0x67: {  	s29 =	sshrl.u32 s13, $0x3;
	s16 =	sand.u32 $0x380, s16;
	s28 =	sadd.s32 s20, s27;
	[tilespmem:s18+$0x1830 ss:$0x81] =	vst.msk $0xffff, v59  }
.Ltmp6:
0x68: {  	s15 =	sadd.s32 s3, s15;
	s16 =	sor.u32 s16, s28;
	[tilespmem:s18+$0x2040 ss:$0x81] =	vst.msk $0xffff, v60;
	(pc) =	sbr.rel .LBB1_7-.Ltmp6, $4  }
0x69: {  	s19 =	sand.u32 $0xF, s29;
	s14 =	sadd.s32 s14, s15;
	[tilespmem:s18+$0x2850 ss:$0x81] =	vst.msk $0xffff, v61;
	s16 =	sshrl.u32 s16, $0x3  }
0x6a: {  	s14 =	sadd.s32 s19, s14;
	[tilespmem:s18+$0x3060 ss:$0x81] =	vst.msk $0xffff, v62;
	s30 =	sand.u32 $0x1FF0, s16  }
0x6b: {  	s31 =	sand.u32 $0x7, s13;
	[tilespmem:s18+$0x0 ss:$0x81] =	vst.msk $0xffff, v63;
	s14 =	sadd.s32 s30, s14  }
0x6c: {  	[hbm4b:s14+s31] =	stream.linear.scatter [tilespmem:s17], [sflag:$0x2], $0x4000, $0x20;
	[tilespmem:$0x10100] =	vst v63  }
.LBB1_8:
0x6d: {  	_ =	sfence.sel $0x180000  }
0x6e: {  	s2 =	simm.s32 $0x1;
	[bflag:$0x0] =	sbarrier.arrive $0xFFFF  }
0x6f: {  	s31 =	simm.s32 $0x2;
	[sflag:s2] =	ssyncpa.u1 $0x1  }
0x70: {  	[sflag:s31] =	ssyncpa.u1 $0x1  }
0x71: {  	p0 =	sne.s32 s1, $0x0;
	_ =	strace $0x90000047  }
0x72: {  	s0 =	sadd.s32 @!p0 $0x100000, s0;
	[bflag:$0x2] =	sbarrier.arrive $0xFFFF  }
0x73: {  	[sflag:s0] =	ssyncadd.tile.s32 @!p0 $0x1;
	_ =	shalt  }
.Lfunc_end1:
_tile_overlayer_lowered:
.L_overlay_start_2:
0x74: {  	(tag) =	ssettag $0x2  }
0x75: {  	s0 =	rddreg [dreg:$0x0];
	s2 =	stileid.u32  }
0x76: {  	s1 =	rddreg [dreg:$0x1];
	p0 =	sne.s32 s2, $0x0  }
0x77: {  	s3 =	rddreg [dreg:$0x2];
	[bflag:$0x3] =	sbarrier.arrive $0xFFFF;
	s2 =	simm.s32 @!p0 $0x1C01  }
0x78: {  	[timem:s3], [sflag:s2] =	dma.local @!p0 [hbm:s0], s1  }
0x79: {  	s0 =	simm.s32 @!p0 $0x1  }
0x7a: {  	_ =	swait.ge @!p0 [sflag:s0], s1  }
0x7b: {  	s1 =	ssub.s32 @!p0 $0x0, s1;
	[sflag:s0] =	ssyncset.done @!p0 $0x0  }
0x7c: {  	[sflag:s0] =	ssyncadd.s32 @!p0 s1  }
0x7d: {  	[bflag:$0x3] =	sbarrier.arrive $0xFFFF  }
0x7e: {  	_ =	shalt  }

// kernel: sparse-core-data-format-call.cloned.1.call-start
scs
called_computation_lowered:
.L_overlay_start_0:
0x0: {  	s2 =	sld [smem:$0x3FD9]  }
0x1: {  	s3 =	sld [smem:$0x3FFE];
	_ =	sdelay $0x1  }
0x2: {  	s1 =	srdreg.scid  }
0x3: {  	s0 =	sand.u32 $0x1, s1  }
0x4: {  	s18 =	sshll.u32 s0, $0xA;
	s2 =	sadd.s32 s3, s2  }
0x5: {  	s2 =	sadd.s32 s2, s18  }
0x6: {  	[smem:$0x3FC6] =	sst s2  }
0x7: {  	_ = 	snop  }
0x8: {  	s2 =	sld [smem:$0x3FD0];
	(tm) =	ssettm $0x1  }
0x9: {  	s19 =	sld [smem:$0x3FFB];
	_ =	sdelay $0x3  }
0xa: {  	_ =	strace s19  }
0xb: {  	s3 =	sld [smem:$0x3FFC];
	_ =	sdelay $0x3  }
0xc: {  	_ =	strace s3  }
0xd: {  	s3 =	sld [smem:$0x3FFD];
	_ =	sdelay $0x3  }
0xe: {  	_ =	strace s3  }
0xf: {  	_ =	strace $0x8FFFFFFF  }
0x10: {  	s20 =	sld [smem:$0x3FDB];
	_ =	sdelay $0x1  }
0x11: {  	s4 =	simm.s32 $_scs_section_size  }
0x12: {  	s5 =	simm.s32 $_size__tile_overlayer_lowered;
	s6 =	simm.s32 $_tile_overlayer_lowered  }
0x13: {  	s23 =	simm.s32 $0x1BFF;
	s22 =	sshll.u32 s6, $0x1;
	s3 =	sadd.s32 s4, s20  }
0x14: {  	s7 =	simm.s32 $0x0;
	s21 =	sshll.u32 s5, $0x1;
	s5 =	sadd.s32 s22, s3  }
0x15: {  	[timem:s7], [sflag:s23] =	dma.local [hbm:s5], s21  }
0x16: {  	_ =	swait.ge [sflag:s23], s21  }
0x17: {  	s4 =	ssub.s32 $0x0, s21;
	[sflag:s23] =	ssyncset.done $0x0  }
0x18: {  	[sflag:s23] =	ssyncadd.s32 s4;
	_ =	sdelay $0x1  }
0x19: {  	s24 =	simm.s32 $0x1B8B  }
0x1a: {  	_ =	swait.ge [sflag:s24], $0x1  }
0x1b: {  	[sflag:s24] =	ssyncset.done $0x0  }
0x1c: {  	s26 =	simm.s32 $0x1B8E;
	s25 =	sld [smem:$0x3FFE];
	[sflag:s24] =	ssyncadd.s32 $0xFFFFFFFF  }
0x1d: {  	s27 =	simm.s32 $execute0_lowered;
	[smem:$0x3FD2] =	sst s26  }
0x1e: {  	s5 =	sshll.u32 s27, $0x1;
	_ =	strace $0x8000004C;
	[dreg:$0x1] =	wrdreg $0xFFFFFFFF  }
0x1f: {  	s28 =	simm.s32 $_size_execute0_lowered;
	s3 =	sadd.s32 s3, s5;
	[dreg:$0x0] =	wrdreg $0x0  }
0x20: {  	s5 =	sshll.u32 s28, $0x1;
	[dreg:$0x2] =	wrdreg s3  }
0x21: {  	[dreg:$0x3] =	wrdreg s5  }
0x22: {  	[dreg:$0x4] =	wrdreg $0xC0  }
0x23: {  	_ =	task [dreg:s7], $0x5FFFF  }
0x24: {  	[dreg:$0x1] =	wrdreg $0xFFFFFFFF  }
0x25: {  	[dreg:$0x0] =	wrdreg $0x60  }
0x26: {  	[dreg:$0x2] =	wrdreg s25  }
0x27: {  	[dreg:$0x3] =	wrdreg s2  }
0x28: {  	[dreg:$0x4] =	wrdreg $0x9  }
0x29: {  	_ =	task.clear_ibuf [dreg:s7], $0x5FFFF;
	_ =	strace $0x9000004C  }
0x2a: {  	s29 =	simm.s32 $0x9;
	_ =	strace $0x8000004E  }
0x2b: {  	_ =	swait.ge [sflag:s29], $0x1  }
0x2c: {  	[sflag:s29] =	ssyncadd.s32 $0xFFFFFFFF  }
0x2d: {  	_ =	strace $0x9000004E  }
0x2e: {  	_ =	sfence  }
0x2f: {  	s30 =	sld [smem:$0x0];
	_ =	sdelay $0x2  }
0x30: {  	s31 =	sshll.u32 s1, $0xD;
	s1 =	sshrl.u32 s1, $0x2  }
0x31: {  	s3 =	sand.u32 $0x4000, s31;
	s1 =	sadd.s32 s1, s30  }
0x32: {  	s0 =	sor.u32 s3, s0;
	s1 =	sshll.u32 s1, $0x11  }
0x33: {  	s0 =	sor.u32 s1, s0  }
0x34: {  	s0 =	sadd.s32 $0x8F2B, s0  }
0x35: {  	[sflag:s0] =	ssyncadd.remote.s32 $0x1  }
0x36: {  	_ =	sfence.sel $0xFFFF  }
0x37: {  	[dreg:$0x0] =	wrdreg $0xFFFFFFFF;
	(pc) =	sbr.abs _section_cstart, $3  }
0x38: {  	[dreg:$0x1] =	wrdreg $0xFFFFFFFF  }
0x39: {  	_ =	task.clear_ibuf [dreg:s7], $0x2FFFF;
	_ =	strace $0x9FFFFFFF  }
0x3a: {  	(tm) =	ssettm $0x7FFFFFFF  }
0x3b: {  	_ =	shalt  }
tec
execute0_lowered:
.L_overlay_start_1:
0x0: {  	(tag) =	ssettag $0x1  }
0x1: {  	s3 =	rddreg [dreg:$0x0]  }
0x2: {  	s2 =	rddreg [dreg:$0x1]  }
0x3: {  	s1 =	srdreg.scid;
	s0 =	rddreg [dreg:$0x2];
	_ =	strace $0x8000004D  }
0x4: {  	s7 =	simm.s32 $0x2;
	s15 =	simm.s32 $0x0;
	p0 =	por $0x0, $0x0  }
0x5: {  	s16 =	simm.s32 $0x0;
	s17 =	simm.s32 $0x0;
	s8 =	simm.s32 $0x0  }
0x6: {  	s10 =	simm.s32 $0x0;
	s11 =	simm.s32 $0x0;
	s12 =	simm.s32 $0x0  }
.Ltmp0:
0x7: {  	s9 =	simm.s32 $0x0;
	s4 =	sshll.u32 s1, $0x4;
	(pc) =	sbr.rel .LBB1_1-.Ltmp0, $4  }
0x8: {  	s1 =	stileid.u32;
	s3 =	sadd.s32 $0x1000, s3;
	s4 =	sand.u32 $0x10, s4  }
0x9: {  	s5 =	sand.u32 $0x3, s1;
	s6 =	sor.u32 s1, s4;
	s4 =	simm.s32 $0x1  }
0xa: {  	s14 =	smov.u32 s5;
	[sflag:s4] =	ssyncpa.u1 $0x0;
	s6 =	sshrl.u32 s6, $0x2  }
0xb: {  	[sflag:s7] =	ssyncpa.u1 $0x0;
	s7 =	simm.s32 $0x40000;
	s13 =	smov.u32 s6  }
.LBB1_5:
0xc: {  	p1 =	slt.u32 s9, $0x2  }
0xd: {  	s18 =	smov.u32 s17;
	p2 =	sgt.s32 @!p1 s17, $0x3;
	s19 =	sshra.s32 @!p1 s17, $0x1F  }
0xe: {  	p3 =	sgt.s32 @!p1 s15, $0x180;
	p2 =	por !p2, p1;
	s17 =	sand.u32 @!p1 s19, s17  }
0xf: {  	s19 =	sshra.s32 @!p1 s16, $0x1F;
	s18 =	simm.s32 @p2 $0x3;
	p2 =	sgt.s32 @!p1 s16, $0x1FF  }
0x10: {  	s17 =	ssub.s32 @!p1 s18, s17;
	p2 =	por !p2, p1;
	s18 =	smov.u32 s16  }
0x11: {  	p3 =	por !p3, p1;
	s16 =	sand.u32 @!p1 s19, s16;
	s18 =	simm.s32 @p2 $0x1FF  }
0x12: {  	s19 =	sadd.s32 @!p1 $0xFFFFFFFD, s17;
	s17 =	ssub.s32 @!p1 $0x4, s17;
	s16 =	ssub.s32 @!p1 s18, s16  }
0x13: {  	p2 =	sgt.s32 @!p1 s19, $0x0;
	s19 =	smov.u32 s15;
	s18 =	sadd.s32 @!p1 $0xFFFFFE01, s16  }
0x14: {  	s19 =	simm.s32 @p3 $0x180;
	p3 =	sgt.s32 @!p1 s18, $0x0;
	s18 =	sshra.s32 @!p1 s15, $0x1F  }
0x15: {  	s17 =	smul.u32 @!p1 $0x60, s17;
	p2 =	por !p2, p1;
	s15 =	sand.u32 @!p1 s18, s15  }
0x16: {  	s16 =	ssub.s32 @!p1 $0x200, s16;
	p3 =	por !p3, p1;
	s15 =	ssub.s32 @!p1 s19, s15  }
0x17: {  	s17 =	simm.s32 @!p2 $0x0;
	s16 =	simm.s32 @!p3 $0x0;
	s18 =	sadd.s32 @!p1 $0xFFFFFE80, s15  }
0x18: {  	s19 =	smov.u32 s13;
	s16 =	smul.u32 @!p1 s16, s17;
	p2 =	sgt.s32 @!p1 s18, $0x7F  }
0x19: {  	s15 =	ssub.s32 @!p1 $0x200, s15;
	s18 =	sadd.s32 $0x80, s12;
	p2 =	por !p2, p1  }
0x1a: {  	s17 =	sadd.s32 $0x8, s13;
	s15 =	simm.s32 @!p2 $0x0;
	p2 =	sgt.s32 s18, $0x1FF  }
0x1b: {  	s20 =	smov.u32 s14;
	s19 =	smov.u32 @p2 s17  }
0x1c: {  	s15 =	smul.u32 @!p1 s15, s16;
	s16 =	sadd.s32 $0x4, s14;
	p3 =	sgt.s32 s19, $0x1FF  }
0x1d: {  	s9 =	sadd.s32 $0x1, s9;
	p0 =	por !p0, !p0;
	s20 =	smov.u32 @p3 s16  }
0x1e: {  	s21 =	simm.s32 @!p1 $0x2;
	s18 =	simm.s32 @p2 $0x0;
	p2 =	sgt.s32 s20, $0x3  }
0x1f: {  	s17 =	smov.u32 s11;
	s20 =	smov.u32 @p2 s5;
	p2 =	sne.s32 s9, $0x102  }
.Ltmp1:
0x20: {  	s11 =	smov.u32 s14;
	s15 =	sand.u32 @!p1 $0x3FFFFFE0, s15;
	(pc) =	sbr.rel @!p2 .LBB1_6-.Ltmp1, $4  }
0x21: {  	s19 =	smov.u32 @p3 s6;
	s16 =	smov.u32 s10;
	s10 =	smov.u32 s13  }
0x22: {  	_ =	swait.ge @!p1 [sflag:s21], s15;
	s22 =	ssub.s32 @!p1 $0x0, s15;
	s15 =	smov.u32 s8  }
0x23: {  	s8 =	smov.u32 s12;
	s12 =	smov.u32 s18;
	[sflag:s21] =	ssyncset.done @!p1 $0x0  }
0x24: {  	s13 =	smov.u32 s19;
	[sflag:s21] =	ssyncadd.s32 @!p1 s22;
	s14 =	smov.u32 s20  }
.LBB1_1:
0x25: {  	p1 =	sgt.u32 s9, $0xFF  }
0x26: {  	s18 =	sxor.u32 @!p1 $0xFFFFFFFF, s9;
	s19 =	sshll.u32 @!p1 s14, $0x16  }
0x27: {  	s20 =	sshll.u32 @!p1 s13, $0xD;
	s21 =	sshll.u32 @!p1 s12, $0x4;
	s19 =	sadd.s32 @!p1 s3, s19  }
0x28: {  	s18 =	sshll.u32 @!p1 s18, $0xE;
	s21 =	sand.u32 @!p1 $0x1FF0, s21;
	s19 =	sadd.s32 @!p1 s20, s19  }
0x29: {  	s18 =	sand.u32 @!p1 $0x4000, s18;
	s20 =	simm.s32 @!p1 $0x0;
	s19 =	sadd.s32 @!p1 s21, s19  }
0x2a: {  	[tilespmem:s18], [sflag:$0x1] =	stream.linear.gather @!p1 [hbm4b:s19+s20], $0x4000, $0x38;
	[tilespmem:$0x10100] =	vst v63  }
0x2b: {  	p1 =	seq.s32 s9, $0x0  }
0x2c: {  	p2 =	seq.s32 @!p1 s9, $0x101  }
0x2d: {  	p1 =	por p1, p2  }
.Ltmp2:
0x2e: {  	_ = 	snop;
	(pc) =	sbr.rel @p1 .LBB1_5-.Ltmp2, $1  }
0x2f: {  	_ =	sdelay $0x3  }
0x30: {  	s18 =	simm.s32 $0x1  }
0x31: {  	_ =	swait.ge [sflag:s4], $0x4000;
	s18 =	simm.s32 @!p0 $0x0  }
0x32: {  	[sflag:s4] =	ssyncset.done $0x0;
	s19 =	sshll.u32 s18, $0xE  }
0x33: {  	[sflag:s4] =	ssyncadd.s32 $0xFFFFC000;
	s19 =	sor.u32 $0x40, s19  }
0x34: {  	s18 =	smul.u32 $0x10200, s18;
	v0 =	vld [tilespmem:s19+$0x30]  }
0x35: {  	v1 =	vld [tilespmem:s19+$0xFFFFFFD0]  }
0x36: {  	s18 =	sshrl.u32 s18, $0x2;
	v5 =	vld [tilespmem:s19+$0xFFFFFFE0]  }
0x37: {  	v6 =	vld [tilespmem:s19+$0xFFFFFFF0];
	s21 =	sor.u32 $0x8000, s18  }
0x38: {  	s31 =	sand.u32 $0x1, s9;
	v4 =	vld [tilespmem:s19+$0x0];
	s20 =	sadd.s32 $0x0, s21  }
0x39: {  	v3 =	vld [tilespmem:s19+$0x10];
	s18 =	smul.u32 $0x10200, s31;
	[tilespmem:s20+$0x3870 ss:$0x81] =	vst.msk $0xffff, v0  }
0x3a: {  	v2 =	vld [tilespmem:s19+$0x20];
	[tilespmem:s20+$0x810 ss:$0x81] =	vst.msk $0xffff, v1  }
0x3b: {  	s18 =	sshrl.u32 s18, $0x2;
	v0 =	vld [tilespmem:s19+$0xFFFFFFC0];
	[tilespmem:s20+$0x1020 ss:$0x81] =	vst.msk $0xffff, v5;
	s19 =	sadd.s32 $0x80, s19  }
0x3c: {  	s22 =	simm.s32 $0x4;
	s23 =	simm.s32 $0x8;
	s18 =	sor.u32 $0x8000, s18;
	[tilespmem:s20+$0x1830 ss:$0x81] =	vst.msk $0xffff, v6;
	v1 =	vld [tilespmem:s19+$0x30]  }
.LBB1_3:
0x3d: {  	p1 =	sne.s32 s23, $0x1FC;
	v5 =	vld [tilespmem:s19+$0xFFFFFFD0];
	[tilespmem:s20+$0x2040 ss:$0x81] =	vst.msk $0xffff, v4  }
0x3e: {  	v6 =	vld [tilespmem:s19+$0xFFFFFFE0];
	[tilespmem:s20+$0x2850 ss:$0x81] =	vst.msk $0xffff, v3  }
0x3f: {  	s24 =	sshra.s32 s22, $0x2;
	s22 =	smov.u32 s23;
	v7 =	vld [tilespmem:s19+$0xFFFFFFF0];
	[tilespmem:s20+$0x3060 ss:$0x81] =	vst.msk $0xffff, v2  }
.Ltmp3:
0x40: {  	v4 =	vld [tilespmem:s19+$0x0];
	[tilespmem:s20+$0x0 ss:$0x81] =	vst.msk $0xffff, v0;
	s20 =	sadd.s32 s24, s21;
	(pc) =	sbr.rel @p1 .LBB1_3-.Ltmp3, $4  }
0x41: {  	v3 =	vld [tilespmem:s19+$0x10];
	[tilespmem:s20+$0x3870 ss:$0x81] =	vst.msk $0xffff, v1  }
0x42: {  	[tilespmem:s20+$0x810 ss:$0x81] =	vst.msk $0xffff, v5;
	v2 =	vld [tilespmem:s19+$0x20]  }
0x43: {  	v0 =	vld [tilespmem:s19+$0xFFFFFFC0];
	[tilespmem:s20+$0x1020 ss:$0x81] =	vst.msk $0xffff, v6;
	s19 =	sadd.s32 $0x80, s19  }
0x44: {  	s23 =	sadd.s32 $0x4, s23;
	v1 =	vld [tilespmem:s19+$0x30];
	[tilespmem:s20+$0x1830 ss:$0x81] =	vst.msk $0xffff, v7  }
0x45: {  	s22 =	sshra.s32 s22, $0x2  }
0x46: {  	p1 =	sgt.s32 s11, $0x3;
	s23 =	smov.u32 s11;
	s24 =	sshra.s32 s11, $0x1F  }
0x47: {  	s31 =	sshll.u32 s10, $0x9;
	s25 =	sshll.u32 s8, $0x3;
	s26 =	smov.u32 s10  }
0x48: {  	s27 =	sshra.s32 s10, $0x1F;
	s21 =	sadd.s32 s22, s21;
	s23 =	simm.s32 @!p1 $0x3  }
0x49: {  	s30 =	sand.u32 s24, s11;
	s24 =	sand.u32 $0x3F000, s31;
	s25 =	sand.u32 $0x3FC00, s25  }
0x4a: {  	p1 =	sgt.s32 s10, $0x1FF;
	s27 =	sand.u32 s27, s10;
	s31 =	sshra.s32 s8, $0x1F  }
0x4b: {  	s22 =	ssub.s32 s23, s30;
	s26 =	simm.s32 @!p1 $0x1FF;
	s23 =	sadd.s32 s24, s25  }
0x4c: {  	s25 =	sand.u32 s31, s8;
	s31 =	smul.u32 $0x300000, s11;
	s28 =	sadd.s32 $0xFFFFFFFD, s22  }
0x4d: {  	v5 =	vld [tilespmem:s19+$0xFFFFFFD0];
	[tilespmem:s20+$0x2040 ss:$0x81] =	vst.msk $0xffff, v4;
	s22 =	ssub.s32 $0x4, s22;
	s29 =	ssub.s32 s26, s27;
	s26 =	smov.u32 s8  }
0x4e: {  	v58 =	vld [tilespmem:s19+$0xFFFFFFE0];
	[tilespmem:s20+$0x2850 ss:$0x81] =	vst.msk $0xffff, v3;
	s27 =	sshll.u32 s10, $0x7;
	s22 =	smul.u32 $0x60, s22;
	p1 =	sgt.s32 s28, $0x0  }
0x4f: {  	v59 =	vld [tilespmem:s19+$0xFFFFFFF0];
	[tilespmem:s20+$0x3060 ss:$0x81] =	vst.msk $0xffff, v2;
	s30 =	sadd.s32 $0xFFFFFE01, s29;
	s24 =	ssub.s32 $0x200, s29;
	s28 =	sand.u32 $0x200, s27  }
0x50: {  	v60 =	vld [tilespmem:s19+$0x0];
	[tilespmem:s20+$0x0 ss:$0x81] =	vst.msk $0xffff, v0;
	s20 =	sand.u32 $0x180, s27;
	s22 =	simm.s32 @p1 $0x0;
	p1 =	sgt.s32 s8, $0x180  }
0x51: {  	v61 =	vld [tilespmem:s19+$0x10];
	[tilespmem:s21+$0x3870 ss:$0x81] =	vst.msk $0xffff, v1;
	s27 =	sadd.s32 s2, s31;
	s23 =	sor.u32 s28, s23;
	s26 =	simm.s32 @!p1 $0x180  }
0x52: {  	v62 =	vld [tilespmem:s19+$0x20];
	[tilespmem:s21+$0x810 ss:$0x81] =	vst.msk $0xffff, v5;
	s28 =	sand.u32 $0x7, s8;
	p1 =	sgt.s32 s30, $0x0;
	s25 =	ssub.s32 s26, s25  }
0x53: {  	v63 =	vld [tilespmem:s19+$0xFFFFFFC0];
	[tilespmem:s21+$0x1020 ss:$0x81] =	vst.msk $0xffff, v58;
	s30 =	sand.u32 $0x78, s8;
	s24 =	simm.s32 @p1 $0x0;
	s29 =	sadd.s32 $0xFFFFFE80, s25  }
0x54: {  	[tilespmem:s21+$0x1830 ss:$0x81] =	vst.msk $0xffff, v59;
	s22 =	smul.u32 s24, s22;
	s24 =	ssub.s32 $0x200, s25;
	p1 =	sgt.s32 s29, $0x7F  }
.Ltmp4:
0x55: {  	[tilespmem:s21+$0x2040 ss:$0x81] =	vst.msk $0xffff, v60;
	s19 =	sor.u32 s30, s20;
	s24 =	simm.s32 @p1 $0x0;
	(pc) =	sbr.rel .LBB1_5-.Ltmp4, $4  }
0x56: {  	[tilespmem:s21+$0x2850 ss:$0x81] =	vst.msk $0xffff, v61;
	s26 =	sshrl.u32 s23, $0x3;
	s19 =	sshrl.u32 s19, $0x3;
	s22 =	smul.u32 s24, s22  }
0x57: {  	[tilespmem:s21+$0x3060 ss:$0x81] =	vst.msk $0xffff, v62;
	s20 =	sand.u32 $0x7FC0, s26;
	s19 =	sadd.s32 s19, s27;
	s29 =	sshll.u32 s28, $0x12  }
0x58: {  	[tilespmem:s21+$0x0 ss:$0x81] =	vst.msk $0xffff, v63;
	s19 =	sadd.s32 s20, s19;
	s31 =	sor.u32 $0x80, s29;
	s30 =	sand.u32 $0x3FFFFFE0, s22  }
0x59: {  	[hbm4b:s19+s31] =	stream.strided.scatter [tilespmem:s18], [sflag:$0x2], s30, s7, s31, $0x20;
	[tilespmem:$0x10100] =	vst v63  }
.LBB1_6:
0x5a: {  	_ =	sfence.sel $0x180000  }
0x5b: {  	s2 =	simm.s32 $0x1;
	[bflag:$0x0] =	sbarrier.arrive $0xFFFF  }
0x5c: {  	s31 =	simm.s32 $0x2;
	[sflag:s2] =	ssyncpa.u1 $0x1  }
0x5d: {  	[sflag:s31] =	ssyncpa.u1 $0x1  }
0x5e: {  	p0 =	sne.s32 s1, $0x0;
	_ =	strace $0x9000004D  }
0x5f: {  	s0 =	sadd.s32 @!p0 $0x100000, s0;
	[bflag:$0x2] =	sbarrier.arrive $0xFFFF  }
0x60: {  	[sflag:s0] =	ssyncadd.tile.s32 @!p0 $0x1;
	_ =	shalt  }
.Lfunc_end1:
_tile_overlayer_lowered:
.L_overlay_start_2:
0x61: {  	(tag) =	ssettag $0x2  }
0x62: {  	s0 =	rddreg [dreg:$0x0];
	s2 =	stileid.u32  }
0x63: {  	s1 =	rddreg [dreg:$0x1];
	p0 =	sne.s32 s2, $0x0  }
0x64: {  	s3 =	rddreg [dreg:$0x2];
	[bflag:$0x3] =	sbarrier.arrive $0xFFFF;
	s2 =	simm.s32 @!p0 $0x1C01  }
0x65: {  	[timem:s3], [sflag:s2] =	dma.local @!p0 [hbm:s0], s1  }
0x66: {  	s0 =	simm.s32 @!p0 $0x1  }
0x67: {  	_ =	swait.ge @!p0 [sflag:s0], s1  }
0x68: {  	s1 =	ssub.s32 @!p0 $0x0, s1;
	[sflag:s0] =	ssyncset.done @!p0 $0x0  }
0x69: {  	[sflag:s0] =	ssyncadd.s32 @!p0 s1  }
0x6a: {  	[bflag:$0x3] =	sbarrier.arrive $0xFFFF  }
0x6b: {  	_ =	shalt  }

</sc_bundles>
